<compile_context>
chip_gen: v7x
topology: tpu7x:2x2x1
jax: 0.10.2.dev20260603
libtpu: 0.0.44.dev20260713+nightly
codegen_flags: <defaults>
</compile_context>

<pallas_src>
import functools

import jax
import jax.numpy as jnp
from jax import lax
from jax.experimental import pallas as pl
from jax.experimental.pallas import tpu as pltpu
from jax.experimental.pallas import tpu_sc as plsc

_BATCH = 16384
_DIM = 32
_LANES = 128
_K = 8

_BUILT = {}


def _build():
    if "fn" in _BUILT:
        return _BUILT["fn"]

    info = plsc.get_sparse_core_info()
    nc, ns = info.num_cores, info.num_subcores
    nw = nc * ns
    b_per_w = _BATCH // nw
    n_coh = b_per_w // _K

    mesh = plsc.VectorSubcoreMesh(core_axis_name="c", subcore_axis_name="s")

    @functools.partial(
        pl.kernel,
        mesh=mesh,
        out_type=jax.ShapeDtypeStruct((_DIM, _BATCH), jnp.float32),
        scratch_types=[
            pltpu.VMEM((b_per_w + 16, ), jnp.int32),
            pltpu.VMEM((3, _K, 4, 8, _LANES), jnp.float32),
            pltpu.VMEM((_DIM, b_per_w), jnp.float32),
            pltpu.SemaphoreType.DMA,
            pltpu.SemaphoreType.DMA,
            pltpu.SemaphoreType.DMA,
        ],
        compiler_params=pltpu.CompilerParams(
            use_tc_tiling_on_sc=True, needs_layout_passes=False
        ),
    )
    def gather_kernel(
        idx_hbm, tab4_hbm, out_t_hbm, idx_v, blocks_v, outc_v, sem0, sem1, sem2
    ):
        wid = lax.axis_index("s") * nc + lax.axis_index("c")
        base = pl.multiple_of(wid * b_per_w, b_per_w)
        pltpu.sync_copy(idx_hbm.at[pl.ds(base, b_per_w)], idx_v.at[pl.ds(0, b_per_w)])

        sems = (sem0, sem1, sem2)
        d16 = lax.iota(jnp.int32, 16)
        r_lo, s_lo = d16 >> 3, d16 & 7
        r_hi = (d16 + 16) >> 3

        def fire(g, par):
            vec = idx_v[pl.ds(g * _K, 16)]
            for k in range(_K):
                s = vec[k]
                col = pl.multiple_of((s >> 7) * _LANES, _LANES)
                pltpu.async_copy(
                    tab4_hbm.at[:, :, pl.ds(col, _LANES)],
                    blocks_v.at[par, k],
                    sems[par],
                )

        def drain(par):
            for k in range(_K):
                pltpu.make_async_copy(
                    tab4_hbm.at[:, :, pl.ds(0, _LANES)],
                    blocks_v.at[par, k],
                    sems[par],
                ).wait()

        def process(g, par):
            vec = idx_v[pl.ds(g * _K, 16)]
            lanes = vec & 127
            psp = jnp.full((16,), par, jnp.int32)
            for k in range(_K):
                ksp = jnp.full((16,), k, jnp.int32)
                lsp = jnp.full((16,), lanes[k], jnp.int32)
                jsp = jnp.full((16,), g * _K + k, jnp.int32)
                lo = plsc.load_gather(blocks_v, [psp, ksp, r_lo, s_lo, lsp])
                hi = plsc.load_gather(blocks_v, [psp, ksp, r_hi, s_lo, lsp])
                plsc.store_scatter(outc_v, [d16, jsp], lo)
                plsc.store_scatter(outc_v, [d16 + 16, jsp], hi)

        def step(g, cur):
            @pl.when(g + 2 < n_coh)
            def _():
                fire(g + 2, (cur + 2) % 3)

            drain(cur)
            process(g, cur)

        fire(0, 0)
        fire(1, 1)

        def body(g, _):
            par = lax.rem(g, 3)
            for p in range(3):
                @pl.when(par == p)
                def _(p=p):
                    step(g, p)

            return _

        lax.fori_loop(0, n_coh, body, None)
        pltpu.sync_copy(outc_v, out_t_hbm.at[:, pl.ds(base, b_per_w)])

    def run(input_indices, embedding_matrix):
        tab4 = embedding_matrix.T.reshape(4, 8, embedding_matrix.shape[0])
        out_t = gather_kernel(input_indices, tab4)
        return out_t.T

    _BUILT["fn"] = run
    return run


def kernel(input_indices, embedding_matrix):
    return _build()(input_indices, embedding_matrix)

# --- scband reference (transcript-rebuilt; emitter-appended) ---
"""Pipeline reference for scband-custom-parallel-embedding-52140902973837 (READ-ONLY COPY).

The authoritative reference and input builder live on the scoring server;
editing this copy changes nothing except your own understanding.
"""

import jax, jax.numpy as jnp
import numpy as np

INPUT_SIZE = 1000000
OUTPUT_SIZE = 128
WORLD_SIZE = 4
EMB_PER_RANK = OUTPUT_SIZE // WORLD_SIZE  # 32
BATCH = 16384


def setup_inputs(seed: int = 0) -> dict:
    key = jax.random.key(seed)
    k1, k2 = jax.random.split(key)
    input_indices = jax.random.randint(k1, (BATCH,), 0, INPUT_SIZE, dtype=jnp.int32)
    embedding_matrix = jax.random.normal(k2, (INPUT_SIZE, EMB_PER_RANK), dtype=jnp.float32)
    return {"input_indices": input_indices, "embedding_matrix": embedding_matrix}


def reference(input_indices, embedding_matrix):
    # Single-device simulation of CustomParallelEmbedding (local_rank=0):
    # - broadcast of embedding_matrix is a no-op on one device
    # - all_gather of indices followed by selecting the local shard reduces to
    #   using input_indices directly
    # - core op: index_select (row gather) on the per-rank embedding slice
    local_embeddings = jnp.take(embedding_matrix, input_indices, axis=0)
    return local_embeddings

if __name__ == "__main__":
    import jax
    _d = setup_inputs()
    print(jax.jit(kernel)(*tuple(_d.values())))

</pallas_src>

<mosaic_0001>
#map = affine_map<(d0, d1) -> (0)>
#map1 = affine_map<(d0, d1) -> (0, 0, 0)>
#map2 = affine_map<(d0, d1) -> (0, 0)>
module attributes {stable_mosaic.version = 14 : i64} {
  func.func @gather_kernel(%arg0: i32, %arg1: i32, %arg2: memref<16384xi32, #tpu.memory_space<hbm>>, %arg3: memref<4x8x1000000xf32, #tpu.memory_space<hbm>>, %arg4: memref<32x16384xf32, #tpu.memory_space<hbm>>, %arg5: memref<528xi32, #tpu.memory_space<vmem>>, %arg6: memref<3x8x4x8x128xf32, #tpu.memory_space<vmem>>, %arg7: memref<32x512xf32, #tpu.memory_space<vmem>>, %arg8: memref<!tpu.dma_semaphore, #tpu.memory_space<semaphore_mem>>, %arg9: memref<!tpu.dma_semaphore, #tpu.memory_space<semaphore_mem>>, %arg10: memref<!tpu.dma_semaphore, #tpu.memory_space<semaphore_mem>>) attributes {dimension_semantics = [#tpu.dimension_semantics<core_parallel>, #tpu.dimension_semantics<subcore_parallel>], iteration_bounds = array<i64: 2, 16>, scalar_prefetch = 0 : i64, scratch_operands = 6 : i64, tpu.core_type = #tpu.core_type<sc_vector_subcore>, window_params = [{transform_indices = #map}, {transform_indices = #map1}, {transform_indices = #map2}]} {
    %mul3A = arith.constant 2 : i32
    %mul3A_0 = arith.muli %arg1, %mul3A : i32
    %add3A = arith.addi %mul3A_0, %arg0 : i32
    %mul3A_1 = arith.constant 512 : i32
    %mul3A_2 = arith.muli %add3A, %mul3A_1 : i32
    %multiple_of3A = tpu.assume_multiple %mul3A_2, 512 : i32
    "tpu.region"() ({
      %run_scoped3A = tpu.sem_alloc : memref<!tpu.dma_semaphore, #tpu.memory_space<semaphore_mem>>
      %dma_start3A_417 = arith.constant 0 : i32
      %dma_start3A_418 = tpu.memref_slice %arg5[%dma_start3A_417] : memref<528xi32, #tpu.memory_space<vmem>> -> memref<512xi32, #tpu.memory_space<vmem>>
      %dma_start3A_419 = tpu.memref_slice %arg2[%multiple_of3A] : memref<16384xi32, #tpu.memory_space<hbm>> -> memref<512xi32, #tpu.memory_space<hbm>>
      %dma_start3A_420 = arith.constant 0 : i32
      %dma_start3A_421 = tpu.memref_slice %arg5[%dma_start3A_420] : memref<528xi32, #tpu.memory_space<vmem>> -> memref<512xi32, #tpu.memory_space<vmem>>
      %dma_start3A_422 = tpu.memref_slice %arg2[%multiple_of3A] : memref<16384xi32, #tpu.memory_space<hbm>> -> memref<512xi32, #tpu.memory_space<hbm>>
      tpu.enqueue_dma source(%dma_start3A_422 : memref<512xi32, #tpu.memory_space<hbm>>) target(%dma_start3A_421 : memref<512xi32, #tpu.memory_space<vmem>>) target_semaphore(%run_scoped3A : memref<!tpu.dma_semaphore, #tpu.memory_space<semaphore_mem>>)
      %dma_wait3A = arith.constant 0 : i32
      %dma_wait3A_423 = tpu.memref_slice %arg5[%dma_wait3A] : memref<528xi32, #tpu.memory_space<vmem>> -> memref<512xi32, #tpu.memory_space<vmem>>
      %dma_wait3A_424 = tpu.memref_slice %arg2[%multiple_of3A] : memref<16384xi32, #tpu.memory_space<hbm>> -> memref<512xi32, #tpu.memory_space<hbm>>
      %dma_wait3A_425 = arith.constant 0 : i32
      %dma_wait3A_426 = tpu.memref_slice %arg5[%dma_wait3A_425] : memref<528xi32, #tpu.memory_space<vmem>> -> memref<512xi32, #tpu.memory_space<vmem>>
      %dma_wait3A_427 = tpu.memref_slice %arg2[%multiple_of3A] : memref<16384xi32, #tpu.memory_space<hbm>> -> memref<512xi32, #tpu.memory_space<hbm>>
      tpu.wait_dma2 semaphore(%run_scoped3A : memref<!tpu.dma_semaphore, #tpu.memory_space<semaphore_mem>>) src(%dma_wait3A_427 : memref<512xi32, #tpu.memory_space<hbm>>) dst(%dma_wait3A_426 : memref<512xi32, #tpu.memory_space<vmem>>)
      tpu.yield
    }) : () -> ()
    %iota3A = tpu.iota {dimensions = array<i32: 0>} : vector<16xi32>
    %shift_right_arithmetic3A = arith.constant 3 : i32
    %shift_right_arithmetic3A_3 = vector.broadcast %shift_right_arithmetic3A : i32 to vector<16xi32>
    %shift_right_arithmetic3A_4 = arith.shrsi %iota3A, %shift_right_arithmetic3A_3 : vector<16xi32>
    %and3A = arith.constant 7 : i32
    %and3A_5 = vector.broadcast %and3A : i32 to vector<16xi32>
    %and3A_6 = arith.andi %iota3A, %and3A_5 : vector<16xi32>
    %add3A_7 = arith.constant 16 : i32
    %add3A_8 = vector.broadcast %add3A_7 : i32 to vector<16xi32>
    %add3A_9 = arith.addi %iota3A, %add3A_8 : vector<16xi32>
    %shift_right_arithmetic3A_10 = arith.constant 3 : i32
    %shift_right_arithmetic3A_11 = vector.broadcast %shift_right_arithmetic3A_10 : i32 to vector<16xi32>
    %shift_right_arithmetic3A_12 = arith.shrsi %add3A_9, %shift_right_arithmetic3A_11 : vector<16xi32>
    %get3A = arith.constant 0 : index
    %get3A_13 = tpu.vector_load %arg5[%get3A] {strides = array<i32>} : memref<528xi32, #tpu.memory_space<vmem>>, vector<16xi32>,
    %slice3A = vector.extract_strided_slice %get3A_13 {offsets = [0], sizes = [1], strides = [1]} : vector<16xi32> to vector<1xi32>
    %squeeze3A = vector.extract %slice3A[0] : i32 from vector<1xi32>
    %shift_right_arithmetic3A_14 = arith.constant 7 : i32
    %shift_right_arithmetic3A_15 = arith.shrsi %squeeze3A, %shift_right_arithmetic3A_14 : i32
    %mul3A_16 = arith.constant 128 : i32
    %mul3A_17 = arith.muli %shift_right_arithmetic3A_15, %mul3A_16 : i32
    %multiple_of3A_18 = tpu.assume_multiple %mul3A_17, 128 : i32
    %dma_start3A = arith.constant 0 : i32
    %dma_start3A_19 = arith.constant 0 : i32
    %dma_start3A_20 = arith.constant 0 : i32
    %dma_start3A_21 = arith.constant 0 : i32
    %dma_start3A_22 = arith.constant 0 : i32
    %dma_start3A_23 = tpu.memref_slice %arg6[%dma_start3A, %dma_start3A_19, %dma_start3A_20, %dma_start3A_21, %dma_start3A_22] : memref<3x8x4x8x128xf32, #tpu.memory_space<vmem>> -> memref<1x1x4x8x128xf32, #tpu.memory_space<vmem>>
    %dma_start3A_24 = tpu.memref_squeeze %dma_start3A_23 : memref<1x1x4x8x128xf32, #tpu.memory_space<vmem>> -> memref<4x8x128xf32, #tpu.memory_space<vmem>>
    %dma_start3A_25 = arith.constant 0 : i32
    %dma_start3A_26 = arith.constant 0 : i32
    %dma_start3A_27 = tpu.memref_slice %arg3[%dma_start3A_25, %dma_start3A_26, %multiple_of3A_18] : memref<4x8x1000000xf32, #tpu.memory_space<hbm>> -> memref<4x8x128xf32, #tpu.memory_space<hbm>>
    %dma_start3A_28 = arith.constant 0 : i32
    %dma_start3A_29 = arith.constant 0 : i32
    %dma_start3A_30 = arith.constant 0 : i32
    %dma_start3A_31 = tpu.memref_slice %arg6[%dma_start3A, %dma_start3A_19, %dma_start3A_28, %dma_start3A_29, %dma_start3A_30] : memref<3x8x4x8x128xf32, #tpu.memory_space<vmem>> -> memref<1x1x4x8x128xf32, #tpu.memory_space<vmem>>
    %dma_start3A_32 = tpu.memref_squeeze %dma_start3A_31 : memref<1x1x4x8x128xf32, #tpu.memory_space<vmem>> -> memref<4x8x128xf32, #tpu.memory_space<vmem>>
    %dma_start3A_33 = arith.constant 0 : i32
    %dma_start3A_34 = arith.constant 0 : i32
    %dma_start3A_35 = tpu.memref_slice %arg3[%dma_start3A_33, %dma_start3A_34, %multiple_of3A_18] : memref<4x8x1000000xf32, #tpu.memory_space<hbm>> -> memref<4x8x128xf32, #tpu.memory_space<hbm>>
    tpu.enqueue_dma source(%dma_start3A_35 : memref<4x8x128xf32, #tpu.memory_space<hbm>>) target(%dma_start3A_32 : memref<4x8x128xf32, #tpu.memory_space<vmem>>) target_semaphore(%arg8 : memref<!tpu.dma_semaphore, #tpu.memory_space<semaphore_mem>>)
    %slice3A_36 = vector.extract_strided_slice %get3A_13 {offsets = [1], sizes = [1], strides = [1]} : vector<16xi32> to vector<1xi32>
    %squeeze3A_37 = vector.extract %slice3A_36[0] : i32 from vector<1xi32>
    %shift_right_arithmetic3A_38 = arith.constant 7 : i32
    %shift_right_arithmetic3A_39 = arith.shrsi %squeeze3A_37, %shift_right_arithmetic3A_38 : i32
    %mul3A_40 = arith.constant 128 : i32
    %mul3A_41 = arith.muli %shift_right_arithmetic3A_39, %mul3A_40 : i32
    %multiple_of3A_42 = tpu.assume_multiple %mul3A_41, 128 : i32
    %dma_start3A_43 = arith.constant 0 : i32
    %dma_start3A_44 = arith.constant 1 : i32
    %dma_start3A_45 = arith.constant 0 : i32
    %dma_start3A_46 = arith.constant 0 : i32
    %dma_start3A_47 = arith.constant 0 : i32
    %dma_start3A_48 = tpu.memref_slice %arg6[%dma_start3A_43, %dma_start3A_44, %dma_start3A_45, %dma_start3A_46, %dma_start3A_47] : memref<3x8x4x8x128xf32, #tpu.memory_space<vmem>> -> memref<1x1x4x8x128xf32, #tpu.memory_space<vmem>>
    %dma_start3A_49 = tpu.memref_squeeze %dma_start3A_48 : memref<1x1x4x8x128xf32, #tpu.memory_space<vmem>> -> memref<4x8x128xf32, #tpu.memory_space<vmem>>
    %dma_start3A_50 = arith.constant 0 : i32
    %dma_start3A_51 = arith.constant 0 : i32
    %dma_start3A_52 = tpu.memref_slice %arg3[%dma_start3A_50, %dma_start3A_51, %multiple_of3A_42] : memref<4x8x1000000xf32, #tpu.memory_space<hbm>> -> memref<4x8x128xf32, #tpu.memory_space<hbm>>
    %dma_start3A_53 = arith.constant 0 : i32
    %dma_start3A_54 = arith.constant 0 : i32
    %dma_start3A_55 = arith.constant 0 : i32
    %dma_start3A_56 = tpu.memref_slice %arg6[%dma_start3A_43, %dma_start3A_44, %dma_start3A_53, %dma_start3A_54, %dma_start3A_55] : memref<3x8x4x8x128xf32, #tpu.memory_space<vmem>> -> memref<1x1x4x8x128xf32, #tpu.memory_space<vmem>>
    %dma_start3A_57 = tpu.memref_squeeze %dma_start3A_56 : memref<1x1x4x8x128xf32, #tpu.memory_space<vmem>> -> memref<4x8x128xf32, #tpu.memory_space<vmem>>
    %dma_start3A_58 = arith.constant 0 : i32
    %dma_start3A_59 = arith.constant 0 : i32
    %dma_start3A_60 = tpu.memref_slice %arg3[%dma_start3A_58, %dma_start3A_59, %multiple_of3A_42] : memref<4x8x1000000xf32, #tpu.memory_space<hbm>> -> memref<4x8x128xf32, #tpu.memory_space<hbm>>
    tpu.enqueue_dma source(%dma_start3A_60 : memref<4x8x128xf32, #tpu.memory_space<hbm>>) target(%dma_start3A_57 : memref<4x8x128xf32, #tpu.memory_space<vmem>>) target_semaphore(%arg8 : memref<!tpu.dma_semaphore, #tpu.memory_space<semaphore_mem>>)
    %slice3A_61 = vector.extract_strided_slice %get3A_13 {offsets = [2], sizes = [1], strides = [1]} : vector<16xi32> to vector<1xi32>
    %squeeze3A_62 = vector.extract %slice3A_61[0] : i32 from vector<1xi32>
    %shift_right_arithmetic3A_63 = arith.constant 7 : i32
    %shift_right_arithmetic3A_64 = arith.shrsi %squeeze3A_62, %shift_right_arithmetic3A_63 : i32
    %mul3A_65 = arith.constant 128 : i32
    %mul3A_66 = arith.muli %shift_right_arithmetic3A_64, %mul3A_65 : i32
    %multiple_of3A_67 = tpu.assume_multiple %mul3A_66, 128 : i32
    %dma_start3A_68 = arith.constant 0 : i32
    %dma_start3A_69 = arith.constant 2 : i32
    %dma_start3A_70 = arith.constant 0 : i32
    %dma_start3A_71 = arith.constant 0 : i32
    %dma_start3A_72 = arith.constant 0 : i32
    %dma_start3A_73 = tpu.memref_slice %arg6[%dma_start3A_68, %dma_start3A_69, %dma_start3A_70, %dma_start3A_71, %dma_start3A_72] : memref<3x8x4x8x128xf32, #tpu.memory_space<vmem>> -> memref<1x1x4x8x128xf32, #tpu.memory_space<vmem>>
    %dma_start3A_74 = tpu.memref_squeeze %dma_start3A_73 : memref<1x1x4x8x128xf32, #tpu.memory_space<vmem>> -> memref<4x8x128xf32, #tpu.memory_space<vmem>>
    %dma_start3A_75 = arith.constant 0 : i32
    %dma_start3A_76 = arith.constant 0 : i32
    %dma_start3A_77 = tpu.memref_slice %arg3[%dma_start3A_75, %dma_start3A_76, %multiple_of3A_67] : memref<4x8x1000000xf32, #tpu.memory_space<hbm>> -> memref<4x8x128xf32, #tpu.memory_space<hbm>>
    %dma_start3A_78 = arith.constant 0 : i32
    %dma_start3A_79 = arith.constant 0 : i32
    %dma_start3A_80 = arith.constant 0 : i32
    %dma_start3A_81 = tpu.memref_slice %arg6[%dma_start3A_68, %dma_start3A_69, %dma_start3A_78, %dma_start3A_79, %dma_start3A_80] : memref<3x8x4x8x128xf32, #tpu.memory_space<vmem>> -> memref<1x1x4x8x128xf32, #tpu.memory_space<vmem>>
    %dma_start3A_82 = tpu.memref_squeeze %dma_start3A_81 : memref<1x1x4x8x128xf32, #tpu.memory_space<vmem>> -> memref<4x8x128xf32, #tpu.memory_space<vmem>>
    %dma_start3A_83 = arith.constant 0 : i32
    %dma_start3A_84 = arith.constant 0 : i32
    %dma_start3A_85 = tpu.memref_slice %arg3[%dma_start3A_83, %dma_start3A_84, %multiple_of3A_67] : memref<4x8x1000000xf32, #tpu.memory_space<hbm>> -> memref<4x8x128xf32, #tpu.memory_space<hbm>>
    tpu.enqueue_dma source(%dma_start3A_85 : memref<4x8x128xf32, #tpu.memory_space<hbm>>) target(%dma_start3A_82 : memref<4x8x128xf32, #tpu.memory_space<vmem>>) target_semaphore(%arg8 : memref<!tpu.dma_semaphore, #tpu.memory_space<semaphore_mem>>)
    %slice3A_86 = vector.extract_strided_slice %get3A_13 {offsets = [3], sizes = [1], strides = [1]} : vector<16xi32> to vector<1xi32>
    %squeeze3A_87 = vector.extract %slice3A_86[0] : i32 from vector<1xi32>
    %shift_right_arithmetic3A_88 = arith.constant 7 : i32
    %shift_right_arithmetic3A_89 = arith.shrsi %squeeze3A_87, %shift_right_arithmetic3A_88 : i32
    %mul3A_90 = arith.constant 128 : i32
    %mul3A_91 = arith.muli %shift_right_arithmetic3A_89, %mul3A_90 : i32
    %multiple_of3A_92 = tpu.assume_multiple %mul3A_91, 128 : i32
    %dma_start3A_93 = arith.constant 0 : i32
    %dma_start3A_94 = arith.constant 3 : i32
    %dma_start3A_95 = arith.constant 0 : i32
    %dma_start3A_96 = arith.constant 0 : i32
    %dma_start3A_97 = arith.constant 0 : i32
    %dma_start3A_98 = tpu.memref_slice %arg6[%dma_start3A_93, %dma_start3A_94, %dma_start3A_95, %dma_start3A_96, %dma_start3A_97] : memref<3x8x4x8x128xf32, #tpu.memory_space<vmem>> -> memref<1x1x4x8x128xf32, #tpu.memory_space<vmem>>
    %dma_start3A_99 = tpu.memref_squeeze %dma_start3A_98 : memref<1x1x4x8x128xf32, #tpu.memory_space<vmem>> -> memref<4x8x128xf32, #tpu.memory_space<vmem>>
    %dma_start3A_100 = arith.constant 0 : i32
    %dma_start3A_101 = arith.constant 0 : i32
    %dma_start3A_102 = tpu.memref_slice %arg3[%dma_start3A_100, %dma_start3A_101, %multiple_of3A_92] : memref<4x8x1000000xf32, #tpu.memory_space<hbm>> -> memref<4x8x128xf32, #tpu.memory_space<hbm>>
    %dma_start3A_103 = arith.constant 0 : i32
    %dma_start3A_104 = arith.constant 0 : i32
    %dma_start3A_105 = arith.constant 0 : i32
    %dma_start3A_106 = tpu.memref_slice %arg6[%dma_start3A_93, %dma_start3A_94, %dma_start3A_103, %dma_start3A_104, %dma_start3A_105] : memref<3x8x4x8x128xf32, #tpu.memory_space<vmem>> -> memref<1x1x4x8x128xf32, #tpu.memory_space<vmem>>
    %dma_start3A_107 = tpu.memref_squeeze %dma_start3A_106 : memref<1x1x4x8x128xf32, #tpu.memory_space<vmem>> -> memref<4x8x128xf32, #tpu.memory_space<vmem>>
    %dma_start3A_108 = arith.constant 0 : i32
    %dma_start3A_109 = arith.constant 0 : i32
    %dma_start3A_110 = tpu.memref_slice %arg3[%dma_start3A_108, %dma_start3A_109, %multiple_of3A_92] : memref<4x8x1000000xf32, #tpu.memory_space<hbm>> -> memref<4x8x128xf32, #tpu.memory_space<hbm>>
    tpu.enqueue_dma source(%dma_start3A_110 : memref<4x8x128xf32, #tpu.memory_space<hbm>>) target(%dma_start3A_107 : memref<4x8x128xf32, #tpu.memory_space<vmem>>) target_semaphore(%arg8 : memref<!tpu.dma_semaphore, #tpu.memory_space<semaphore_mem>>)
    %slice3A_111 = vector.extract_strided_slice %get3A_13 {offsets = [4], sizes = [1], strides = [1]} : vector<16xi32> to vector<1xi32>
    %squeeze3A_112 = vector.extract %slice3A_111[0] : i32 from vector<1xi32>
    %shift_right_arithmetic3A_113 = arith.constant 7 : i32
    %shift_right_arithmetic3A_114 = arith.shrsi %squeeze3A_112, %shift_right_arithmetic3A_113 : i32
    %mul3A_115 = arith.constant 128 : i32
    %mul3A_116 = arith.muli %shift_right_arithmetic3A_114, %mul3A_115 : i32
    %multiple_of3A_117 = tpu.assume_multiple %mul3A_116, 128 : i32
    %dma_start3A_118 = arith.constant 0 : i32
    %dma_start3A_119 = arith.constant 4 : i32
    %dma_start3A_120 = arith.constant 0 : i32
    %dma_start3A_121 = arith.constant 0 : i32
    %dma_start3A_122 = arith.constant 0 : i32
    %dma_start3A_123 = tpu.memref_slice %arg6[%dma_start3A_118, %dma_start3A_119, %dma_start3A_120, %dma_start3A_121, %dma_start3A_122] : memref<3x8x4x8x128xf32, #tpu.memory_space<vmem>> -> memref<1x1x4x8x128xf32, #tpu.memory_space<vmem>>
    %dma_start3A_124 = tpu.memref_squeeze %dma_start3A_123 : memref<1x1x4x8x128xf32, #tpu.memory_space<vmem>> -> memref<4x8x128xf32, #tpu.memory_space<vmem>>
    %dma_start3A_125 = arith.constant 0 : i32
    %dma_start3A_126 = arith.constant 0 : i32
    %dma_start3A_127 = tpu.memref_slice %arg3[%dma_start3A_125, %dma_start3A_126, %multiple_of3A_117] : memref<4x8x1000000xf32, #tpu.memory_space<hbm>> -> memref<4x8x128xf32, #tpu.memory_space<hbm>>
    %dma_start3A_128 = arith.constant 0 : i32
    %dma_start3A_129 = arith.constant 0 : i32
    %dma_start3A_130 = arith.constant 0 : i32
    %dma_start3A_131 = tpu.memref_slice %arg6[%dma_start3A_118, %dma_start3A_119, %dma_start3A_128, %dma_start3A_129, %dma_start3A_130] : memref<3x8x4x8x128xf32, #tpu.memory_space<vmem>> -> memref<1x1x4x8x128xf32, #tpu.memory_space<vmem>>
    %dma_start3A_132 = tpu.memref_squeeze %dma_start3A_131 : memref<1x1x4x8x128xf32, #tpu.memory_space<vmem>> -> memref<4x8x128xf32, #tpu.memory_space<vmem>>
    %dma_start3A_133 = arith.constant 0 : i32
    %dma_start3A_134 = arith.constant 0 : i32
    %dma_start3A_135 = tpu.memref_slice %arg3[%dma_start3A_133, %dma_start3A_134, %multiple_of3A_117] : memref<4x8x1000000xf32, #tpu.memory_space<hbm>> -> memref<4x8x128xf32, #tpu.memory_space<hbm>>
    tpu.enqueue_dma source(%dma_start3A_135 : memref<4x8x128xf32, #tpu.memory_space<hbm>>) target(%dma_start3A_132 : memref<4x8x128xf32, #tpu.memory_space<vmem>>) target_semaphore(%arg8 : memref<!tpu.dma_semaphore, #tpu.memory_space<semaphore_mem>>)
    %slice3A_136 = vector.extract_strided_slice %get3A_13 {offsets = [5], sizes = [1], strides = [1]} : vector<16xi32> to vector<1xi32>
    %squeeze3A_137 = vector.extract %slice3A_136[0] : i32 from vector<1xi32>
    %shift_right_arithmetic3A_138 = arith.constant 7 : i32
    %shift_right_arithmetic3A_139 = arith.shrsi %squeeze3A_137, %shift_right_arithmetic3A_138 : i32
    %mul3A_140 = arith.constant 128 : i32
    %mul3A_141 = arith.muli %shift_right_arithmetic3A_139, %mul3A_140 : i32
    %multiple_of3A_142 = tpu.assume_multiple %mul3A_141, 128 : i32
    %dma_start3A_143 = arith.constant 0 : i32
    %dma_start3A_144 = arith.constant 5 : i32
    %dma_start3A_145 = arith.constant 0 : i32
    %dma_start3A_146 = arith.constant 0 : i32
    %dma_start3A_147 = arith.constant 0 : i32
    %dma_start3A_148 = tpu.memref_slice %arg6[%dma_start3A_143, %dma_start3A_144, %dma_start3A_145, %dma_start3A_146, %dma_start3A_147] : memref<3x8x4x8x128xf32, #tpu.memory_space<vmem>> -> memref<1x1x4x8x128xf32, #tpu.memory_space<vmem>>
    %dma_start3A_149 = tpu.memref_squeeze %dma_start3A_148 : memref<1x1x4x8x128xf32, #tpu.memory_space<vmem>> -> memref<4x8x128xf32, #tpu.memory_space<vmem>>
    %dma_start3A_150 = arith.constant 0 : i32
    %dma_start3A_151 = arith.constant 0 : i32
    %dma_start3A_152 = tpu.memref_slice %arg3[%dma_start3A_150, %dma_start3A_151, %multiple_of3A_142] : memref<4x8x1000000xf32, #tpu.memory_space<hbm>> -> memref<4x8x128xf32, #tpu.memory_space<hbm>>
    %dma_start3A_153 = arith.constant 0 : i32
    %dma_start3A_154 = arith.constant 0 : i32
    %dma_start3A_155 = arith.constant 0 : i32
    %dma_start3A_156 = tpu.memref_slice %arg6[%dma_start3A_143, %dma_start3A_144, %dma_start3A_153, %dma_start3A_154, %dma_start3A_155] : memref<3x8x4x8x128xf32, #tpu.memory_space<vmem>> -> memref<1x1x4x8x128xf32, #tpu.memory_space<vmem>>
    %dma_start3A_157 = tpu.memref_squeeze %dma_start3A_156 : memref<1x1x4x8x128xf32, #tpu.memory_space<vmem>> -> memref<4x8x128xf32, #tpu.memory_space<vmem>>
    %dma_start3A_158 = arith.constant 0 : i32
    %dma_start3A_159 = arith.constant 0 : i32
    %dma_start3A_160 = tpu.memref_slice %arg3[%dma_start3A_158, %dma_start3A_159, %multiple_of3A_142] : memref<4x8x1000000xf32, #tpu.memory_space<hbm>> -> memref<4x8x128xf32, #tpu.memory_space<hbm>>
    tpu.enqueue_dma source(%dma_start3A_160 : memref<4x8x128xf32, #tpu.memory_space<hbm>>) target(%dma_start3A_157 : memref<4x8x128xf32, #tpu.memory_space<vmem>>) target_semaphore(%arg8 : memref<!tpu.dma_semaphore, #tpu.memory_space<semaphore_mem>>)
    %slice3A_161 = vector.extract_strided_slice %get3A_13 {offsets = [6], sizes = [1], strides = [1]} : vector<16xi32> to vector<1xi32>
    %squeeze3A_162 = vector.extract %slice3A_161[0] : i32 from vector<1xi32>
    %shift_right_arithmetic3A_163 = arith.constant 7 : i32
    %shift_right_arithmetic3A_164 = arith.shrsi %squeeze3A_162, %shift_right_arithmetic3A_163 : i32
    %mul3A_165 = arith.constant 128 : i32
    %mul3A_166 = arith.muli %shift_right_arithmetic3A_164, %mul3A_165 : i32
    %multiple_of3A_167 = tpu.assume_multiple %mul3A_166, 128 : i32
    %dma_start3A_168 = arith.constant 0 : i32
    %dma_start3A_169 = arith.constant 6 : i32
    %dma_start3A_170 = arith.constant 0 : i32
    %dma_start3A_171 = arith.constant 0 : i32
    %dma_start3A_172 = arith.constant 0 : i32
    %dma_start3A_173 = tpu.memref_slice %arg6[%dma_start3A_168, %dma_start3A_169, %dma_start3A_170, %dma_start3A_171, %dma_start3A_172] : memref<3x8x4x8x128xf32, #tpu.memory_space<vmem>> -> memref<1x1x4x8x128xf32, #tpu.memory_space<vmem>>
    %dma_start3A_174 = tpu.memref_squeeze %dma_start3A_173 : memref<1x1x4x8x128xf32, #tpu.memory_space<vmem>> -> memref<4x8x128xf32, #tpu.memory_space<vmem>>
    %dma_start3A_175 = arith.constant 0 : i32
    %dma_start3A_176 = arith.constant 0 : i32
    %dma_start3A_177 = tpu.memref_slice %arg3[%dma_start3A_175, %dma_start3A_176, %multiple_of3A_167] : memref<4x8x1000000xf32, #tpu.memory_space<hbm>> -> memref<4x8x128xf32, #tpu.memory_space<hbm>>
    %dma_start3A_178 = arith.constant 0 : i32
    %dma_start3A_179 = arith.constant 0 : i32
    %dma_start3A_180 = arith.constant 0 : i32
    %dma_start3A_181 = tpu.memref_slice %arg6[%dma_start3A_168, %dma_start3A_169, %dma_start3A_178, %dma_start3A_179, %dma_start3A_180] : memref<3x8x4x8x128xf32, #tpu.memory_space<vmem>> -> memref<1x1x4x8x128xf32, #tpu.memory_space<vmem>>
    %dma_start3A_182 = tpu.memref_squeeze %dma_start3A_181 : memref<1x1x4x8x128xf32, #tpu.memory_space<vmem>> -> memref<4x8x128xf32, #tpu.memory_space<vmem>>
    %dma_start3A_183 = arith.constant 0 : i32
    %dma_start3A_184 = arith.constant 0 : i32
    %dma_start3A_185 = tpu.memref_slice %arg3[%dma_start3A_183, %dma_start3A_184, %multiple_of3A_167] : memref<4x8x1000000xf32, #tpu.memory_space<hbm>> -> memref<4x8x128xf32, #tpu.memory_space<hbm>>
    tpu.enqueue_dma source(%dma_start3A_185 : memref<4x8x128xf32, #tpu.memory_space<hbm>>) target(%dma_start3A_182 : memref<4x8x128xf32, #tpu.memory_space<vmem>>) target_semaphore(%arg8 : memref<!tpu.dma_semaphore, #tpu.memory_space<semaphore_mem>>)
    %slice3A_186 = vector.extract_strided_slice %get3A_13 {offsets = [7], sizes = [1], strides = [1]} : vector<16xi32> to vector<1xi32>
    %squeeze3A_187 = vector.extract %slice3A_186[0] : i32 from vector<1xi32>
    %shift_right_arithmetic3A_188 = arith.constant 7 : i32
    %shift_right_arithmetic3A_189 = arith.shrsi %squeeze3A_187, %shift_right_arithmetic3A_188 : i32
    %mul3A_190 = arith.constant 128 : i32
    %mul3A_191 = arith.muli %shift_right_arithmetic3A_189, %mul3A_190 : i32
    %multiple_of3A_192 = tpu.assume_multiple %mul3A_191, 128 : i32
    %dma_start3A_193 = arith.constant 0 : i32
    %dma_start3A_194 = arith.constant 7 : i32
    %dma_start3A_195 = arith.constant 0 : i32
    %dma_start3A_196 = arith.constant 0 : i32
    %dma_start3A_197 = arith.constant 0 : i32
    %dma_start3A_198 = tpu.memref_slice %arg6[%dma_start3A_193, %dma_start3A_194, %dma_start3A_195, %dma_start3A_196, %dma_start3A_197] : memref<3x8x4x8x128xf32, #tpu.memory_space<vmem>> -> memref<1x1x4x8x128xf32, #tpu.memory_space<vmem>>
    %dma_start3A_199 = tpu.memref_squeeze %dma_start3A_198 : memref<1x1x4x8x128xf32, #tpu.memory_space<vmem>> -> memref<4x8x128xf32, #tpu.memory_space<vmem>>
    %dma_start3A_200 = arith.constant 0 : i32
    %dma_start3A_201 = arith.constant 0 : i32
    %dma_start3A_202 = tpu.memref_slice %arg3[%dma_start3A_200, %dma_start3A_201, %multiple_of3A_192] : memref<4x8x1000000xf32, #tpu.memory_space<hbm>> -> memref<4x8x128xf32, #tpu.memory_space<hbm>>
    %dma_start3A_203 = arith.constant 0 : i32
    %dma_start3A_204 = arith.constant 0 : i32
    %dma_start3A_205 = arith.constant 0 : i32
    %dma_start3A_206 = tpu.memref_slice %arg6[%dma_start3A_193, %dma_start3A_194, %dma_start3A_203, %dma_start3A_204, %dma_start3A_205] : memref<3x8x4x8x128xf32, #tpu.memory_space<vmem>> -> memref<1x1x4x8x128xf32, #tpu.memory_space<vmem>>
    %dma_start3A_207 = tpu.memref_squeeze %dma_start3A_206 : memref<1x1x4x8x128xf32, #tpu.memory_space<vmem>> -> memref<4x8x128xf32, #tpu.memory_space<vmem>>
    %dma_start3A_208 = arith.constant 0 : i32
    %dma_start3A_209 = arith.constant 0 : i32
    %dma_start3A_210 = tpu.memref_slice %arg3[%dma_start3A_208, %dma_start3A_209, %multiple_of3A_192] : memref<4x8x1000000xf32, #tpu.memory_space<hbm>> -> memref<4x8x128xf32, #tpu.memory_space<hbm>>
    tpu.enqueue_dma source(%dma_start3A_210 : memref<4x8x128xf32, #tpu.memory_space<hbm>>) target(%dma_start3A_207 : memref<4x8x128xf32, #tpu.memory_space<vmem>>) target_semaphore(%arg8 : memref<!tpu.dma_semaphore, #tpu.memory_space<semaphore_mem>>)
    %get3A_211 = arith.constant 8 : index
    %get3A_212 = tpu.vector_load %arg5[%get3A_211] {strides = array<i32>} : memref<528xi32, #tpu.memory_space<vmem>>, vector<16xi32>,
    %slice3A_213 = vector.extract_strided_slice %get3A_212 {offsets = [0], sizes = [1], strides = [1]} : vector<16xi32> to vector<1xi32>
    %squeeze3A_214 = vector.extract %slice3A_213[0] : i32 from vector<1xi32>
    %shift_right_arithmetic3A_215 = arith.constant 7 : i32
    %shift_right_arithmetic3A_216 = arith.shrsi %squeeze3A_214, %shift_right_arithmetic3A_215 : i32
    %mul3A_217 = arith.constant 128 : i32
    %mul3A_218 = arith.muli %shift_right_arithmetic3A_216, %mul3A_217 : i32
    %multiple_of3A_219 = tpu.assume_multiple %mul3A_218, 128 : i32
    %dma_start3A_220 = arith.constant 1 : i32
    %dma_start3A_221 = arith.constant 0 : i32
    %dma_start3A_222 = arith.constant 0 : i32
    %dma_start3A_223 = arith.constant 0 : i32
    %dma_start3A_224 = arith.constant 0 : i32
    %dma_start3A_225 = tpu.memref_slice %arg6[%dma_start3A_220, %dma_start3A_221, %dma_start3A_222, %dma_start3A_223, %dma_start3A_224] : memref<3x8x4x8x128xf32, #tpu.memory_space<vmem>> -> memref<1x1x4x8x128xf32, #tpu.memory_space<vmem>>
    %dma_start3A_226 = tpu.memref_squeeze %dma_start3A_225 : memref<1x1x4x8x128xf32, #tpu.memory_space<vmem>> -> memref<4x8x128xf32, #tpu.memory_space<vmem>>
    %dma_start3A_227 = arith.constant 0 : i32
    %dma_start3A_228 = arith.constant 0 : i32
    %dma_start3A_229 = tpu.memref_slice %arg3[%dma_start3A_227, %dma_start3A_228, %multiple_of3A_219] : memref<4x8x1000000xf32, #tpu.memory_space<hbm>> -> memref<4x8x128xf32, #tpu.memory_space<hbm>>
    %dma_start3A_230 = arith.constant 0 : i32
    %dma_start3A_231 = arith.constant 0 : i32
    %dma_start3A_232 = arith.constant 0 : i32
    %dma_start3A_233 = tpu.memref_slice %arg6[%dma_start3A_220, %dma_start3A_221, %dma_start3A_230, %dma_start3A_231, %dma_start3A_232] : memref<3x8x4x8x128xf32, #tpu.memory_space<vmem>> -> memref<1x1x4x8x128xf32, #tpu.memory_space<vmem>>
    %dma_start3A_234 = tpu.memref_squeeze %dma_start3A_233 : memref<1x1x4x8x128xf32, #tpu.memory_space<vmem>> -> memref<4x8x128xf32, #tpu.memory_space<vmem>>
    %dma_start3A_235 = arith.constant 0 : i32
    %dma_start3A_236 = arith.constant 0 : i32
    %dma_start3A_237 = tpu.memref_slice %arg3[%dma_start3A_235, %dma_start3A_236, %multiple_of3A_219] : memref<4x8x1000000xf32, #tpu.memory_space<hbm>> -> memref<4x8x128xf32, #tpu.memory_space<hbm>>
    tpu.enqueue_dma source(%dma_start3A_237 : memref<4x8x128xf32, #tpu.memory_space<hbm>>) target(%dma_start3A_234 : memref<4x8x128xf32, #tpu.memory_space<vmem>>) target_semaphore(%arg9 : memref<!tpu.dma_semaphore, #tpu.memory_space<semaphore_mem>>)
    %slice3A_238 = vector.extract_strided_slice %get3A_212 {offsets = [1], sizes = [1], strides = [1]} : vector<16xi32> to vector<1xi32>
    %squeeze3A_239 = vector.extract %slice3A_238[0] : i32 from vector<1xi32>
    %shift_right_arithmetic3A_240 = arith.constant 7 : i32
    %shift_right_arithmetic3A_241 = arith.shrsi %squeeze3A_239, %shift_right_arithmetic3A_240 : i32
    %mul3A_242 = arith.constant 128 : i32
    %mul3A_243 = arith.muli %shift_right_arithmetic3A_241, %mul3A_242 : i32
    %multiple_of3A_244 = tpu.assume_multiple %mul3A_243, 128 : i32
    %dma_start3A_245 = arith.constant 1 : i32
    %dma_start3A_246 = arith.constant 1 : i32
    %dma_start3A_247 = arith.constant 0 : i32
    %dma_start3A_248 = arith.constant 0 : i32
    %dma_start3A_249 = arith.constant 0 : i32
    %dma_start3A_250 = tpu.memref_slice %arg6[%dma_start3A_245, %dma_start3A_246, %dma_start3A_247, %dma_start3A_248, %dma_start3A_249] : memref<3x8x4x8x128xf32, #tpu.memory_space<vmem>> -> memref<1x1x4x8x128xf32, #tpu.memory_space<vmem>>
    %dma_start3A_251 = tpu.memref_squeeze %dma_start3A_250 : memref<1x1x4x8x128xf32, #tpu.memory_space<vmem>> -> memref<4x8x128xf32, #tpu.memory_space<vmem>>
    %dma_start3A_252 = arith.constant 0 : i32
    %dma_start3A_253 = arith.constant 0 : i32
    %dma_start3A_254 = tpu.memref_slice %arg3[%dma_start3A_252, %dma_start3A_253, %multiple_of3A_244] : memref<4x8x1000000xf32, #tpu.memory_space<hbm>> -> memref<4x8x128xf32, #tpu.memory_space<hbm>>
    %dma_start3A_255 = arith.constant 0 : i32
    %dma_start3A_256 = arith.constant 0 : i32
    %dma_start3A_257 = arith.constant 0 : i32
    %dma_start3A_258 = tpu.memref_slice %arg6[%dma_start3A_245, %dma_start3A_246, %dma_start3A_255, %dma_start3A_256, %dma_start3A_257] : memref<3x8x4x8x128xf32, #tpu.memory_space<vmem>> -> memref<1x1x4x8x128xf32, #tpu.memory_space<vmem>>
    %dma_start3A_259 = tpu.memref_squeeze %dma_start3A_258 : memref<1x1x4x8x128xf32, #tpu.memory_space<vmem>> -> memref<4x8x128xf32, #tpu.memory_space<vmem>>
    %dma_start3A_260 = arith.constant 0 : i32
    %dma_start3A_261 = arith.constant 0 : i32
    %dma_start3A_262 = tpu.memref_slice %arg3[%dma_start3A_260, %dma_start3A_261, %multiple_of3A_244] : memref<4x8x1000000xf32, #tpu.memory_space<hbm>> -> memref<4x8x128xf32, #tpu.memory_space<hbm>>
    tpu.enqueue_dma source(%dma_start3A_262 : memref<4x8x128xf32, #tpu.memory_space<hbm>>) target(%dma_start3A_259 : memref<4x8x128xf32, #tpu.memory_space<vmem>>) target_semaphore(%arg9 : memref<!tpu.dma_semaphore, #tpu.memory_space<semaphore_mem>>)
    %slice3A_263 = vector.extract_strided_slice %get3A_212 {offsets = [2], sizes = [1], strides = [1]} : vector<16xi32> to vector<1xi32>
    %squeeze3A_264 = vector.extract %slice3A_263[0] : i32 from vector<1xi32>
    %shift_right_arithmetic3A_265 = arith.constant 7 : i32
    %shift_right_arithmetic3A_266 = arith.shrsi %squeeze3A_264, %shift_right_arithmetic3A_265 : i32
    %mul3A_267 = arith.constant 128 : i32
    %mul3A_268 = arith.muli %shift_right_arithmetic3A_266, %mul3A_267 : i32
    %multiple_of3A_269 = tpu.assume_multiple %mul3A_268, 128 : i32
    %dma_start3A_270 = arith.constant 1 : i32
    %dma_start3A_271 = arith.constant 2 : i32
    %dma_start3A_272 = arith.constant 0 : i32
    %dma_start3A_273 = arith.constant 0 : i32
    %dma_start3A_274 = arith.constant 0 : i32
    %dma_start3A_275 = tpu.memref_slice %arg6[%dma_start3A_270, %dma_start3A_271, %dma_start3A_272, %dma_start3A_273, %dma_start3A_274] : memref<3x8x4x8x128xf32, #tpu.memory_space<vmem>> -> memref<1x1x4x8x128xf32, #tpu.memory_space<vmem>>
    %dma_start3A_276 = tpu.memref_squeeze %dma_start3A_275 : memref<1x1x4x8x128xf32, #tpu.memory_space<vmem>> -> memref<4x8x128xf32, #tpu.memory_space<vmem>>
    %dma_start3A_277 = arith.constant 0 : i32
    %dma_start3A_278 = arith.constant 0 : i32
    %dma_start3A_279 = tpu.memref_slice %arg3[%dma_start3A_277, %dma_start3A_278, %multiple_of3A_269] : memref<4x8x1000000xf32, #tpu.memory_space<hbm>> -> memref<4x8x128xf32, #tpu.memory_space<hbm>>
    %dma_start3A_280 = arith.constant 0 : i32
    %dma_start3A_281 = arith.constant 0 : i32
    %dma_start3A_282 = arith.constant 0 : i32
    %dma_start3A_283 = tpu.memref_slice %arg6[%dma_start3A_270, %dma_start3A_271, %dma_start3A_280, %dma_start3A_281, %dma_start3A_282] : memref<3x8x4x8x128xf32, #tpu.memory_space<vmem>> -> memref<1x1x4x8x128xf32, #tpu.memory_space<vmem>>
    %dma_start3A_284 = tpu.memref_squeeze %dma_start3A_283 : memref<1x1x4x8x128xf32, #tpu.memory_space<vmem>> -> memref<4x8x128xf32, #tpu.memory_space<vmem>>
    %dma_start3A_285 = arith.constant 0 : i32
    %dma_start3A_286 = arith.constant 0 : i32
    %dma_start3A_287 = tpu.memref_slice %arg3[%dma_start3A_285, %dma_start3A_286, %multiple_of3A_269] : memref<4x8x1000000xf32, #tpu.memory_space<hbm>> -> memref<4x8x128xf32, #tpu.memory_space<hbm>>
    tpu.enqueue_dma source(%dma_start3A_287 : memref<4x8x128xf32, #tpu.memory_space<hbm>>) target(%dma_start3A_284 : memref<4x8x128xf32, #tpu.memory_space<vmem>>) target_semaphore(%arg9 : memref<!tpu.dma_semaphore, #tpu.memory_space<semaphore_mem>>)
    %slice3A_288 = vector.extract_strided_slice %get3A_212 {offsets = [3], sizes = [1], strides = [1]} : vector<16xi32> to vector<1xi32>
    %squeeze3A_289 = vector.extract %slice3A_288[0] : i32 from vector<1xi32>
    %shift_right_arithmetic3A_290 = arith.constant 7 : i32
    %shift_right_arithmetic3A_291 = arith.shrsi %squeeze3A_289, %shift_right_arithmetic3A_290 : i32
    %mul3A_292 = arith.constant 128 : i32
    %mul3A_293 = arith.muli %shift_right_arithmetic3A_291, %mul3A_292 : i32
    %multiple_of3A_294 = tpu.assume_multiple %mul3A_293, 128 : i32
    %dma_start3A_295 = arith.constant 1 : i32
    %dma_start3A_296 = arith.constant 3 : i32
    %dma_start3A_297 = arith.constant 0 : i32
    %dma_start3A_298 = arith.constant 0 : i32
    %dma_start3A_299 = arith.constant 0 : i32
    %dma_start3A_300 = tpu.memref_slice %arg6[%dma_start3A_295, %dma_start3A_296, %dma_start3A_297, %dma_start3A_298, %dma_start3A_299] : memref<3x8x4x8x128xf32, #tpu.memory_space<vmem>> -> memref<1x1x4x8x128xf32, #tpu.memory_space<vmem>>
    %dma_start3A_301 = tpu.memref_squeeze %dma_start3A_300 : memref<1x1x4x8x128xf32, #tpu.memory_space<vmem>> -> memref<4x8x128xf32, #tpu.memory_space<vmem>>
    %dma_start3A_302 = arith.constant 0 : i32
    %dma_start3A_303 = arith.constant 0 : i32
    %dma_start3A_304 = tpu.memref_slice %arg3[%dma_start3A_302, %dma_start3A_303, %multiple_of3A_294] : memref<4x8x1000000xf32, #tpu.memory_space<hbm>> -> memref<4x8x128xf32, #tpu.memory_space<hbm>>
    %dma_start3A_305 = arith.constant 0 : i32
    %dma_start3A_306 = arith.constant 0 : i32
    %dma_start3A_307 = arith.constant 0 : i32
    %dma_start3A_308 = tpu.memref_slice %arg6[%dma_start3A_295, %dma_start3A_296, %dma_start3A_305, %dma_start3A_306, %dma_start3A_307] : memref<3x8x4x8x128xf32, #tpu.memory_space<vmem>> -> memref<1x1x4x8x128xf32, #tpu.memory_space<vmem>>
    %dma_start3A_309 = tpu.memref_squeeze %dma_start3A_308 : memref<1x1x4x8x128xf32, #tpu.memory_space<vmem>> -> memref<4x8x128xf32, #tpu.memory_space<vmem>>
    %dma_start3A_310 = arith.constant 0 : i32
    %dma_start3A_311 = arith.constant 0 : i32
    %dma_start3A_312 = tpu.memref_slice %arg3[%dma_start3A_310, %dma_start3A_311, %multiple_of3A_294] : memref<4x8x1000000xf32, #tpu.memory_space<hbm>> -> memref<4x8x128xf32, #tpu.memory_space<hbm>>
    tpu.enqueue_dma source(%dma_start3A_312 : memref<4x8x128xf32, #tpu.memory_space<hbm>>) target(%dma_start3A_309 : memref<4x8x128xf32, #tpu.memory_space<vmem>>) target_semaphore(%arg9 : memref<!tpu.dma_semaphore, #tpu.memory_space<semaphore_mem>>)
    %slice3A_313 = vector.extract_strided_slice %get3A_212 {offsets = [4], sizes = [1], strides = [1]} : vector<16xi32> to vector<1xi32>
    %squeeze3A_314 = vector.extract %slice3A_313[0] : i32 from vector<1xi32>
    %shift_right_arithmetic3A_315 = arith.constant 7 : i32
    %shift_right_arithmetic3A_316 = arith.shrsi %squeeze3A_314, %shift_right_arithmetic3A_315 : i32
    %mul3A_317 = arith.constant 128 : i32
    %mul3A_318 = arith.muli %shift_right_arithmetic3A_316, %mul3A_317 : i32
    %multiple_of3A_319 = tpu.assume_multiple %mul3A_318, 128 : i32
    %dma_start3A_320 = arith.constant 1 : i32
    %dma_start3A_321 = arith.constant 4 : i32
    %dma_start3A_322 = arith.constant 0 : i32
    %dma_start3A_323 = arith.constant 0 : i32
    %dma_start3A_324 = arith.constant 0 : i32
    %dma_start3A_325 = tpu.memref_slice %arg6[%dma_start3A_320, %dma_start3A_321, %dma_start3A_322, %dma_start3A_323, %dma_start3A_324] : memref<3x8x4x8x128xf32, #tpu.memory_space<vmem>> -> memref<1x1x4x8x128xf32, #tpu.memory_space<vmem>>
    %dma_start3A_326 = tpu.memref_squeeze %dma_start3A_325 : memref<1x1x4x8x128xf32, #tpu.memory_space<vmem>> -> memref<4x8x128xf32, #tpu.memory_space<vmem>>
    %dma_start3A_327 = arith.constant 0 : i32
    %dma_start3A_328 = arith.constant 0 : i32
    %dma_start3A_329 = tpu.memref_slice %arg3[%dma_start3A_327, %dma_start3A_328, %multiple_of3A_319] : memref<4x8x1000000xf32, #tpu.memory_space<hbm>> -> memref<4x8x128xf32, #tpu.memory_space<hbm>>
    %dma_start3A_330 = arith.constant 0 : i32
    %dma_start3A_331 = arith.constant 0 : i32
    %dma_start3A_332 = arith.constant 0 : i32
    %dma_start3A_333 = tpu.memref_slice %arg6[%dma_start3A_320, %dma_start3A_321, %dma_start3A_330, %dma_start3A_331, %dma_start3A_332] : memref<3x8x4x8x128xf32, #tpu.memory_space<vmem>> -> memref<1x1x4x8x128xf32, #tpu.memory_space<vmem>>
    %dma_start3A_334 = tpu.memref_squeeze %dma_start3A_333 : memref<1x1x4x8x128xf32, #tpu.memory_space<vmem>> -> memref<4x8x128xf32, #tpu.memory_space<vmem>>
    %dma_start3A_335 = arith.constant 0 : i32
    %dma_start3A_336 = arith.constant 0 : i32
    %dma_start3A_337 = tpu.memref_slice %arg3[%dma_start3A_335, %dma_start3A_336, %multiple_of3A_319] : memref<4x8x1000000xf32, #tpu.memory_space<hbm>> -> memref<4x8x128xf32, #tpu.memory_space<hbm>>
    tpu.enqueue_dma source(%dma_start3A_337 : memref<4x8x128xf32, #tpu.memory_space<hbm>>) target(%dma_start3A_334 : memref<4x8x128xf32, #tpu.memory_space<vmem>>) target_semaphore(%arg9 : memref<!tpu.dma_semaphore, #tpu.memory_space<semaphore_mem>>)
    %slice3A_338 = vector.extract_strided_slice %get3A_212 {offsets = [5], sizes = [1], strides = [1]} : vector<16xi32> to vector<1xi32>
    %squeeze3A_339 = vector.extract %slice3A_338[0] : i32 from vector<1xi32>
    %shift_right_arithmetic3A_340 = arith.constant 7 : i32
    %shift_right_arithmetic3A_341 = arith.shrsi %squeeze3A_339, %shift_right_arithmetic3A_340 : i32
    %mul3A_342 = arith.constant 128 : i32
    %mul3A_343 = arith.muli %shift_right_arithmetic3A_341, %mul3A_342 : i32
    %multiple_of3A_344 = tpu.assume_multiple %mul3A_343, 128 : i32
    %dma_start3A_345 = arith.constant 1 : i32
    %dma_start3A_346 = arith.constant 5 : i32
    %dma_start3A_347 = arith.constant 0 : i32
    %dma_start3A_348 = arith.constant 0 : i32
    %dma_start3A_349 = arith.constant 0 : i32
    %dma_start3A_350 = tpu.memref_slice %arg6[%dma_start3A_345, %dma_start3A_346, %dma_start3A_347, %dma_start3A_348, %dma_start3A_349] : memref<3x8x4x8x128xf32, #tpu.memory_space<vmem>> -> memref<1x1x4x8x128xf32, #tpu.memory_space<vmem>>
    %dma_start3A_351 = tpu.memref_squeeze %dma_start3A_350 : memref<1x1x4x8x128xf32, #tpu.memory_space<vmem>> -> memref<4x8x128xf32, #tpu.memory_space<vmem>>
    %dma_start3A_352 = arith.constant 0 : i32
    %dma_start3A_353 = arith.constant 0 : i32
    %dma_start3A_354 = tpu.memref_slice %arg3[%dma_start3A_352, %dma_start3A_353, %multiple_of3A_344] : memref<4x8x1000000xf32, #tpu.memory_space<hbm>> -> memref<4x8x128xf32, #tpu.memory_space<hbm>>
    %dma_start3A_355 = arith.constant 0 : i32
    %dma_start3A_356 = arith.constant 0 : i32
    %dma_start3A_357 = arith.constant 0 : i32
    %dma_start3A_358 = tpu.memref_slice %arg6[%dma_start3A_345, %dma_start3A_346, %dma_start3A_355, %dma_start3A_356, %dma_start3A_357] : memref<3x8x4x8x128xf32, #tpu.memory_space<vmem>> -> memref<1x1x4x8x128xf32, #tpu.memory_space<vmem>>
    %dma_start3A_359 = tpu.memref_squeeze %dma_start3A_358 : memref<1x1x4x8x128xf32, #tpu.memory_space<vmem>> -> memref<4x8x128xf32, #tpu.memory_space<vmem>>
    %dma_start3A_360 = arith.constant 0 : i32
    %dma_start3A_361 = arith.constant 0 : i32
    %dma_start3A_362 = tpu.memref_slice %arg3[%dma_start3A_360, %dma_start3A_361, %multiple_of3A_344] : memref<4x8x1000000xf32, #tpu.memory_space<hbm>> -> memref<4x8x128xf32, #tpu.memory_space<hbm>>
    tpu.enqueue_dma source(%dma_start3A_362 : memref<4x8x128xf32, #tpu.memory_space<hbm>>) target(%dma_start3A_359 : memref<4x8x128xf32, #tpu.memory_space<vmem>>) target_semaphore(%arg9 : memref<!tpu.dma_semaphore, #tpu.memory_space<semaphore_mem>>)
    %slice3A_363 = vector.extract_strided_slice %get3A_212 {offsets = [6], sizes = [1], strides = [1]} : vector<16xi32> to vector<1xi32>
    %squeeze3A_364 = vector.extract %slice3A_363[0] : i32 from vector<1xi32>
    %shift_right_arithmetic3A_365 = arith.constant 7 : i32
    %shift_right_arithmetic3A_366 = arith.shrsi %squeeze3A_364, %shift_right_arithmetic3A_365 : i32
    %mul3A_367 = arith.constant 128 : i32
    %mul3A_368 = arith.muli %shift_right_arithmetic3A_366, %mul3A_367 : i32
    %multiple_of3A_369 = tpu.assume_multiple %mul3A_368, 128 : i32
    %dma_start3A_370 = arith.constant 1 : i32
    %dma_start3A_371 = arith.constant 6 : i32
    %dma_start3A_372 = arith.constant 0 : i32
    %dma_start3A_373 = arith.constant 0 : i32
    %dma_start3A_374 = arith.constant 0 : i32
    %dma_start3A_375 = tpu.memref_slice %arg6[%dma_start3A_370, %dma_start3A_371, %dma_start3A_372, %dma_start3A_373, %dma_start3A_374] : memref<3x8x4x8x128xf32, #tpu.memory_space<vmem>> -> memref<1x1x4x8x128xf32, #tpu.memory_space<vmem>>
    %dma_start3A_376 = tpu.memref_squeeze %dma_start3A_375 : memref<1x1x4x8x128xf32, #tpu.memory_space<vmem>> -> memref<4x8x128xf32, #tpu.memory_space<vmem>>
    %dma_start3A_377 = arith.constant 0 : i32
    %dma_start3A_378 = arith.constant 0 : i32
    %dma_start3A_379 = tpu.memref_slice %arg3[%dma_start3A_377, %dma_start3A_378, %multiple_of3A_369] : memref<4x8x1000000xf32, #tpu.memory_space<hbm>> -> memref<4x8x128xf32, #tpu.memory_space<hbm>>
    %dma_start3A_380 = arith.constant 0 : i32
    %dma_start3A_381 = arith.constant 0 : i32
    %dma_start3A_382 = arith.constant 0 : i32
    %dma_start3A_383 = tpu.memref_slice %arg6[%dma_start3A_370, %dma_start3A_371, %dma_start3A_380, %dma_start3A_381, %dma_start3A_382] : memref<3x8x4x8x128xf32, #tpu.memory_space<vmem>> -> memref<1x1x4x8x128xf32, #tpu.memory_space<vmem>>
    %dma_start3A_384 = tpu.memref_squeeze %dma_start3A_383 : memref<1x1x4x8x128xf32, #tpu.memory_space<vmem>> -> memref<4x8x128xf32, #tpu.memory_space<vmem>>
    %dma_start3A_385 = arith.constant 0 : i32
    %dma_start3A_386 = arith.constant 0 : i32
    %dma_start3A_387 = tpu.memref_slice %arg3[%dma_start3A_385, %dma_start3A_386, %multiple_of3A_369] : memref<4x8x1000000xf32, #tpu.memory_space<hbm>> -> memref<4x8x128xf32, #tpu.memory_space<hbm>>
    tpu.enqueue_dma source(%dma_start3A_387 : memref<4x8x128xf32, #tpu.memory_space<hbm>>) target(%dma_start3A_384 : memref<4x8x128xf32, #tpu.memory_space<vmem>>) target_semaphore(%arg9 : memref<!tpu.dma_semaphore, #tpu.memory_space<semaphore_mem>>)
    %slice3A_388 = vector.extract_strided_slice %get3A_212 {offsets = [7], sizes = [1], strides = [1]} : vector<16xi32> to vector<1xi32>
    %squeeze3A_389 = vector.extract %slice3A_388[0] : i32 from vector<1xi32>
    %shift_right_arithmetic3A_390 = arith.constant 7 : i32
    %shift_right_arithmetic3A_391 = arith.shrsi %squeeze3A_389, %shift_right_arithmetic3A_390 : i32
    %mul3A_392 = arith.constant 128 : i32
    %mul3A_393 = arith.muli %shift_right_arithmetic3A_391, %mul3A_392 : i32
    %multiple_of3A_394 = tpu.assume_multiple %mul3A_393, 128 : i32
    %dma_start3A_395 = arith.constant 1 : i32
    %dma_start3A_396 = arith.constant 7 : i32
    %dma_start3A_397 = arith.constant 0 : i32
    %dma_start3A_398 = arith.constant 0 : i32
    %dma_start3A_399 = arith.constant 0 : i32
    %dma_start3A_400 = tpu.memref_slice %arg6[%dma_start3A_395, %dma_start3A_396, %dma_start3A_397, %dma_start3A_398, %dma_start3A_399] : memref<3x8x4x8x128xf32, #tpu.memory_space<vmem>> -> memref<1x1x4x8x128xf32, #tpu.memory_space<vmem>>
    %dma_start3A_401 = tpu.memref_squeeze %dma_start3A_400 : memref<1x1x4x8x128xf32, #tpu.memory_space<vmem>> -> memref<4x8x128xf32, #tpu.memory_space<vmem>>
    %dma_start3A_402 = arith.constant 0 : i32
    %dma_start3A_403 = arith.constant 0 : i32
    %dma_start3A_404 = tpu.memref_slice %arg3[%dma_start3A_402, %dma_start3A_403, %multiple_of3A_394] : memref<4x8x1000000xf32, #tpu.memory_space<hbm>> -> memref<4x8x128xf32, #tpu.memory_space<hbm>>
    %dma_start3A_405 = arith.constant 0 : i32
    %dma_start3A_406 = arith.constant 0 : i32
    %dma_start3A_407 = arith.constant 0 : i32
    %dma_start3A_408 = tpu.memref_slice %arg6[%dma_start3A_395, %dma_start3A_396, %dma_start3A_405, %dma_start3A_406, %dma_start3A_407] : memref<3x8x4x8x128xf32, #tpu.memory_space<vmem>> -> memref<1x1x4x8x128xf32, #tpu.memory_space<vmem>>
    %dma_start3A_409 = tpu.memref_squeeze %dma_start3A_408 : memref<1x1x4x8x128xf32, #tpu.memory_space<vmem>> -> memref<4x8x128xf32, #tpu.memory_space<vmem>>
    %dma_start3A_410 = arith.constant 0 : i32
    %dma_start3A_411 = arith.constant 0 : i32
    %dma_start3A_412 = tpu.memref_slice %arg3[%dma_start3A_410, %dma_start3A_411, %multiple_of3A_394] : memref<4x8x1000000xf32, #tpu.memory_space<hbm>> -> memref<4x8x128xf32, #tpu.memory_space<hbm>>
    tpu.enqueue_dma source(%dma_start3A_412 : memref<4x8x128xf32, #tpu.memory_space<hbm>>) target(%dma_start3A_409 : memref<4x8x128xf32, #tpu.memory_space<vmem>>) target_semaphore(%arg9 : memref<!tpu.dma_semaphore, #tpu.memory_space<semaphore_mem>>)
    %scan3A = arith.constant 0 : i32
    %scan3A_413 = arith.constant 64 : i32
    %scan3A_414 = arith.addi %scan3A, %scan3A_413 : i32
    %scan3A_415 = arith.constant 1 : i32
    scf.for %scan3A_417 = %scan3A to %scan3A_414 step %scan3A_415  : i32 {
      %rem3A = arith.constant 3 : i32
      %rem3A_418 = arith.remsi %scan3A_417, %rem3A : i32
      %eq3A = arith.constant 0 : i32
      %eq3A_419 = arith.cmpi eq, %rem3A_418, %eq3A : i32
      %convert_element_type3A = arith.extui %eq3A_419 : i1 to i32
      %cond3A = arith.constant 0 : i32
      %cond3A_420 = arith.cmpi ne, %convert_element_type3A, %cond3A : i32
      scf.if %cond3A_420 {
        %add3A_431 = arith.constant 2 : i32
        %add3A_432 = arith.addi %scan3A_417, %add3A_431 : i32
        %lt3A = arith.constant 64 : i32
        %lt3A_433 = arith.cmpi slt, %add3A_432, %lt3A : i32
        %convert_element_type3A_434 = arith.extui %lt3A_433 : i1 to i32
        %cond3A_435 = arith.constant 0 : i32
        %cond3A_436 = arith.cmpi ne, %convert_element_type3A_434, %cond3A_435 : i32
        scf.if %cond3A_436 {
          %add3A_723 = arith.constant 2 : i32
          %add3A_724 = arith.addi %scan3A_417, %add3A_723 : i32
          %mul3A_725 = arith.constant 8 : i32
          %mul3A_726 = arith.muli %add3A_724, %mul3A_725 : i32
          %get3A_727 = arith.index_cast %mul3A_726 : i32 to index
          %get3A_728 = tpu.vector_load %arg5[%get3A_727] {strides = array<i32>} : memref<528xi32, #tpu.memory_space<vmem>>, vector<16xi32>,
          %slice3A_729 = vector.extract_strided_slice %get3A_728 {offsets = [0], sizes = [1], strides = [1]} : vector<16xi32> to vector<1xi32>
          %squeeze3A_730 = vector.extract %slice3A_729[0] : i32 from vector<1xi32>
          %shift_right_arithmetic3A_731 = arith.constant 7 : i32
          %shift_right_arithmetic3A_732 = arith.shrsi %squeeze3A_730, %shift_right_arithmetic3A_731 : i32
          %mul3A_733 = arith.constant 128 : i32
          %mul3A_734 = arith.muli %shift_right_arithmetic3A_732, %mul3A_733 : i32
          %multiple_of3A_735 = tpu.assume_multiple %mul3A_734, 128 : i32
          %dma_start3A_736 = arith.constant 2 : i32
          %dma_start3A_737 = arith.constant 0 : i32
          %dma_start3A_738 = arith.constant 0 : i32
          %dma_start3A_739 = arith.constant 0 : i32
          %dma_start3A_740 = arith.constant 0 : i32
          %dma_start3A_741 = tpu.memref_slice %arg6[%dma_start3A_736, %dma_start3A_737, %dma_start3A_738, %dma_start3A_739, %dma_start3A_740] : memref<3x8x4x8x128xf32, #tpu.memory_space<vmem>> -> memref<1x1x4x8x128xf32, #tpu.memory_space<vmem>>
          %dma_start3A_742 = tpu.memref_squeeze %dma_start3A_741 : memref<1x1x4x8x128xf32, #tpu.memory_space<vmem>> -> memref<4x8x128xf32, #tpu.memory_space<vmem>>
          %dma_start3A_743 = arith.constant 0 : i32
          %dma_start3A_744 = arith.constant 0 : i32
          %dma_start3A_745 = tpu.memref_slice %arg3[%dma_start3A_743, %dma_start3A_744, %multiple_of3A_735] : memref<4x8x1000000xf32, #tpu.memory_space<hbm>> -> memref<4x8x128xf32, #tpu.memory_space<hbm>>
          %dma_start3A_746 = arith.constant 0 : i32
          %dma_start3A_747 = arith.constant 0 : i32
          %dma_start3A_748 = arith.constant 0 : i32
          %dma_start3A_749 = tpu.memref_slice %arg6[%dma_start3A_736, %dma_start3A_737, %dma_start3A_746, %dma_start3A_747, %dma_start3A_748] : memref<3x8x4x8x128xf32, #tpu.memory_space<vmem>> -> memref<1x1x4x8x128xf32, #tpu.memory_space<vmem>>
          %dma_start3A_750 = tpu.memref_squeeze %dma_start3A_749 : memref<1x1x4x8x128xf32, #tpu.memory_space<vmem>> -> memref<4x8x128xf32, #tpu.memory_space<vmem>>
          %dma_start3A_751 = arith.constant 0 : i32
          %dma_start3A_752 = arith.constant 0 : i32
          %dma_start3A_753 = tpu.memref_slice %arg3[%dma_start3A_751, %dma_start3A_752, %multiple_of3A_735] : memref<4x8x1000000xf32, #tpu.memory_space<hbm>> -> memref<4x8x128xf32, #tpu.memory_space<hbm>>
          tpu.enqueue_dma source(%dma_start3A_753 : memref<4x8x128xf32, #tpu.memory_space<hbm>>) target(%dma_start3A_750 : memref<4x8x128xf32, #tpu.memory_space<vmem>>) target_semaphore(%arg10 : memref<!tpu.dma_semaphore, #tpu.memory_space<semaphore_mem>>)
          %slice3A_754 = vector.extract_strided_slice %get3A_728 {offsets = [1], sizes = [1], strides = [1]} : vector<16xi32> to vector<1xi32>
          %squeeze3A_755 = vector.extract %slice3A_754[0] : i32 from vector<1xi32>
          %shift_right_arithmetic3A_756 = arith.constant 7 : i32
          %shift_right_arithmetic3A_757 = arith.shrsi %squeeze3A_755, %shift_right_arithmetic3A_756 : i32
          %mul3A_758 = arith.constant 128 : i32
          %mul3A_759 = arith.muli %shift_right_arithmetic3A_757, %mul3A_758 : i32
          %multiple_of3A_760 = tpu.assume_multiple %mul3A_759, 128 : i32
          %dma_start3A_761 = arith.constant 2 : i32
          %dma_start3A_762 = arith.constant 1 : i32
          %dma_start3A_763 = arith.constant 0 : i32
          %dma_start3A_764 = arith.constant 0 : i32
          %dma_start3A_765 = arith.constant 0 : i32
          %dma_start3A_766 = tpu.memref_slice %arg6[%dma_start3A_761, %dma_start3A_762, %dma_start3A_763, %dma_start3A_764, %dma_start3A_765] : memref<3x8x4x8x128xf32, #tpu.memory_space<vmem>> -> memref<1x1x4x8x128xf32, #tpu.memory_space<vmem>>
          %dma_start3A_767 = tpu.memref_squeeze %dma_start3A_766 : memref<1x1x4x8x128xf32, #tpu.memory_space<vmem>> -> memref<4x8x128xf32, #tpu.memory_space<vmem>>
          %dma_start3A_768 = arith.constant 0 : i32
          %dma_start3A_769 = arith.constant 0 : i32
          %dma_start3A_770 = tpu.memref_slice %arg3[%dma_start3A_768, %dma_start3A_769, %multiple_of3A_760] : memref<4x8x1000000xf32, #tpu.memory_space<hbm>> -> memref<4x8x128xf32, #tpu.memory_space<hbm>>
          %dma_start3A_771 = arith.constant 0 : i32
          %dma_start3A_772 = arith.constant 0 : i32
          %dma_start3A_773 = arith.constant 0 : i32
          %dma_start3A_774 = tpu.memref_slice %arg6[%dma_start3A_761, %dma_start3A_762, %dma_start3A_771, %dma_start3A_772, %dma_start3A_773] : memref<3x8x4x8x128xf32, #tpu.memory_space<vmem>> -> memref<1x1x4x8x128xf32, #tpu.memory_space<vmem>>
          %dma_start3A_775 = tpu.memref_squeeze %dma_start3A_774 : memref<1x1x4x8x128xf32, #tpu.memory_space<vmem>> -> memref<4x8x128xf32, #tpu.memory_space<vmem>>
          %dma_start3A_776 = arith.constant 0 : i32
          %dma_start3A_777 = arith.constant 0 : i32
          %dma_start3A_778 = tpu.memref_slice %arg3[%dma_start3A_776, %dma_start3A_777, %multiple_of3A_760] : memref<4x8x1000000xf32, #tpu.memory_space<hbm>> -> memref<4x8x128xf32, #tpu.memory_space<hbm>>
          tpu.enqueue_dma source(%dma_start3A_778 : memref<4x8x128xf32, #tpu.memory_space<hbm>>) target(%dma_start3A_775 : memref<4x8x128xf32, #tpu.memory_space<vmem>>) target_semaphore(%arg10 : memref<!tpu.dma_semaphore, #tpu.memory_space<semaphore_mem>>)
          %slice3A_779 = vector.extract_strided_slice %get3A_728 {offsets = [2], sizes = [1], strides = [1]} : vector<16xi32> to vector<1xi32>
          %squeeze3A_780 = vector.extract %slice3A_779[0] : i32 from vector<1xi32>
          %shift_right_arithmetic3A_781 = arith.constant 7 : i32
          %shift_right_arithmetic3A_782 = arith.shrsi %squeeze3A_780, %shift_right_arithmetic3A_781 : i32
          %mul3A_783 = arith.constant 128 : i32
          %mul3A_784 = arith.muli %shift_right_arithmetic3A_782, %mul3A_783 : i32
          %multiple_of3A_785 = tpu.assume_multiple %mul3A_784, 128 : i32
          %dma_start3A_786 = arith.constant 2 : i32
          %dma_start3A_787 = arith.constant 2 : i32
          %dma_start3A_788 = arith.constant 0 : i32
          %dma_start3A_789 = arith.constant 0 : i32
          %dma_start3A_790 = arith.constant 0 : i32
          %dma_start3A_791 = tpu.memref_slice %arg6[%dma_start3A_786, %dma_start3A_787, %dma_start3A_788, %dma_start3A_789, %dma_start3A_790] : memref<3x8x4x8x128xf32, #tpu.memory_space<vmem>> -> memref<1x1x4x8x128xf32, #tpu.memory_space<vmem>>
          %dma_start3A_792 = tpu.memref_squeeze %dma_start3A_791 : memref<1x1x4x8x128xf32, #tpu.memory_space<vmem>> -> memref<4x8x128xf32, #tpu.memory_space<vmem>>
          %dma_start3A_793 = arith.constant 0 : i32
          %dma_start3A_794 = arith.constant 0 : i32
          %dma_start3A_795 = tpu.memref_slice %arg3[%dma_start3A_793, %dma_start3A_794, %multiple_of3A_785] : memref<4x8x1000000xf32, #tpu.memory_space<hbm>> -> memref<4x8x128xf32, #tpu.memory_space<hbm>>
          %dma_start3A_796 = arith.constant 0 : i32
          %dma_start3A_797 = arith.constant 0 : i32
          %dma_start3A_798 = arith.constant 0 : i32
          %dma_start3A_799 = tpu.memref_slice %arg6[%dma_start3A_786, %dma_start3A_787, %dma_start3A_796, %dma_start3A_797, %dma_start3A_798] : memref<3x8x4x8x128xf32, #tpu.memory_space<vmem>> -> memref<1x1x4x8x128xf32, #tpu.memory_space<vmem>>
          %dma_start3A_800 = tpu.memref_squeeze %dma_start3A_799 : memref<1x1x4x8x128xf32, #tpu.memory_space<vmem>> -> memref<4x8x128xf32, #tpu.memory_space<vmem>>
          %dma_start3A_801 = arith.constant 0 : i32
          %dma_start3A_802 = arith.constant 0 : i32
          %dma_start3A_803 = tpu.memref_slice %arg3[%dma_start3A_801, %dma_start3A_802, %multiple_of3A_785] : memref<4x8x1000000xf32, #tpu.memory_space<hbm>> -> memref<4x8x128xf32, #tpu.memory_space<hbm>>
          tpu.enqueue_dma source(%dma_start3A_803 : memref<4x8x128xf32, #tpu.memory_space<hbm>>) target(%dma_start3A_800 : memref<4x8x128xf32, #tpu.memory_space<vmem>>) target_semaphore(%arg10 : memref<!tpu.dma_semaphore, #tpu.memory_space<semaphore_mem>>)
          %slice3A_804 = vector.extract_strided_slice %get3A_728 {offsets = [3], sizes = [1], strides = [1]} : vector<16xi32> to vector<1xi32>
          %squeeze3A_805 = vector.extract %slice3A_804[0] : i32 from vector<1xi32>
          %shift_right_arithmetic3A_806 = arith.constant 7 : i32
          %shift_right_arithmetic3A_807 = arith.shrsi %squeeze3A_805, %shift_right_arithmetic3A_806 : i32
          %mul3A_808 = arith.constant 128 : i32
          %mul3A_809 = arith.muli %shift_right_arithmetic3A_807, %mul3A_808 : i32
          %multiple_of3A_810 = tpu.assume_multiple %mul3A_809, 128 : i32
          %dma_start3A_811 = arith.constant 2 : i32
          %dma_start3A_812 = arith.constant 3 : i32
          %dma_start3A_813 = arith.constant 0 : i32
          %dma_start3A_814 = arith.constant 0 : i32
          %dma_start3A_815 = arith.constant 0 : i32
          %dma_start3A_816 = tpu.memref_slice %arg6[%dma_start3A_811, %dma_start3A_812, %dma_start3A_813, %dma_start3A_814, %dma_start3A_815] : memref<3x8x4x8x128xf32, #tpu.memory_space<vmem>> -> memref<1x1x4x8x128xf32, #tpu.memory_space<vmem>>
          %dma_start3A_817 = tpu.memref_squeeze %dma_start3A_816 : memref<1x1x4x8x128xf32, #tpu.memory_space<vmem>> -> memref<4x8x128xf32, #tpu.memory_space<vmem>>
          %dma_start3A_818 = arith.constant 0 : i32
          %dma_start3A_819 = arith.constant 0 : i32
          %dma_start3A_820 = tpu.memref_slice %arg3[%dma_start3A_818, %dma_start3A_819, %multiple_of3A_810] : memref<4x8x1000000xf32, #tpu.memory_space<hbm>> -> memref<4x8x128xf32, #tpu.memory_space<hbm>>
          %dma_start3A_821 = arith.constant 0 : i32
          %dma_start3A_822 = arith.constant 0 : i32
          %dma_start3A_823 = arith.constant 0 : i32
          %dma_start3A_824 = tpu.memref_slice %arg6[%dma_start3A_811, %dma_start3A_812, %dma_start3A_821, %dma_start3A_822, %dma_start3A_823] : memref<3x8x4x8x128xf32, #tpu.memory_space<vmem>> -> memref<1x1x4x8x128xf32, #tpu.memory_space<vmem>>
          %dma_start3A_825 = tpu.memref_squeeze %dma_start3A_824 : memref<1x1x4x8x128xf32, #tpu.memory_space<vmem>> -> memref<4x8x128xf32, #tpu.memory_space<vmem>>
          %dma_start3A_826 = arith.constant 0 : i32
          %dma_start3A_827 = arith.constant 0 : i32
          %dma_start3A_828 = tpu.memref_slice %arg3[%dma_start3A_826, %dma_start3A_827, %multiple_of3A_810] : memref<4x8x1000000xf32, #tpu.memory_space<hbm>> -> memref<4x8x128xf32, #tpu.memory_space<hbm>>
          tpu.enqueue_dma source(%dma_start3A_828 : memref<4x8x128xf32, #tpu.memory_space<hbm>>) target(%dma_start3A_825 : memref<4x8x128xf32, #tpu.memory_space<vmem>>) target_semaphore(%arg10 : memref<!tpu.dma_semaphore, #tpu.memory_space<semaphore_mem>>)
          %slice3A_829 = vector.extract_strided_slice %get3A_728 {offsets = [4], sizes = [1], strides = [1]} : vector<16xi32> to vector<1xi32>
          %squeeze3A_830 = vector.extract %slice3A_829[0] : i32 from vector<1xi32>
          %shift_right_arithmetic3A_831 = arith.constant 7 : i32
          %shift_right_arithmetic3A_832 = arith.shrsi %squeeze3A_830, %shift_right_arithmetic3A_831 : i32
          %mul3A_833 = arith.constant 128 : i32
          %mul3A_834 = arith.muli %shift_right_arithmetic3A_832, %mul3A_833 : i32
          %multiple_of3A_835 = tpu.assume_multiple %mul3A_834, 128 : i32
          %dma_start3A_836 = arith.constant 2 : i32
          %dma_start3A_837 = arith.constant 4 : i32
          %dma_start3A_838 = arith.constant 0 : i32
          %dma_start3A_839 = arith.constant 0 : i32
          %dma_start3A_840 = arith.constant 0 : i32
          %dma_start3A_841 = tpu.memref_slice %arg6[%dma_start3A_836, %dma_start3A_837, %dma_start3A_838, %dma_start3A_839, %dma_start3A_840] : memref<3x8x4x8x128xf32, #tpu.memory_space<vmem>> -> memref<1x1x4x8x128xf32, #tpu.memory_space<vmem>>
          %dma_start3A_842 = tpu.memref_squeeze %dma_start3A_841 : memref<1x1x4x8x128xf32, #tpu.memory_space<vmem>> -> memref<4x8x128xf32, #tpu.memory_space<vmem>>
          %dma_start3A_843 = arith.constant 0 : i32
          %dma_start3A_844 = arith.constant 0 : i32
          %dma_start3A_845 = tpu.memref_slice %arg3[%dma_start3A_843, %dma_start3A_844, %multiple_of3A_835] : memref<4x8x1000000xf32, #tpu.memory_space<hbm>> -> memref<4x8x128xf32, #tpu.memory_space<hbm>>
          %dma_start3A_846 = arith.constant 0 : i32
          %dma_start3A_847 = arith.constant 0 : i32
          %dma_start3A_848 = arith.constant 0 : i32
          %dma_start3A_849 = tpu.memref_slice %arg6[%dma_start3A_836, %dma_start3A_837, %dma_start3A_846, %dma_start3A_847, %dma_start3A_848] : memref<3x8x4x8x128xf32, #tpu.memory_space<vmem>> -> memref<1x1x4x8x128xf32, #tpu.memory_space<vmem>>
          %dma_start3A_850 = tpu.memref_squeeze %dma_start3A_849 : memref<1x1x4x8x128xf32, #tpu.memory_space<vmem>> -> memref<4x8x128xf32, #tpu.memory_space<vmem>>
          %dma_start3A_851 = arith.constant 0 : i32
          %dma_start3A_852 = arith.constant 0 : i32
          %dma_start3A_853 = tpu.memref_slice %arg3[%dma_start3A_851, %dma_start3A_852, %multiple_of3A_835] : memref<4x8x1000000xf32, #tpu.memory_space<hbm>> -> memref<4x8x128xf32, #tpu.memory_space<hbm>>
          tpu.enqueue_dma source(%dma_start3A_853 : memref<4x8x128xf32, #tpu.memory_space<hbm>>) target(%dma_start3A_850 : memref<4x8x128xf32, #tpu.memory_space<vmem>>) target_semaphore(%arg10 : memref<!tpu.dma_semaphore, #tpu.memory_space<semaphore_mem>>)
          %slice3A_854 = vector.extract_strided_slice %get3A_728 {offsets = [5], sizes = [1], strides = [1]} : vector<16xi32> to vector<1xi32>
          %squeeze3A_855 = vector.extract %slice3A_854[0] : i32 from vector<1xi32>
          %shift_right_arithmetic3A_856 = arith.constant 7 : i32
          %shift_right_arithmetic3A_857 = arith.shrsi %squeeze3A_855, %shift_right_arithmetic3A_856 : i32
          %mul3A_858 = arith.constant 128 : i32
          %mul3A_859 = arith.muli %shift_right_arithmetic3A_857, %mul3A_858 : i32
          %multiple_of3A_860 = tpu.assume_multiple %mul3A_859, 128 : i32
          %dma_start3A_861 = arith.constant 2 : i32
          %dma_start3A_862 = arith.constant 5 : i32
          %dma_start3A_863 = arith.constant 0 : i32
          %dma_start3A_864 = arith.constant 0 : i32
          %dma_start3A_865 = arith.constant 0 : i32
          %dma_start3A_866 = tpu.memref_slice %arg6[%dma_start3A_861, %dma_start3A_862, %dma_start3A_863, %dma_start3A_864, %dma_start3A_865] : memref<3x8x4x8x128xf32, #tpu.memory_space<vmem>> -> memref<1x1x4x8x128xf32, #tpu.memory_space<vmem>>
          %dma_start3A_867 = tpu.memref_squeeze %dma_start3A_866 : memref<1x1x4x8x128xf32, #tpu.memory_space<vmem>> -> memref<4x8x128xf32, #tpu.memory_space<vmem>>
          %dma_start3A_868 = arith.constant 0 : i32
          %dma_start3A_869 = arith.constant 0 : i32
          %dma_start3A_870 = tpu.memref_slice %arg3[%dma_start3A_868, %dma_start3A_869, %multiple_of3A_860] : memref<4x8x1000000xf32, #tpu.memory_space<hbm>> -> memref<4x8x128xf32, #tpu.memory_space<hbm>>
          %dma_start3A_871 = arith.constant 0 : i32
          %dma_start3A_872 = arith.constant 0 : i32
          %dma_start3A_873 = arith.constant 0 : i32
          %dma_start3A_874 = tpu.memref_slice %arg6[%dma_start3A_861, %dma_start3A_862, %dma_start3A_871, %dma_start3A_872, %dma_start3A_873] : memref<3x8x4x8x128xf32, #tpu.memory_space<vmem>> -> memref<1x1x4x8x128xf32, #tpu.memory_space<vmem>>
          %dma_start3A_875 = tpu.memref_squeeze %dma_start3A_874 : memref<1x1x4x8x128xf32, #tpu.memory_space<vmem>> -> memref<4x8x128xf32, #tpu.memory_space<vmem>>
          %dma_start3A_876 = arith.constant 0 : i32
          %dma_start3A_877 = arith.constant 0 : i32
          %dma_start3A_878 = tpu.memref_slice %arg3[%dma_start3A_876, %dma_start3A_877, %multiple_of3A_860] : memref<4x8x1000000xf32, #tpu.memory_space<hbm>> -> memref<4x8x128xf32, #tpu.memory_space<hbm>>
          tpu.enqueue_dma source(%dma_start3A_878 : memref<4x8x128xf32, #tpu.memory_space<hbm>>) target(%dma_start3A_875 : memref<4x8x128xf32, #tpu.memory_space<vmem>>) target_semaphore(%arg10 : memref<!tpu.dma_semaphore, #tpu.memory_space<semaphore_mem>>)
          %slice3A_879 = vector.extract_strided_slice %get3A_728 {offsets = [6], sizes = [1], strides = [1]} : vector<16xi32> to vector<1xi32>
          %squeeze3A_880 = vector.extract %slice3A_879[0] : i32 from vector<1xi32>
          %shift_right_arithmetic3A_881 = arith.constant 7 : i32
          %shift_right_arithmetic3A_882 = arith.shrsi %squeeze3A_880, %shift_right_arithmetic3A_881 : i32
          %mul3A_883 = arith.constant 128 : i32
          %mul3A_884 = arith.muli %shift_right_arithmetic3A_882, %mul3A_883 : i32
          %multiple_of3A_885 = tpu.assume_multiple %mul3A_884, 128 : i32
          %dma_start3A_886 = arith.constant 2 : i32
          %dma_start3A_887 = arith.constant 6 : i32
          %dma_start3A_888 = arith.constant 0 : i32
          %dma_start3A_889 = arith.constant 0 : i32
          %dma_start3A_890 = arith.constant 0 : i32
          %dma_start3A_891 = tpu.memref_slice %arg6[%dma_start3A_886, %dma_start3A_887, %dma_start3A_888, %dma_start3A_889, %dma_start3A_890] : memref<3x8x4x8x128xf32, #tpu.memory_space<vmem>> -> memref<1x1x4x8x128xf32, #tpu.memory_space<vmem>>
          %dma_start3A_892 = tpu.memref_squeeze %dma_start3A_891 : memref<1x1x4x8x128xf32, #tpu.memory_space<vmem>> -> memref<4x8x128xf32, #tpu.memory_space<vmem>>
          %dma_start3A_893 = arith.constant 0 : i32
          %dma_start3A_894 = arith.constant 0 : i32
          %dma_start3A_895 = tpu.memref_slice %arg3[%dma_start3A_893, %dma_start3A_894, %multiple_of3A_885] : memref<4x8x1000000xf32, #tpu.memory_space<hbm>> -> memref<4x8x128xf32, #tpu.memory_space<hbm>>
          %dma_start3A_896 = arith.constant 0 : i32
          %dma_start3A_897 = arith.constant 0 : i32
          %dma_start3A_898 = arith.constant 0 : i32
          %dma_start3A_899 = tpu.memref_slice %arg6[%dma_start3A_886, %dma_start3A_887, %dma_start3A_896, %dma_start3A_897, %dma_start3A_898] : memref<3x8x4x8x128xf32, #tpu.memory_space<vmem>> -> memref<1x1x4x8x128xf32, #tpu.memory_space<vmem>>
          %dma_start3A_900 = tpu.memref_squeeze %dma_start3A_899 : memref<1x1x4x8x128xf32, #tpu.memory_space<vmem>> -> memref<4x8x128xf32, #tpu.memory_space<vmem>>
          %dma_start3A_901 = arith.constant 0 : i32
          %dma_start3A_902 = arith.constant 0 : i32
          %dma_start3A_903 = tpu.memref_slice %arg3[%dma_start3A_901, %dma_start3A_902, %multiple_of3A_885] : memref<4x8x1000000xf32, #tpu.memory_space<hbm>> -> memref<4x8x128xf32, #tpu.memory_space<hbm>>
          tpu.enqueue_dma source(%dma_start3A_903 : memref<4x8x128xf32, #tpu.memory_space<hbm>>) target(%dma_start3A_900 : memref<4x8x128xf32, #tpu.memory_space<vmem>>) target_semaphore(%arg10 : memref<!tpu.dma_semaphore, #tpu.memory_space<semaphore_mem>>)
          %slice3A_904 = vector.extract_strided_slice %get3A_728 {offsets = [7], sizes = [1], strides = [1]} : vector<16xi32> to vector<1xi32>
          %squeeze3A_905 = vector.extract %slice3A_904[0] : i32 from vector<1xi32>
          %shift_right_arithmetic3A_906 = arith.constant 7 : i32
          %shift_right_arithmetic3A_907 = arith.shrsi %squeeze3A_905, %shift_right_arithmetic3A_906 : i32
          %mul3A_908 = arith.constant 128 : i32
          %mul3A_909 = arith.muli %shift_right_arithmetic3A_907, %mul3A_908 : i32
          %multiple_of3A_910 = tpu.assume_multiple %mul3A_909, 128 : i32
          %dma_start3A_911 = arith.constant 2 : i32
          %dma_start3A_912 = arith.constant 7 : i32
          %dma_start3A_913 = arith.constant 0 : i32
          %dma_start3A_914 = arith.constant 0 : i32
          %dma_start3A_915 = arith.constant 0 : i32
          %dma_start3A_916 = tpu.memref_slice %arg6[%dma_start3A_911, %dma_start3A_912, %dma_start3A_913, %dma_start3A_914, %dma_start3A_915] : memref<3x8x4x8x128xf32, #tpu.memory_space<vmem>> -> memref<1x1x4x8x128xf32, #tpu.memory_space<vmem>>
          %dma_start3A_917 = tpu.memref_squeeze %dma_start3A_916 : memref<1x1x4x8x128xf32, #tpu.memory_space<vmem>> -> memref<4x8x128xf32, #tpu.memory_space<vmem>>
          %dma_start3A_918 = arith.constant 0 : i32
          %dma_start3A_919 = arith.constant 0 : i32
          %dma_start3A_920 = tpu.memref_slice %arg3[%dma_start3A_918, %dma_start3A_919, %multiple_of3A_910] : memref<4x8x1000000xf32, #tpu.memory_space<hbm>> -> memref<4x8x128xf32, #tpu.memory_space<hbm>>
          %dma_start3A_921 = arith.constant 0 : i32
          %dma_start3A_922 = arith.constant 0 : i32
          %dma_start3A_923 = arith.constant 0 : i32
          %dma_start3A_924 = tpu.memref_slice %arg6[%dma_start3A_911, %dma_start3A_912, %dma_start3A_921, %dma_start3A_922, %dma_start3A_923] : memref<3x8x4x8x128xf32, #tpu.memory_space<vmem>> -> memref<1x1x4x8x128xf32, #tpu.memory_space<vmem>>
          %dma_start3A_925 = tpu.memref_squeeze %dma_start3A_924 : memref<1x1x4x8x128xf32, #tpu.memory_space<vmem>> -> memref<4x8x128xf32, #tpu.memory_space<vmem>>
          %dma_start3A_926 = arith.constant 0 : i32
          %dma_start3A_927 = arith.constant 0 : i32
          %dma_start3A_928 = tpu.memref_slice %arg3[%dma_start3A_926, %dma_start3A_927, %multiple_of3A_910] : memref<4x8x1000000xf32, #tpu.memory_space<hbm>> -> memref<4x8x128xf32, #tpu.memory_space<hbm>>
          tpu.enqueue_dma source(%dma_start3A_928 : memref<4x8x128xf32, #tpu.memory_space<hbm>>) target(%dma_start3A_925 : memref<4x8x128xf32, #tpu.memory_space<vmem>>) target_semaphore(%arg10 : memref<!tpu.dma_semaphore, #tpu.memory_space<semaphore_mem>>)
        } else {
        }
        %dma_wait3A = arith.constant 0 : i32
        %dma_wait3A_437 = arith.constant 0 : i32
        %dma_wait3A_438 = arith.constant 0 : i32
        %dma_wait3A_439 = arith.constant 0 : i32
        %dma_wait3A_440 = arith.constant 0 : i32
        %dma_wait3A_441 = tpu.memref_slice %arg6[%dma_wait3A, %dma_wait3A_437, %dma_wait3A_438, %dma_wait3A_439, %dma_wait3A_440] : memref<3x8x4x8x128xf32, #tpu.memory_space<vmem>> -> memref<1x1x4x8x128xf32, #tpu.memory_space<vmem>>
        %dma_wait3A_442 = tpu.memref_squeeze %dma_wait3A_441 : memref<1x1x4x8x128xf32, #tpu.memory_space<vmem>> -> memref<4x8x128xf32, #tpu.memory_space<vmem>>
        %dma_wait3A_443 = arith.constant 0 : i32
        %dma_wait3A_444 = arith.constant 0 : i32
        %dma_wait3A_445 = arith.constant 0 : i32
        %dma_wait3A_446 = tpu.memref_slice %arg3[%dma_wait3A_443, %dma_wait3A_444, %dma_wait3A_445] : memref<4x8x1000000xf32, #tpu.memory_space<hbm>> -> memref<4x8x128xf32, #tpu.memory_space<hbm>>
        %dma_wait3A_447 = arith.constant 0 : i32
        %dma_wait3A_448 = arith.constant 0 : i32
        %dma_wait3A_449 = arith.constant 0 : i32
        %dma_wait3A_450 = tpu.memref_slice %arg6[%dma_wait3A, %dma_wait3A_437, %dma_wait3A_447, %dma_wait3A_448, %dma_wait3A_449] : memref<3x8x4x8x128xf32, #tpu.memory_space<vmem>> -> memref<1x1x4x8x128xf32, #tpu.memory_space<vmem>>
        %dma_wait3A_451 = tpu.memref_squeeze %dma_wait3A_450 : memref<1x1x4x8x128xf32, #tpu.memory_space<vmem>> -> memref<4x8x128xf32, #tpu.memory_space<vmem>>
        %dma_wait3A_452 = arith.constant 0 : i32
        %dma_wait3A_453 = arith.constant 0 : i32
        %dma_wait3A_454 = arith.constant 0 : i32
        %dma_wait3A_455 = tpu.memref_slice %arg3[%dma_wait3A_452, %dma_wait3A_453, %dma_wait3A_454] : memref<4x8x1000000xf32, #tpu.memory_space<hbm>> -> memref<4x8x128xf32, #tpu.memory_space<hbm>>
        tpu.wait_dma2 semaphore(%arg8 : memref<!tpu.dma_semaphore, #tpu.memory_space<semaphore_mem>>) src(%dma_wait3A_455 : memref<4x8x128xf32, #tpu.memory_space<hbm>>) dst(%dma_wait3A_451 : memref<4x8x128xf32, #tpu.memory_space<vmem>>)
        %dma_wait3A_456 = arith.constant 0 : i32
        %dma_wait3A_457 = arith.constant 1 : i32
        %dma_wait3A_458 = arith.constant 0 : i32
        %dma_wait3A_459 = arith.constant 0 : i32
        %dma_wait3A_460 = arith.constant 0 : i32
        %dma_wait3A_461 = tpu.memref_slice %arg6[%dma_wait3A_456, %dma_wait3A_457, %dma_wait3A_458, %dma_wait3A_459, %dma_wait3A_460] : memref<3x8x4x8x128xf32, #tpu.memory_space<vmem>> -> memref<1x1x4x8x128xf32, #tpu.memory_space<vmem>>
        %dma_wait3A_462 = tpu.memref_squeeze %dma_wait3A_461 : memref<1x1x4x8x128xf32, #tpu.memory_space<vmem>> -> memref<4x8x128xf32, #tpu.memory_space<vmem>>
        %dma_wait3A_463 = arith.constant 0 : i32
        %dma_wait3A_464 = arith.constant 0 : i32
        %dma_wait3A_465 = arith.constant 0 : i32
        %dma_wait3A_466 = tpu.memref_slice %arg3[%dma_wait3A_463, %dma_wait3A_464, %dma_wait3A_465] : memref<4x8x1000000xf32, #tpu.memory_space<hbm>> -> memref<4x8x128xf32, #tpu.memory_space<hbm>>
        %dma_wait3A_467 = arith.constant 0 : i32
        %dma_wait3A_468 = arith.constant 0 : i32
        %dma_wait3A_469 = arith.constant 0 : i32
        %dma_wait3A_470 = tpu.memref_slice %arg6[%dma_wait3A_456, %dma_wait3A_457, %dma_wait3A_467, %dma_wait3A_468, %dma_wait3A_469] : memref<3x8x4x8x128xf32, #tpu.memory_space<vmem>> -> memref<1x1x4x8x128xf32, #tpu.memory_space<vmem>>
        %dma_wait3A_471 = tpu.memref_squeeze %dma_wait3A_470 : memref<1x1x4x8x128xf32, #tpu.memory_space<vmem>> -> memref<4x8x128xf32, #tpu.memory_space<vmem>>
        %dma_wait3A_472 = arith.constant 0 : i32
        %dma_wait3A_473 = arith.constant 0 : i32
        %dma_wait3A_474 = arith.constant 0 : i32
        %dma_wait3A_475 = tpu.memref_slice %arg3[%dma_wait3A_472, %dma_wait3A_473, %dma_wait3A_474] : memref<4x8x1000000xf32, #tpu.memory_space<hbm>> -> memref<4x8x128xf32, #tpu.memory_space<hbm>>
        tpu.wait_dma2 semaphore(%arg8 : memref<!tpu.dma_semaphore, #tpu.memory_space<semaphore_mem>>) src(%dma_wait3A_475 : memref<4x8x128xf32, #tpu.memory_space<hbm>>) dst(%dma_wait3A_471 : memref<4x8x128xf32, #tpu.memory_space<vmem>>)
        %dma_wait3A_476 = arith.constant 0 : i32
        %dma_wait3A_477 = arith.constant 2 : i32
        %dma_wait3A_478 = arith.constant 0 : i32
        %dma_wait3A_479 = arith.constant 0 : i32
        %dma_wait3A_480 = arith.constant 0 : i32
        %dma_wait3A_481 = tpu.memref_slice %arg6[%dma_wait3A_476, %dma_wait3A_477, %dma_wait3A_478, %dma_wait3A_479, %dma_wait3A_480] : memref<3x8x4x8x128xf32, #tpu.memory_space<vmem>> -> memref<1x1x4x8x128xf32, #tpu.memory_space<vmem>>
        %dma_wait3A_482 = tpu.memref_squeeze %dma_wait3A_481 : memref<1x1x4x8x128xf32, #tpu.memory_space<vmem>> -> memref<4x8x128xf32, #tpu.memory_space<vmem>>
        %dma_wait3A_483 = arith.constant 0 : i32
        %dma_wait3A_484 = arith.constant 0 : i32
        %dma_wait3A_485 = arith.constant 0 : i32
        %dma_wait3A_486 = tpu.memref_slice %arg3[%dma_wait3A_483, %dma_wait3A_484, %dma_wait3A_485] : memref<4x8x1000000xf32, #tpu.memory_space<hbm>> -> memref<4x8x128xf32, #tpu.memory_space<hbm>>
        %dma_wait3A_487 = arith.constant 0 : i32
        %dma_wait3A_488 = arith.constant 0 : i32
        %dma_wait3A_489 = arith.constant 0 : i32
        %dma_wait3A_490 = tpu.memref_slice %arg6[%dma_wait3A_476, %dma_wait3A_477, %dma_wait3A_487, %dma_wait3A_488, %dma_wait3A_489] : memref<3x8x4x8x128xf32, #tpu.memory_space<vmem>> -> memref<1x1x4x8x128xf32, #tpu.memory_space<vmem>>
        %dma_wait3A_491 = tpu.memref_squeeze %dma_wait3A_490 : memref<1x1x4x8x128xf32, #tpu.memory_space<vmem>> -> memref<4x8x128xf32, #tpu.memory_space<vmem>>
        %dma_wait3A_492 = arith.constant 0 : i32
        %dma_wait3A_493 = arith.constant 0 : i32
        %dma_wait3A_494 = arith.constant 0 : i32
        %dma_wait3A_495 = tpu.memref_slice %arg3[%dma_wait3A_492, %dma_wait3A_493, %dma_wait3A_494] : memref<4x8x1000000xf32, #tpu.memory_space<hbm>> -> memref<4x8x128xf32, #tpu.memory_space<hbm>>
        tpu.wait_dma2 semaphore(%arg8 : memref<!tpu.dma_semaphore, #tpu.memory_space<semaphore_mem>>) src(%dma_wait3A_495 : memref<4x8x128xf32, #tpu.memory_space<hbm>>) dst(%dma_wait3A_491 : memref<4x8x128xf32, #tpu.memory_space<vmem>>)
        %dma_wait3A_496 = arith.constant 0 : i32
        %dma_wait3A_497 = arith.constant 3 : i32
        %dma_wait3A_498 = arith.constant 0 : i32
        %dma_wait3A_499 = arith.constant 0 : i32
        %dma_wait3A_500 = arith.constant 0 : i32
        %dma_wait3A_501 = tpu.memref_slice %arg6[%dma_wait3A_496, %dma_wait3A_497, %dma_wait3A_498, %dma_wait3A_499, %dma_wait3A_500] : memref<3x8x4x8x128xf32, #tpu.memory_space<vmem>> -> memref<1x1x4x8x128xf32, #tpu.memory_space<vmem>>
        %dma_wait3A_502 = tpu.memref_squeeze %dma_wait3A_501 : memref<1x1x4x8x128xf32, #tpu.memory_space<vmem>> -> memref<4x8x128xf32, #tpu.memory_space<vmem>>
        %dma_wait3A_503 = arith.constant 0 : i32
        %dma_wait3A_504 = arith.constant 0 : i32
        %dma_wait3A_505 = arith.constant 0 : i32
        %dma_wait3A_506 = tpu.memref_slice %arg3[%dma_wait3A_503, %dma_wait3A_504, %dma_wait3A_505] : memref<4x8x1000000xf32, #tpu.memory_space<hbm>> -> memref<4x8x128xf32, #tpu.memory_space<hbm>>
        %dma_wait3A_507 = arith.constant 0 : i32
        %dma_wait3A_508 = arith.constant 0 : i32
        %dma_wait3A_509 = arith.constant 0 : i32
        %dma_wait3A_510 = tpu.memref_slice %arg6[%dma_wait3A_496, %dma_wait3A_497, %dma_wait3A_507, %dma_wait3A_508, %dma_wait3A_509] : memref<3x8x4x8x128xf32, #tpu.memory_space<vmem>> -> memref<1x1x4x8x128xf32, #tpu.memory_space<vmem>>
        %dma_wait3A_511 = tpu.memref_squeeze %dma_wait3A_510 : memref<1x1x4x8x128xf32, #tpu.memory_space<vmem>> -> memref<4x8x128xf32, #tpu.memory_space<vmem>>
        %dma_wait3A_512 = arith.constant 0 : i32
        %dma_wait3A_513 = arith.constant 0 : i32
        %dma_wait3A_514 = arith.constant 0 : i32
        %dma_wait3A_515 = tpu.memref_slice %arg3[%dma_wait3A_512, %dma_wait3A_513, %dma_wait3A_514] : memref<4x8x1000000xf32, #tpu.memory_space<hbm>> -> memref<4x8x128xf32, #tpu.memory_space<hbm>>
        tpu.wait_dma2 semaphore(%arg8 : memref<!tpu.dma_semaphore, #tpu.memory_space<semaphore_mem>>) src(%dma_wait3A_515 : memref<4x8x128xf32, #tpu.memory_space<hbm>>) dst(%dma_wait3A_511 : memref<4x8x128xf32, #tpu.memory_space<vmem>>)
        %dma_wait3A_516 = arith.constant 0 : i32
        %dma_wait3A_517 = arith.constant 4 : i32
        %dma_wait3A_518 = arith.constant 0 : i32
        %dma_wait3A_519 = arith.constant 0 : i32
        %dma_wait3A_520 = arith.constant 0 : i32
        %dma_wait3A_521 = tpu.memref_slice %arg6[%dma_wait3A_516, %dma_wait3A_517, %dma_wait3A_518, %dma_wait3A_519, %dma_wait3A_520] : memref<3x8x4x8x128xf32, #tpu.memory_space<vmem>> -> memref<1x1x4x8x128xf32, #tpu.memory_space<vmem>>
        %dma_wait3A_522 = tpu.memref_squeeze %dma_wait3A_521 : memref<1x1x4x8x128xf32, #tpu.memory_space<vmem>> -> memref<4x8x128xf32, #tpu.memory_space<vmem>>
        %dma_wait3A_523 = arith.constant 0 : i32
        %dma_wait3A_524 = arith.constant 0 : i32
        %dma_wait3A_525 = arith.constant 0 : i32
        %dma_wait3A_526 = tpu.memref_slice %arg3[%dma_wait3A_523, %dma_wait3A_524, %dma_wait3A_525] : memref<4x8x1000000xf32, #tpu.memory_space<hbm>> -> memref<4x8x128xf32, #tpu.memory_space<hbm>>
        %dma_wait3A_527 = arith.constant 0 : i32
        %dma_wait3A_528 = arith.constant 0 : i32
        %dma_wait3A_529 = arith.constant 0 : i32
        %dma_wait3A_530 = tpu.memref_slice %arg6[%dma_wait3A_516, %dma_wait3A_517, %dma_wait3A_527, %dma_wait3A_528, %dma_wait3A_529] : memref<3x8x4x8x128xf32, #tpu.memory_space<vmem>> -> memref<1x1x4x8x128xf32, #tpu.memory_space<vmem>>
        %dma_wait3A_531 = tpu.memref_squeeze %dma_wait3A_530 : memref<1x1x4x8x128xf32, #tpu.memory_space<vmem>> -> memref<4x8x128xf32, #tpu.memory_space<vmem>>
        %dma_wait3A_532 = arith.constant 0 : i32
        %dma_wait3A_533 = arith.constant 0 : i32
        %dma_wait3A_534 = arith.constant 0 : i32
        %dma_wait3A_535 = tpu.memref_slice %arg3[%dma_wait3A_532, %dma_wait3A_533, %dma_wait3A_534] : memref<4x8x1000000xf32, #tpu.memory_space<hbm>> -> memref<4x8x128xf32, #tpu.memory_space<hbm>>
        tpu.wait_dma2 semaphore(%arg8 : memref<!tpu.dma_semaphore, #tpu.memory_space<semaphore_mem>>) src(%dma_wait3A_535 : memref<4x8x128xf32, #tpu.memory_space<hbm>>) dst(%dma_wait3A_531 : memref<4x8x128xf32, #tpu.memory_space<vmem>>)
        %dma_wait3A_536 = arith.constant 0 : i32
        %dma_wait3A_537 = arith.constant 5 : i32
        %dma_wait3A_538 = arith.constant 0 : i32
        %dma_wait3A_539 = arith.constant 0 : i32
        %dma_wait3A_540 = arith.constant 0 : i32
        %dma_wait3A_541 = tpu.memref_slice %arg6[%dma_wait3A_536, %dma_wait3A_537, %dma_wait3A_538, %dma_wait3A_539, %dma_wait3A_540] : memref<3x8x4x8x128xf32, #tpu.memory_space<vmem>> -> memref<1x1x4x8x128xf32, #tpu.memory_space<vmem>>
        %dma_wait3A_542 = tpu.memref_squeeze %dma_wait3A_541 : memref<1x1x4x8x128xf32, #tpu.memory_space<vmem>> -> memref<4x8x128xf32, #tpu.memory_space<vmem>>
        %dma_wait3A_543 = arith.constant 0 : i32
        %dma_wait3A_544 = arith.constant 0 : i32
        %dma_wait3A_545 = arith.constant 0 : i32
        %dma_wait3A_546 = tpu.memref_slice %arg3[%dma_wait3A_543, %dma_wait3A_544, %dma_wait3A_545] : memref<4x8x1000000xf32, #tpu.memory_space<hbm>> -> memref<4x8x128xf32, #tpu.memory_space<hbm>>
        %dma_wait3A_547 = arith.constant 0 : i32
        %dma_wait3A_548 = arith.constant 0 : i32
        %dma_wait3A_549 = arith.constant 0 : i32
        %dma_wait3A_550 = tpu.memref_slice %arg6[%dma_wait3A_536, %dma_wait3A_537, %dma_wait3A_547, %dma_wait3A_548, %dma_wait3A_549] : memref<3x8x4x8x128xf32, #tpu.memory_space<vmem>> -> memref<1x1x4x8x128xf32, #tpu.memory_space<vmem>>
        %dma_wait3A_551 = tpu.memref_squeeze %dma_wait3A_550 : memref<1x1x4x8x128xf32, #tpu.memory_space<vmem>> -> memref<4x8x128xf32, #tpu.memory_space<vmem>>
        %dma_wait3A_552 = arith.constant 0 : i32
        %dma_wait3A_553 = arith.constant 0 : i32
        %dma_wait3A_554 = arith.constant 0 : i32
        %dma_wait3A_555 = tpu.memref_slice %arg3[%dma_wait3A_552, %dma_wait3A_553, %dma_wait3A_554] : memref<4x8x1000000xf32, #tpu.memory_space<hbm>> -> memref<4x8x128xf32, #tpu.memory_space<hbm>>
        tpu.wait_dma2 semaphore(%arg8 : memref<!tpu.dma_semaphore, #tpu.memory_space<semaphore_mem>>) src(%dma_wait3A_555 : memref<4x8x128xf32, #tpu.memory_space<hbm>>) dst(%dma_wait3A_551 : memref<4x8x128xf32, #tpu.memory_space<vmem>>)
        %dma_wait3A_556 = arith.constant 0 : i32
        %dma_wait3A_557 = arith.constant 6 : i32
        %dma_wait3A_558 = arith.constant 0 : i32
        %dma_wait3A_559 = arith.constant 0 : i32
        %dma_wait3A_560 = arith.constant 0 : i32
        %dma_wait3A_561 = tpu.memref_slice %arg6[%dma_wait3A_556, %dma_wait3A_557, %dma_wait3A_558, %dma_wait3A_559, %dma_wait3A_560] : memref<3x8x4x8x128xf32, #tpu.memory_space<vmem>> -> memref<1x1x4x8x128xf32, #tpu.memory_space<vmem>>
        %dma_wait3A_562 = tpu.memref_squeeze %dma_wait3A_561 : memref<1x1x4x8x128xf32, #tpu.memory_space<vmem>> -> memref<4x8x128xf32, #tpu.memory_space<vmem>>
        %dma_wait3A_563 = arith.constant 0 : i32
        %dma_wait3A_564 = arith.constant 0 : i32
        %dma_wait3A_565 = arith.constant 0 : i32
        %dma_wait3A_566 = tpu.memref_slice %arg3[%dma_wait3A_563, %dma_wait3A_564, %dma_wait3A_565] : memref<4x8x1000000xf32, #tpu.memory_space<hbm>> -> memref<4x8x128xf32, #tpu.memory_space<hbm>>
        %dma_wait3A_567 = arith.constant 0 : i32
        %dma_wait3A_568 = arith.constant 0 : i32
        %dma_wait3A_569 = arith.constant 0 : i32
        %dma_wait3A_570 = tpu.memref_slice %arg6[%dma_wait3A_556, %dma_wait3A_557, %dma_wait3A_567, %dma_wait3A_568, %dma_wait3A_569] : memref<3x8x4x8x128xf32, #tpu.memory_space<vmem>> -> memref<1x1x4x8x128xf32, #tpu.memory_space<vmem>>
        %dma_wait3A_571 = tpu.memref_squeeze %dma_wait3A_570 : memref<1x1x4x8x128xf32, #tpu.memory_space<vmem>> -> memref<4x8x128xf32, #tpu.memory_space<vmem>>
        %dma_wait3A_572 = arith.constant 0 : i32
        %dma_wait3A_573 = arith.constant 0 : i32
        %dma_wait3A_574 = arith.constant 0 : i32
        %dma_wait3A_575 = tpu.memref_slice %arg3[%dma_wait3A_572, %dma_wait3A_573, %dma_wait3A_574] : memref<4x8x1000000xf32, #tpu.memory_space<hbm>> -> memref<4x8x128xf32, #tpu.memory_space<hbm>>
        tpu.wait_dma2 semaphore(%arg8 : memref<!tpu.dma_semaphore, #tpu.memory_space<semaphore_mem>>) src(%dma_wait3A_575 : memref<4x8x128xf32, #tpu.memory_space<hbm>>) dst(%dma_wait3A_571 : memref<4x8x128xf32, #tpu.memory_space<vmem>>)
        %dma_wait3A_576 = arith.constant 0 : i32
        %dma_wait3A_577 = arith.constant 7 : i32
        %dma_wait3A_578 = arith.constant 0 : i32
        %dma_wait3A_579 = arith.constant 0 : i32
        %dma_wait3A_580 = arith.constant 0 : i32
        %dma_wait3A_581 = tpu.memref_slice %arg6[%dma_wait3A_576, %dma_wait3A_577, %dma_wait3A_578, %dma_wait3A_579, %dma_wait3A_580] : memref<3x8x4x8x128xf32, #tpu.memory_space<vmem>> -> memref<1x1x4x8x128xf32, #tpu.memory_space<vmem>>
        %dma_wait3A_582 = tpu.memref_squeeze %dma_wait3A_581 : memref<1x1x4x8x128xf32, #tpu.memory_space<vmem>> -> memref<4x8x128xf32, #tpu.memory_space<vmem>>
        %dma_wait3A_583 = arith.constant 0 : i32
        %dma_wait3A_584 = arith.constant 0 : i32
        %dma_wait3A_585 = arith.constant 0 : i32
        %dma_wait3A_586 = tpu.memref_slice %arg3[%dma_wait3A_583, %dma_wait3A_584, %dma_wait3A_585] : memref<4x8x1000000xf32, #tpu.memory_space<hbm>> -> memref<4x8x128xf32, #tpu.memory_space<hbm>>
        %dma_wait3A_587 = arith.constant 0 : i32
        %dma_wait3A_588 = arith.constant 0 : i32
        %dma_wait3A_589 = arith.constant 0 : i32
        %dma_wait3A_590 = tpu.memref_slice %arg6[%dma_wait3A_576, %dma_wait3A_577, %dma_wait3A_587, %dma_wait3A_588, %dma_wait3A_589] : memref<3x8x4x8x128xf32, #tpu.memory_space<vmem>> -> memref<1x1x4x8x128xf32, #tpu.memory_space<vmem>>
        %dma_wait3A_591 = tpu.memref_squeeze %dma_wait3A_590 : memref<1x1x4x8x128xf32, #tpu.memory_space<vmem>> -> memref<4x8x128xf32, #tpu.memory_space<vmem>>
        %dma_wait3A_592 = arith.constant 0 : i32
        %dma_wait3A_593 = arith.constant 0 : i32
        %dma_wait3A_594 = arith.constant 0 : i32
        %dma_wait3A_595 = tpu.memref_slice %arg3[%dma_wait3A_592, %dma_wait3A_593, %dma_wait3A_594] : memref<4x8x1000000xf32, #tpu.memory_space<hbm>> -> memref<4x8x128xf32, #tpu.memory_space<hbm>>
        tpu.wait_dma2 semaphore(%arg8 : memref<!tpu.dma_semaphore, #tpu.memory_space<semaphore_mem>>) src(%dma_wait3A_595 : memref<4x8x128xf32, #tpu.memory_space<hbm>>) dst(%dma_wait3A_591 : memref<4x8x128xf32, #tpu.memory_space<vmem>>)
        %mul3A_596 = arith.constant 8 : i32
        %mul3A_597 = arith.muli %scan3A_417, %mul3A_596 : i32
        %get3A_598 = arith.index_cast %mul3A_597 : i32 to index
        %get3A_599 = tpu.vector_load %arg5[%get3A_598] {strides = array<i32>} : memref<528xi32, #tpu.memory_space<vmem>>, vector<16xi32>,
        %and3A_600 = arith.constant 127 : i32
        %and3A_601 = vector.broadcast %and3A_600 : i32 to vector<16xi32>
        %and3A_602 = arith.andi %get3A_599, %and3A_601 : vector<16xi32>
        %broadcast_in_dim3A = arith.constant 0 : i32
        %broadcast_in_dim3A_603 = vector.broadcast %broadcast_in_dim3A : i32 to vector<16xi32>
        %broadcast_in_dim3A_604 = arith.constant 0 : i32
        %broadcast_in_dim3A_605 = vector.broadcast %broadcast_in_dim3A_604 : i32 to vector<16xi32>
        %slice3A_606 = vector.extract_strided_slice %and3A_602 {offsets = [0], sizes = [1], strides = [1]} : vector<16xi32> to vector<1xi32>
        %squeeze3A_607 = vector.extract %slice3A_606[0] : i32 from vector<1xi32>
        %broadcast_in_dim3A_608 = vector.broadcast %squeeze3A_607 : i32 to vector<16xi32>
        %mul3A_609 = arith.constant 8 : i32
        %mul3A_610 = arith.muli %scan3A_417, %mul3A_609 : i32
        %add3A_611 = arith.constant 0 : i32
        %add3A_612 = arith.addi %mul3A_610, %add3A_611 : i32
        %broadcast_in_dim3A_613 = vector.broadcast %add3A_612 : i32 to vector<16xi32>
        %gather3A = tpu.vector_load_idx %arg6[%broadcast_in_dim3A_603, %broadcast_in_dim3A_605, %shift_right_arithmetic3A_4, %and3A_6, %broadcast_in_dim3A_608] : memref<3x8x4x8x128xf32, #tpu.memory_space<vmem>>[vector<16xi32>, vector<16xi32>, vector<16xi32>, vector<16xi32>, vector<16xi32>], vector<16xf32>,
        %gather3A_614 = tpu.vector_load_idx %arg6[%broadcast_in_dim3A_603, %broadcast_in_dim3A_605, %shift_right_arithmetic3A_12, %and3A_6, %broadcast_in_dim3A_608] : memref<3x8x4x8x128xf32, #tpu.memory_space<vmem>>[vector<16xi32>, vector<16xi32>, vector<16xi32>, vector<16xi32>, vector<16xi32>], vector<16xf32>,
        tpu.vector_store_idx %arg7[%iota3A, %broadcast_in_dim3A_613], %gather3A : memref<32x512xf32, #tpu.memory_space<vmem>>[vector<16xi32>, vector<16xi32>], vector<16xf32>,
        %add3A_615 = arith.constant 16 : i32
        %add3A_616 = vector.broadcast %add3A_615 : i32 to vector<16xi32>
        %add3A_617 = arith.addi %iota3A, %add3A_616 : vector<16xi32>
        tpu.vector_store_idx %arg7[%add3A_617, %broadcast_in_dim3A_613], %gather3A_614 : memref<32x512xf32, #tpu.memory_space<vmem>>[vector<16xi32>, vector<16xi32>], vector<16xf32>,
        %broadcast_in_dim3A_618 = arith.constant 1 : i32
        %broadcast_in_dim3A_619 = vector.broadcast %broadcast_in_dim3A_618 : i32 to vector<16xi32>
        %slice3A_620 = vector.extract_strided_slice %and3A_602 {offsets = [1], sizes = [1], strides = [1]} : vector<16xi32> to vector<1xi32>
        %squeeze3A_621 = vector.extract %slice3A_620[0] : i32 from vector<1xi32>
        %broadcast_in_dim3A_622 = vector.broadcast %squeeze3A_621 : i32 to vector<16xi32>
        %mul3A_623 = arith.constant 8 : i32
        %mul3A_624 = arith.muli %scan3A_417, %mul3A_623 : i32
        %add3A_625 = arith.constant 1 : i32
        %add3A_626 = arith.addi %mul3A_624, %add3A_625 : i32
        %broadcast_in_dim3A_627 = vector.broadcast %add3A_626 : i32 to vector<16xi32>
        %gather3A_628 = tpu.vector_load_idx %arg6[%broadcast_in_dim3A_603, %broadcast_in_dim3A_619, %shift_right_arithmetic3A_4, %and3A_6, %broadcast_in_dim3A_622] : memref<3x8x4x8x128xf32, #tpu.memory_space<vmem>>[vector<16xi32>, vector<16xi32>, vector<16xi32>, vector<16xi32>, vector<16xi32>], vector<16xf32>,
        %gather3A_629 = tpu.vector_load_idx %arg6[%broadcast_in_dim3A_603, %broadcast_in_dim3A_619, %shift_right_arithmetic3A_12, %and3A_6, %broadcast_in_dim3A_622] : memref<3x8x4x8x128xf32, #tpu.memory_space<vmem>>[vector<16xi32>, vector<16xi32>, vector<16xi32>, vector<16xi32>, vector<16xi32>], vector<16xf32>,
        tpu.vector_store_idx %arg7[%iota3A, %broadcast_in_dim3A_627], %gather3A_628 : memref<32x512xf32, #tpu.memory_space<vmem>>[vector<16xi32>, vector<16xi32>], vector<16xf32>,
        %add3A_630 = arith.constant 16 : i32
        %add3A_631 = vector.broadcast %add3A_630 : i32 to vector<16xi32>
        %add3A_632 = arith.addi %iota3A, %add3A_631 : vector<16xi32>
        tpu.vector_store_idx %arg7[%add3A_632, %broadcast_in_dim3A_627], %gather3A_629 : memref<32x512xf32, #tpu.memory_space<vmem>>[vector<16xi32>, vector<16xi32>], vector<16xf32>,
        %broadcast_in_dim3A_633 = arith.constant 2 : i32
        %broadcast_in_dim3A_634 = vector.broadcast %broadcast_in_dim3A_633 : i32 to vector<16xi32>
        %slice3A_635 = vector.extract_strided_slice %and3A_602 {offsets = [2], sizes = [1], strides = [1]} : vector<16xi32> to vector<1xi32>
        %squeeze3A_636 = vector.extract %slice3A_635[0] : i32 from vector<1xi32>
        %broadcast_in_dim3A_637 = vector.broadcast %squeeze3A_636 : i32 to vector<16xi32>
        %mul3A_638 = arith.constant 8 : i32
        %mul3A_639 = arith.muli %scan3A_417, %mul3A_638 : i32
        %add3A_640 = arith.constant 2 : i32
        %add3A_641 = arith.addi %mul3A_639, %add3A_640 : i32
        %broadcast_in_dim3A_642 = vector.broadcast %add3A_641 : i32 to vector<16xi32>
        %gather3A_643 = tpu.vector_load_idx %arg6[%broadcast_in_dim3A_603, %broadcast_in_dim3A_634, %shift_right_arithmetic3A_4, %and3A_6, %broadcast_in_dim3A_637] : memref<3x8x4x8x128xf32, #tpu.memory_space<vmem>>[vector<16xi32>, vector<16xi32>, vector<16xi32>, vector<16xi32>, vector<16xi32>], vector<16xf32>,
        %gather3A_644 = tpu.vector_load_idx %arg6[%broadcast_in_dim3A_603, %broadcast_in_dim3A_634, %shift_right_arithmetic3A_12, %and3A_6, %broadcast_in_dim3A_637] : memref<3x8x4x8x128xf32, #tpu.memory_space<vmem>>[vector<16xi32>, vector<16xi32>, vector<16xi32>, vector<16xi32>, vector<16xi32>], vector<16xf32>,
        tpu.vector_store_idx %arg7[%iota3A, %broadcast_in_dim3A_642], %gather3A_643 : memref<32x512xf32, #tpu.memory_space<vmem>>[vector<16xi32>, vector<16xi32>], vector<16xf32>,
        %add3A_645 = arith.constant 16 : i32
        %add3A_646 = vector.broadcast %add3A_645 : i32 to vector<16xi32>
        %add3A_647 = arith.addi %iota3A, %add3A_646 : vector<16xi32>
        tpu.vector_store_idx %arg7[%add3A_647, %broadcast_in_dim3A_642], %gather3A_644 : memref<32x512xf32, #tpu.memory_space<vmem>>[vector<16xi32>, vector<16xi32>], vector<16xf32>,
        %broadcast_in_dim3A_648 = arith.constant 3 : i32
        %broadcast_in_dim3A_649 = vector.broadcast %broadcast_in_dim3A_648 : i32 to vector<16xi32>
        %slice3A_650 = vector.extract_strided_slice %and3A_602 {offsets = [3], sizes = [1], strides = [1]} : vector<16xi32> to vector<1xi32>
        %squeeze3A_651 = vector.extract %slice3A_650[0] : i32 from vector<1xi32>
        %broadcast_in_dim3A_652 = vector.broadcast %squeeze3A_651 : i32 to vector<16xi32>
        %mul3A_653 = arith.constant 8 : i32
        %mul3A_654 = arith.muli %scan3A_417, %mul3A_653 : i32
        %add3A_655 = arith.constant 3 : i32
        %add3A_656 = arith.addi %mul3A_654, %add3A_655 : i32
        %broadcast_in_dim3A_657 = vector.broadcast %add3A_656 : i32 to vector<16xi32>
        %gather3A_658 = tpu.vector_load_idx %arg6[%broadcast_in_dim3A_603, %broadcast_in_dim3A_649, %shift_right_arithmetic3A_4, %and3A_6, %broadcast_in_dim3A_652] : memref<3x8x4x8x128xf32, #tpu.memory_space<vmem>>[vector<16xi32>, vector<16xi32>, vector<16xi32>, vector<16xi32>, vector<16xi32>], vector<16xf32>,
        %gather3A_659 = tpu.vector_load_idx %arg6[%broadcast_in_dim3A_603, %broadcast_in_dim3A_649, %shift_right_arithmetic3A_12, %and3A_6, %broadcast_in_dim3A_652] : memref<3x8x4x8x128xf32, #tpu.memory_space<vmem>>[vector<16xi32>, vector<16xi32>, vector<16xi32>, vector<16xi32>, vector<16xi32>], vector<16xf32>,
        tpu.vector_store_idx %arg7[%iota3A, %broadcast_in_dim3A_657], %gather3A_658 : memref<32x512xf32, #tpu.memory_space<vmem>>[vector<16xi32>, vector<16xi32>], vector<16xf32>,
        %add3A_660 = arith.constant 16 : i32
        %add3A_661 = vector.broadcast %add3A_660 : i32 to vector<16xi32>
        %add3A_662 = arith.addi %iota3A, %add3A_661 : vector<16xi32>
        tpu.vector_store_idx %arg7[%add3A_662, %broadcast_in_dim3A_657], %gather3A_659 : memref<32x512xf32, #tpu.memory_space<vmem>>[vector<16xi32>, vector<16xi32>], vector<16xf32>,
        %broadcast_in_dim3A_663 = arith.constant 4 : i32
        %broadcast_in_dim3A_664 = vector.broadcast %broadcast_in_dim3A_663 : i32 to vector<16xi32>
        %slice3A_665 = vector.extract_strided_slice %and3A_602 {offsets = [4], sizes = [1], strides = [1]} : vector<16xi32> to vector<1xi32>
        %squeeze3A_666 = vector.extract %slice3A_665[0] : i32 from vector<1xi32>
        %broadcast_in_dim3A_667 = vector.broadcast %squeeze3A_666 : i32 to vector<16xi32>
        %mul3A_668 = arith.constant 8 : i32
        %mul3A_669 = arith.muli %scan3A_417, %mul3A_668 : i32
        %add3A_670 = arith.constant 4 : i32
        %add3A_671 = arith.addi %mul3A_669, %add3A_670 : i32
        %broadcast_in_dim3A_672 = vector.broadcast %add3A_671 : i32 to vector<16xi32>
        %gather3A_673 = tpu.vector_load_idx %arg6[%broadcast_in_dim3A_603, %broadcast_in_dim3A_664, %shift_right_arithmetic3A_4, %and3A_6, %broadcast_in_dim3A_667] : memref<3x8x4x8x128xf32, #tpu.memory_space<vmem>>[vector<16xi32>, vector<16xi32>, vector<16xi32>, vector<16xi32>, vector<16xi32>], vector<16xf32>,
        %gather3A_674 = tpu.vector_load_idx %arg6[%broadcast_in_dim3A_603, %broadcast_in_dim3A_664, %shift_right_arithmetic3A_12, %and3A_6, %broadcast_in_dim3A_667] : memref<3x8x4x8x128xf32, #tpu.memory_space<vmem>>[vector<16xi32>, vector<16xi32>, vector<16xi32>, vector<16xi32>, vector<16xi32>], vector<16xf32>,
        tpu.vector_store_idx %arg7[%iota3A, %broadcast_in_dim3A_672], %gather3A_673 : memref<32x512xf32, #tpu.memory_space<vmem>>[vector<16xi32>, vector<16xi32>], vector<16xf32>,
        %add3A_675 = arith.constant 16 : i32
        %add3A_676 = vector.broadcast %add3A_675 : i32 to vector<16xi32>
        %add3A_677 = arith.addi %iota3A, %add3A_676 : vector<16xi32>
        tpu.vector_store_idx %arg7[%add3A_677, %broadcast_in_dim3A_672], %gather3A_674 : memref<32x512xf32, #tpu.memory_space<vmem>>[vector<16xi32>, vector<16xi32>], vector<16xf32>,
        %broadcast_in_dim3A_678 = arith.constant 5 : i32
        %broadcast_in_dim3A_679 = vector.broadcast %broadcast_in_dim3A_678 : i32 to vector<16xi32>
        %slice3A_680 = vector.extract_strided_slice %and3A_602 {offsets = [5], sizes = [1], strides = [1]} : vector<16xi32> to vector<1xi32>
        %squeeze3A_681 = vector.extract %slice3A_680[0] : i32 from vector<1xi32>
        %broadcast_in_dim3A_682 = vector.broadcast %squeeze3A_681 : i32 to vector<16xi32>
        %mul3A_683 = arith.constant 8 : i32
        %mul3A_684 = arith.muli %scan3A_417, %mul3A_683 : i32
        %add3A_685 = arith.constant 5 : i32
        %add3A_686 = arith.addi %mul3A_684, %add3A_685 : i32
        %broadcast_in_dim3A_687 = vector.broadcast %add3A_686 : i32 to vector<16xi32>
        %gather3A_688 = tpu.vector_load_idx %arg6[%broadcast_in_dim3A_603, %broadcast_in_dim3A_679, %shift_right_arithmetic3A_4, %and3A_6, %broadcast_in_dim3A_682] : memref<3x8x4x8x128xf32, #tpu.memory_space<vmem>>[vector<16xi32>, vector<16xi32>, vector<16xi32>, vector<16xi32>, vector<16xi32>], vector<16xf32>,
        %gather3A_689 = tpu.vector_load_idx %arg6[%broadcast_in_dim3A_603, %broadcast_in_dim3A_679, %shift_right_arithmetic3A_12, %and3A_6, %broadcast_in_dim3A_682] : memref<3x8x4x8x128xf32, #tpu.memory_space<vmem>>[vector<16xi32>, vector<16xi32>, vector<16xi32>, vector<16xi32>, vector<16xi32>], vector<16xf32>,
        tpu.vector_store_idx %arg7[%iota3A, %broadcast_in_dim3A_687], %gather3A_688 : memref<32x512xf32, #tpu.memory_space<vmem>>[vector<16xi32>, vector<16xi32>], vector<16xf32>,
        %add3A_690 = arith.constant 16 : i32
        %add3A_691 = vector.broadcast %add3A_690 : i32 to vector<16xi32>
        %add3A_692 = arith.addi %iota3A, %add3A_691 : vector<16xi32>
        tpu.vector_store_idx %arg7[%add3A_692, %broadcast_in_dim3A_687], %gather3A_689 : memref<32x512xf32, #tpu.memory_space<vmem>>[vector<16xi32>, vector<16xi32>], vector<16xf32>,
        %broadcast_in_dim3A_693 = arith.constant 6 : i32
        %broadcast_in_dim3A_694 = vector.broadcast %broadcast_in_dim3A_693 : i32 to vector<16xi32>
        %slice3A_695 = vector.extract_strided_slice %and3A_602 {offsets = [6], sizes = [1], strides = [1]} : vector<16xi32> to vector<1xi32>
        %squeeze3A_696 = vector.extract %slice3A_695[0] : i32 from vector<1xi32>
        %broadcast_in_dim3A_697 = vector.broadcast %squeeze3A_696 : i32 to vector<16xi32>
        %mul3A_698 = arith.constant 8 : i32
        %mul3A_699 = arith.muli %scan3A_417, %mul3A_698 : i32
        %add3A_700 = arith.constant 6 : i32
        %add3A_701 = arith.addi %mul3A_699, %add3A_700 : i32
        %broadcast_in_dim3A_702 = vector.broadcast %add3A_701 : i32 to vector<16xi32>
        %gather3A_703 = tpu.vector_load_idx %arg6[%broadcast_in_dim3A_603, %broadcast_in_dim3A_694, %shift_right_arithmetic3A_4, %and3A_6, %broadcast_in_dim3A_697] : memref<3x8x4x8x128xf32, #tpu.memory_space<vmem>>[vector<16xi32>, vector<16xi32>, vector<16xi32>, vector<16xi32>, vector<16xi32>], vector<16xf32>,
        %gather3A_704 = tpu.vector_load_idx %arg6[%broadcast_in_dim3A_603, %broadcast_in_dim3A_694, %shift_right_arithmetic3A_12, %and3A_6, %broadcast_in_dim3A_697] : memref<3x8x4x8x128xf32, #tpu.memory_space<vmem>>[vector<16xi32>, vector<16xi32>, vector<16xi32>, vector<16xi32>, vector<16xi32>], vector<16xf32>,
        tpu.vector_store_idx %arg7[%iota3A, %broadcast_in_dim3A_702], %gather3A_703 : memref<32x512xf32, #tpu.memory_space<vmem>>[vector<16xi32>, vector<16xi32>], vector<16xf32>,
        %add3A_705 = arith.constant 16 : i32
        %add3A_706 = vector.broadcast %add3A_705 : i32 to vector<16xi32>
        %add3A_707 = arith.addi %iota3A, %add3A_706 : vector<16xi32>
        tpu.vector_store_idx %arg7[%add3A_707, %broadcast_in_dim3A_702], %gather3A_704 : memref<32x512xf32, #tpu.memory_space<vmem>>[vector<16xi32>, vector<16xi32>], vector<16xf32>,
        %broadcast_in_dim3A_708 = arith.constant 7 : i32
        %broadcast_in_dim3A_709 = vector.broadcast %broadcast_in_dim3A_708 : i32 to vector<16xi32>
        %slice3A_710 = vector.extract_strided_slice %and3A_602 {offsets = [7], sizes = [1], strides = [1]} : vector<16xi32> to vector<1xi32>
        %squeeze3A_711 = vector.extract %slice3A_710[0] : i32 from vector<1xi32>
        %broadcast_in_dim3A_712 = vector.broadcast %squeeze3A_711 : i32 to vector<16xi32>
        %mul3A_713 = arith.constant 8 : i32
        %mul3A_714 = arith.muli %scan3A_417, %mul3A_713 : i32
        %add3A_715 = arith.constant 7 : i32
        %add3A_716 = arith.addi %mul3A_714, %add3A_715 : i32
        %broadcast_in_dim3A_717 = vector.broadcast %add3A_716 : i32 to vector<16xi32>
        %gather3A_718 = tpu.vector_load_idx %arg6[%broadcast_in_dim3A_603, %broadcast_in_dim3A_709, %shift_right_arithmetic3A_4, %and3A_6, %broadcast_in_dim3A_712] : memref<3x8x4x8x128xf32, #tpu.memory_space<vmem>>[vector<16xi32>, vector<16xi32>, vector<16xi32>, vector<16xi32>, vector<16xi32>], vector<16xf32>,
        %gather3A_719 = tpu.vector_load_idx %arg6[%broadcast_in_dim3A_603, %broadcast_in_dim3A_709, %shift_right_arithmetic3A_12, %and3A_6, %broadcast_in_dim3A_712] : memref<3x8x4x8x128xf32, #tpu.memory_space<vmem>>[vector<16xi32>, vector<16xi32>, vector<16xi32>, vector<16xi32>, vector<16xi32>], vector<16xf32>,
        tpu.vector_store_idx %arg7[%iota3A, %broadcast_in_dim3A_717], %gather3A_718 : memref<32x512xf32, #tpu.memory_space<vmem>>[vector<16xi32>, vector<16xi32>], vector<16xf32>,
        %add3A_720 = arith.constant 16 : i32
        %add3A_721 = vector.broadcast %add3A_720 : i32 to vector<16xi32>
        %add3A_722 = arith.addi %iota3A, %add3A_721 : vector<16xi32>
        tpu.vector_store_idx %arg7[%add3A_722, %broadcast_in_dim3A_717], %gather3A_719 : memref<32x512xf32, #tpu.memory_space<vmem>>[vector<16xi32>, vector<16xi32>], vector<16xf32>,
      } else {
      }
      %eq3A_421 = arith.constant 1 : i32
      %eq3A_422 = arith.cmpi eq, %rem3A_418, %eq3A_421 : i32
      %convert_element_type3A_423 = arith.extui %eq3A_422 : i1 to i32
      %cond3A_424 = arith.constant 0 : i32
      %cond3A_425 = arith.cmpi ne, %convert_element_type3A_423, %cond3A_424 : i32
      scf.if %cond3A_425 {
        %add3A_431 = arith.constant 2 : i32
        %add3A_432 = arith.addi %scan3A_417, %add3A_431 : i32
        %lt3A = arith.constant 64 : i32
        %lt3A_433 = arith.cmpi slt, %add3A_432, %lt3A : i32
        %convert_element_type3A_434 = arith.extui %lt3A_433 : i1 to i32
        %cond3A_435 = arith.constant 0 : i32
        %cond3A_436 = arith.cmpi ne, %convert_element_type3A_434, %cond3A_435 : i32
        scf.if %cond3A_436 {
          %add3A_723 = arith.constant 2 : i32
          %add3A_724 = arith.addi %scan3A_417, %add3A_723 : i32
          %mul3A_725 = arith.constant 8 : i32
          %mul3A_726 = arith.muli %add3A_724, %mul3A_725 : i32
          %get3A_727 = arith.index_cast %mul3A_726 : i32 to index
          %get3A_728 = tpu.vector_load %arg5[%get3A_727] {strides = array<i32>} : memref<528xi32, #tpu.memory_space<vmem>>, vector<16xi32>,
          %slice3A_729 = vector.extract_strided_slice %get3A_728 {offsets = [0], sizes = [1], strides = [1]} : vector<16xi32> to vector<1xi32>
          %squeeze3A_730 = vector.extract %slice3A_729[0] : i32 from vector<1xi32>
          %shift_right_arithmetic3A_731 = arith.constant 7 : i32
          %shift_right_arithmetic3A_732 = arith.shrsi %squeeze3A_730, %shift_right_arithmetic3A_731 : i32
          %mul3A_733 = arith.constant 128 : i32
          %mul3A_734 = arith.muli %shift_right_arithmetic3A_732, %mul3A_733 : i32
          %multiple_of3A_735 = tpu.assume_multiple %mul3A_734, 128 : i32
          %dma_start3A_736 = arith.constant 0 : i32
          %dma_start3A_737 = arith.constant 0 : i32
          %dma_start3A_738 = arith.constant 0 : i32
          %dma_start3A_739 = arith.constant 0 : i32
          %dma_start3A_740 = arith.constant 0 : i32
          %dma_start3A_741 = tpu.memref_slice %arg6[%dma_start3A_736, %dma_start3A_737, %dma_start3A_738, %dma_start3A_739, %dma_start3A_740] : memref<3x8x4x8x128xf32, #tpu.memory_space<vmem>> -> memref<1x1x4x8x128xf32, #tpu.memory_space<vmem>>
          %dma_start3A_742 = tpu.memref_squeeze %dma_start3A_741 : memref<1x1x4x8x128xf32, #tpu.memory_space<vmem>> -> memref<4x8x128xf32, #tpu.memory_space<vmem>>
          %dma_start3A_743 = arith.constant 0 : i32
          %dma_start3A_744 = arith.constant 0 : i32
          %dma_start3A_745 = tpu.memref_slice %arg3[%dma_start3A_743, %dma_start3A_744, %multiple_of3A_735] : memref<4x8x1000000xf32, #tpu.memory_space<hbm>> -> memref<4x8x128xf32, #tpu.memory_space<hbm>>
          %dma_start3A_746 = arith.constant 0 : i32
          %dma_start3A_747 = arith.constant 0 : i32
          %dma_start3A_748 = arith.constant 0 : i32
          %dma_start3A_749 = tpu.memref_slice %arg6[%dma_start3A_736, %dma_start3A_737, %dma_start3A_746, %dma_start3A_747, %dma_start3A_748] : memref<3x8x4x8x128xf32, #tpu.memory_space<vmem>> -> memref<1x1x4x8x128xf32, #tpu.memory_space<vmem>>
          %dma_start3A_750 = tpu.memref_squeeze %dma_start3A_749 : memref<1x1x4x8x128xf32, #tpu.memory_space<vmem>> -> memref<4x8x128xf32, #tpu.memory_space<vmem>>
          %dma_start3A_751 = arith.constant 0 : i32
          %dma_start3A_752 = arith.constant 0 : i32
          %dma_start3A_753 = tpu.memref_slice %arg3[%dma_start3A_751, %dma_start3A_752, %multiple_of3A_735] : memref<4x8x1000000xf32, #tpu.memory_space<hbm>> -> memref<4x8x128xf32, #tpu.memory_space<hbm>>
          tpu.enqueue_dma source(%dma_start3A_753 : memref<4x8x128xf32, #tpu.memory_space<hbm>>) target(%dma_start3A_750 : memref<4x8x128xf32, #tpu.memory_space<vmem>>) target_semaphore(%arg8 : memref<!tpu.dma_semaphore, #tpu.memory_space<semaphore_mem>>)
          %slice3A_754 = vector.extract_strided_slice %get3A_728 {offsets = [1], sizes = [1], strides = [1]} : vector<16xi32> to vector<1xi32>
          %squeeze3A_755 = vector.extract %slice3A_754[0] : i32 from vector<1xi32>
          %shift_right_arithmetic3A_756 = arith.constant 7 : i32
          %shift_right_arithmetic3A_757 = arith.shrsi %squeeze3A_755, %shift_right_arithmetic3A_756 : i32
          %mul3A_758 = arith.constant 128 : i32
          %mul3A_759 = arith.muli %shift_right_arithmetic3A_757, %mul3A_758 : i32
          %multiple_of3A_760 = tpu.assume_multiple %mul3A_759, 128 : i32
          %dma_start3A_761 = arith.constant 0 : i32
          %dma_start3A_762 = arith.constant 1 : i32
          %dma_start3A_763 = arith.constant 0 : i32
          %dma_start3A_764 = arith.constant 0 : i32
          %dma_start3A_765 = arith.constant 0 : i32
          %dma_start3A_766 = tpu.memref_slice %arg6[%dma_start3A_761, %dma_start3A_762, %dma_start3A_763, %dma_start3A_764, %dma_start3A_765] : memref<3x8x4x8x128xf32, #tpu.memory_space<vmem>> -> memref<1x1x4x8x128xf32, #tpu.memory_space<vmem>>
          %dma_start3A_767 = tpu.memref_squeeze %dma_start3A_766 : memref<1x1x4x8x128xf32, #tpu.memory_space<vmem>> -> memref<4x8x128xf32, #tpu.memory_space<vmem>>
          %dma_start3A_768 = arith.constant 0 : i32
          %dma_start3A_769 = arith.constant 0 : i32
          %dma_start3A_770 = tpu.memref_slice %arg3[%dma_start3A_768, %dma_start3A_769, %multiple_of3A_760] : memref<4x8x1000000xf32, #tpu.memory_space<hbm>> -> memref<4x8x128xf32, #tpu.memory_space<hbm>>
          %dma_start3A_771 = arith.constant 0 : i32
          %dma_start3A_772 = arith.constant 0 : i32
          %dma_start3A_773 = arith.constant 0 : i32
          %dma_start3A_774 = tpu.memref_slice %arg6[%dma_start3A_761, %dma_start3A_762, %dma_start3A_771, %dma_start3A_772, %dma_start3A_773] : memref<3x8x4x8x128xf32, #tpu.memory_space<vmem>> -> memref<1x1x4x8x128xf32, #tpu.memory_space<vmem>>
          %dma_start3A_775 = tpu.memref_squeeze %dma_start3A_774 : memref<1x1x4x8x128xf32, #tpu.memory_space<vmem>> -> memref<4x8x128xf32, #tpu.memory_space<vmem>>
          %dma_start3A_776 = arith.constant 0 : i32
          %dma_start3A_777 = arith.constant 0 : i32
          %dma_start3A_778 = tpu.memref_slice %arg3[%dma_start3A_776, %dma_start3A_777, %multiple_of3A_760] : memref<4x8x1000000xf32, #tpu.memory_space<hbm>> -> memref<4x8x128xf32, #tpu.memory_space<hbm>>
          tpu.enqueue_dma source(%dma_start3A_778 : memref<4x8x128xf32, #tpu.memory_space<hbm>>) target(%dma_start3A_775 : memref<4x8x128xf32, #tpu.memory_space<vmem>>) target_semaphore(%arg8 : memref<!tpu.dma_semaphore, #tpu.memory_space<semaphore_mem>>)
          %slice3A_779 = vector.extract_strided_slice %get3A_728 {offsets = [2], sizes = [1], strides = [1]} : vector<16xi32> to vector<1xi32>
          %squeeze3A_780 = vector.extract %slice3A_779[0] : i32 from vector<1xi32>
          %shift_right_arithmetic3A_781 = arith.constant 7 : i32
          %shift_right_arithmetic3A_782 = arith.shrsi %squeeze3A_780, %shift_right_arithmetic3A_781 : i32
          %mul3A_783 = arith.constant 128 : i32
          %mul3A_784 = arith.muli %shift_right_arithmetic3A_782, %mul3A_783 : i32
          %multiple_of3A_785 = tpu.assume_multiple %mul3A_784, 128 : i32
          %dma_start3A_786 = arith.constant 0 : i32
          %dma_start3A_787 = arith.constant 2 : i32
          %dma_start3A_788 = arith.constant 0 : i32
          %dma_start3A_789 = arith.constant 0 : i32
          %dma_start3A_790 = arith.constant 0 : i32
          %dma_start3A_791 = tpu.memref_slice %arg6[%dma_start3A_786, %dma_start3A_787, %dma_start3A_788, %dma_start3A_789, %dma_start3A_790] : memref<3x8x4x8x128xf32, #tpu.memory_space<vmem>> -> memref<1x1x4x8x128xf32, #tpu.memory_space<vmem>>
          %dma_start3A_792 = tpu.memref_squeeze %dma_start3A_791 : memref<1x1x4x8x128xf32, #tpu.memory_space<vmem>> -> memref<4x8x128xf32, #tpu.memory_space<vmem>>
          %dma_start3A_793 = arith.constant 0 : i32
          %dma_start3A_794 = arith.constant 0 : i32
          %dma_start3A_795 = tpu.memref_slice %arg3[%dma_start3A_793, %dma_start3A_794, %multiple_of3A_785] : memref<4x8x1000000xf32, #tpu.memory_space<hbm>> -> memref<4x8x128xf32, #tpu.memory_space<hbm>>
          %dma_start3A_796 = arith.constant 0 : i32
          %dma_start3A_797 = arith.constant 0 : i32
          %dma_start3A_798 = arith.constant 0 : i32
          %dma_start3A_799 = tpu.memref_slice %arg6[%dma_start3A_786, %dma_start3A_787, %dma_start3A_796, %dma_start3A_797, %dma_start3A_798] : memref<3x8x4x8x128xf32, #tpu.memory_space<vmem>> -> memref<1x1x4x8x128xf32, #tpu.memory_space<vmem>>
          %dma_start3A_800 = tpu.memref_squeeze %dma_start3A_799 : memref<1x1x4x8x128xf32, #tpu.memory_space<vmem>> -> memref<4x8x128xf32, #tpu.memory_space<vmem>>
          %dma_start3A_801 = arith.constant 0 : i32
          %dma_start3A_802 = arith.constant 0 : i32
          %dma_start3A_803 = tpu.memref_slice %arg3[%dma_start3A_801, %dma_start3A_802, %multiple_of3A_785] : memref<4x8x1000000xf32, #tpu.memory_space<hbm>> -> memref<4x8x128xf32, #tpu.memory_space<hbm>>
          tpu.enqueue_dma source(%dma_start3A_803 : memref<4x8x128xf32, #tpu.memory_space<hbm>>) target(%dma_start3A_800 : memref<4x8x128xf32, #tpu.memory_space<vmem>>) target_semaphore(%arg8 : memref<!tpu.dma_semaphore, #tpu.memory_space<semaphore_mem>>)
          %slice3A_804 = vector.extract_strided_slice %get3A_728 {offsets = [3], sizes = [1], strides = [1]} : vector<16xi32> to vector<1xi32>
          %squeeze3A_805 = vector.extract %slice3A_804[0] : i32 from vector<1xi32>
          %shift_right_arithmetic3A_806 = arith.constant 7 : i32
          %shift_right_arithmetic3A_807 = arith.shrsi %squeeze3A_805, %shift_right_arithmetic3A_806 : i32
          %mul3A_808 = arith.constant 128 : i32
          %mul3A_809 = arith.muli %shift_right_arithmetic3A_807, %mul3A_808 : i32
          %multiple_of3A_810 = tpu.assume_multiple %mul3A_809, 128 : i32
          %dma_start3A_811 = arith.constant 0 : i32
          %dma_start3A_812 = arith.constant 3 : i32
          %dma_start3A_813 = arith.constant 0 : i32
          %dma_start3A_814 = arith.constant 0 : i32
          %dma_start3A_815 = arith.constant 0 : i32
          %dma_start3A_816 = tpu.memref_slice %arg6[%dma_start3A_811, %dma_start3A_812, %dma_start3A_813, %dma_start3A_814, %dma_start3A_815] : memref<3x8x4x8x128xf32, #tpu.memory_space<vmem>> -> memref<1x1x4x8x128xf32, #tpu.memory_space<vmem>>
          %dma_start3A_817 = tpu.memref_squeeze %dma_start3A_816 : memref<1x1x4x8x128xf32, #tpu.memory_space<vmem>> -> memref<4x8x128xf32, #tpu.memory_space<vmem>>
          %dma_start3A_818 = arith.constant 0 : i32
          %dma_start3A_819 = arith.constant 0 : i32
          %dma_start3A_820 = tpu.memref_slice %arg3[%dma_start3A_818, %dma_start3A_819, %multiple_of3A_810] : memref<4x8x1000000xf32, #tpu.memory_space<hbm>> -> memref<4x8x128xf32, #tpu.memory_space<hbm>>
          %dma_start3A_821 = arith.constant 0 : i32
          %dma_start3A_822 = arith.constant 0 : i32
          %dma_start3A_823 = arith.constant 0 : i32
          %dma_start3A_824 = tpu.memref_slice %arg6[%dma_start3A_811, %dma_start3A_812, %dma_start3A_821, %dma_start3A_822, %dma_start3A_823] : memref<3x8x4x8x128xf32, #tpu.memory_space<vmem>> -> memref<1x1x4x8x128xf32, #tpu.memory_space<vmem>>
          %dma_start3A_825 = tpu.memref_squeeze %dma_start3A_824 : memref<1x1x4x8x128xf32, #tpu.memory_space<vmem>> -> memref<4x8x128xf32, #tpu.memory_space<vmem>>
          %dma_start3A_826 = arith.constant 0 : i32
          %dma_start3A_827 = arith.constant 0 : i32
          %dma_start3A_828 = tpu.memref_slice %arg3[%dma_start3A_826, %dma_start3A_827, %multiple_of3A_810] : memref<4x8x1000000xf32, #tpu.memory_space<hbm>> -> memref<4x8x128xf32, #tpu.memory_space<hbm>>
          tpu.enqueue_dma source(%dma_start3A_828 : memref<4x8x128xf32, #tpu.memory_space<hbm>>) target(%dma_start3A_825 : memref<4x8x128xf32, #tpu.memory_space<vmem>>) target_semaphore(%arg8 : memref<!tpu.dma_semaphore, #tpu.memory_space<semaphore_mem>>)
          %slice3A_829 = vector.extract_strided_slice %get3A_728 {offsets = [4], sizes = [1], strides = [1]} : vector<16xi32> to vector<1xi32>
          %squeeze3A_830 = vector.extract %slice3A_829[0] : i32 from vector<1xi32>
          %shift_right_arithmetic3A_831 = arith.constant 7 : i32
          %shift_right_arithmetic3A_832 = arith.shrsi %squeeze3A_830, %shift_right_arithmetic3A_831 : i32
          %mul3A_833 = arith.constant 128 : i32
          %mul3A_834 = arith.muli %shift_right_arithmetic3A_832, %mul3A_833 : i32
          %multiple_of3A_835 = tpu.assume_multiple %mul3A_834, 128 : i32
          %dma_start3A_836 = arith.constant 0 : i32
          %dma_start3A_837 = arith.constant 4 : i32
          %dma_start3A_838 = arith.constant 0 : i32
          %dma_start3A_839 = arith.constant 0 : i32
          %dma_start3A_840 = arith.constant 0 : i32
          %dma_start3A_841 = tpu.memref_slice %arg6[%dma_start3A_836, %dma_start3A_837, %dma_start3A_838, %dma_start3A_839, %dma_start3A_840] : memref<3x8x4x8x128xf32, #tpu.memory_space<vmem>> -> memref<1x1x4x8x128xf32, #tpu.memory_space<vmem>>
          %dma_start3A_842 = tpu.memref_squeeze %dma_start3A_841 : memref<1x1x4x8x128xf32, #tpu.memory_space<vmem>> -> memref<4x8x128xf32, #tpu.memory_space<vmem>>
          %dma_start3A_843 = arith.constant 0 : i32
          %dma_start3A_844 = arith.constant 0 : i32
          %dma_start3A_845 = tpu.memref_slice %arg3[%dma_start3A_843, %dma_start3A_844, %multiple_of3A_835] : memref<4x8x1000000xf32, #tpu.memory_space<hbm>> -> memref<4x8x128xf32, #tpu.memory_space<hbm>>
          %dma_start3A_846 = arith.constant 0 : i32
          %dma_start3A_847 = arith.constant 0 : i32
          %dma_start3A_848 = arith.constant 0 : i32
          %dma_start3A_849 = tpu.memref_slice %arg6[%dma_start3A_836, %dma_start3A_837, %dma_start3A_846, %dma_start3A_847, %dma_start3A_848] : memref<3x8x4x8x128xf32, #tpu.memory_space<vmem>> -> memref<1x1x4x8x128xf32, #tpu.memory_space<vmem>>
          %dma_start3A_850 = tpu.memref_squeeze %dma_start3A_849 : memref<1x1x4x8x128xf32, #tpu.memory_space<vmem>> -> memref<4x8x128xf32, #tpu.memory_space<vmem>>
          %dma_start3A_851 = arith.constant 0 : i32
          %dma_start3A_852 = arith.constant 0 : i32
          %dma_start3A_853 = tpu.memref_slice %arg3[%dma_start3A_851, %dma_start3A_852, %multiple_of3A_835] : memref<4x8x1000000xf32, #tpu.memory_space<hbm>> -> memref<4x8x128xf32, #tpu.memory_space<hbm>>
          tpu.enqueue_dma source(%dma_start3A_853 : memref<4x8x128xf32, #tpu.memory_space<hbm>>) target(%dma_start3A_850 : memref<4x8x128xf32, #tpu.memory_space<vmem>>) target_semaphore(%arg8 : memref<!tpu.dma_semaphore, #tpu.memory_space<semaphore_mem>>)
          %slice3A_854 = vector.extract_strided_slice %get3A_728 {offsets = [5], sizes = [1], strides = [1]} : vector<16xi32> to vector<1xi32>
          %squeeze3A_855 = vector.extract %slice3A_854[0] : i32 from vector<1xi32>
          %shift_right_arithmetic3A_856 = arith.constant 7 : i32
          %shift_right_arithmetic3A_857 = arith.shrsi %squeeze3A_855, %shift_right_arithmetic3A_856 : i32
          %mul3A_858 = arith.constant 128 : i32
          %mul3A_859 = arith.muli %shift_right_arithmetic3A_857, %mul3A_858 : i32
          %multiple_of3A_860 = tpu.assume_multiple %mul3A_859, 128 : i32
          %dma_start3A_861 = arith.constant 0 : i32
          %dma_start3A_862 = arith.constant 5 : i32
          %dma_start3A_863 = arith.constant 0 : i32
          %dma_start3A_864 = arith.constant 0 : i32
          %dma_start3A_865 = arith.constant 0 : i32
          %dma_start3A_866 = tpu.memref_slice %arg6[%dma_start3A_861, %dma_start3A_862, %dma_start3A_863, %dma_start3A_864, %dma_start3A_865] : memref<3x8x4x8x128xf32, #tpu.memory_space<vmem>> -> memref<1x1x4x8x128xf32, #tpu.memory_space<vmem>>
          %dma_start3A_867 = tpu.memref_squeeze %dma_start3A_866 : memref<1x1x4x8x128xf32, #tpu.memory_space<vmem>> -> memref<4x8x128xf32, #tpu.memory_space<vmem>>
          %dma_start3A_868 = arith.constant 0 : i32
          %dma_start3A_869 = arith.constant 0 : i32
          %dma_start3A_870 = tpu.memref_slice %arg3[%dma_start3A_868, %dma_start3A_869, %multiple_of3A_860] : memref<4x8x1000000xf32, #tpu.memory_space<hbm>> -> memref<4x8x128xf32, #tpu.memory_space<hbm>>
          %dma_start3A_871 = arith.constant 0 : i32
          %dma_start3A_872 = arith.constant 0 : i32
          %dma_start3A_873 = arith.constant 0 : i32
          %dma_start3A_874 = tpu.memref_slice %arg6[%dma_start3A_861, %dma_start3A_862, %dma_start3A_871, %dma_start3A_872, %dma_start3A_873] : memref<3x8x4x8x128xf32, #tpu.memory_space<vmem>> -> memref<1x1x4x8x128xf32, #tpu.memory_space<vmem>>
          %dma_start3A_875 = tpu.memref_squeeze %dma_start3A_874 : memref<1x1x4x8x128xf32, #tpu.memory_space<vmem>> -> memref<4x8x128xf32, #tpu.memory_space<vmem>>
          %dma_start3A_876 = arith.constant 0 : i32
          %dma_start3A_877 = arith.constant 0 : i32
          %dma_start3A_878 = tpu.memref_slice %arg3[%dma_start3A_876, %dma_start3A_877, %multiple_of3A_860] : memref<4x8x1000000xf32, #tpu.memory_space<hbm>> -> memref<4x8x128xf32, #tpu.memory_space<hbm>>
          tpu.enqueue_dma source(%dma_start3A_878 : memref<4x8x128xf32, #tpu.memory_space<hbm>>) target(%dma_start3A_875 : memref<4x8x128xf32, #tpu.memory_space<vmem>>) target_semaphore(%arg8 : memref<!tpu.dma_semaphore, #tpu.memory_space<semaphore_mem>>)
          %slice3A_879 = vector.extract_strided_slice %get3A_728 {offsets = [6], sizes = [1], strides = [1]} : vector<16xi32> to vector<1xi32>
          %squeeze3A_880 = vector.extract %slice3A_879[0] : i32 from vector<1xi32>
          %shift_right_arithmetic3A_881 = arith.constant 7 : i32
          %shift_right_arithmetic3A_882 = arith.shrsi %squeeze3A_880, %shift_right_arithmetic3A_881 : i32
          %mul3A_883 = arith.constant 128 : i32
          %mul3A_884 = arith.muli %shift_right_arithmetic3A_882, %mul3A_883 : i32
          %multiple_of3A_885 = tpu.assume_multiple %mul3A_884, 128 : i32
          %dma_start3A_886 = arith.constant 0 : i32
          %dma_start3A_887 = arith.constant 6 : i32
          %dma_start3A_888 = arith.constant 0 : i32
          %dma_start3A_889 = arith.constant 0 : i32
          %dma_start3A_890 = arith.constant 0 : i32
          %dma_start3A_891 = tpu.memref_slice %arg6[%dma_start3A_886, %dma_start3A_887, %dma_start3A_888, %dma_start3A_889, %dma_start3A_890] : memref<3x8x4x8x128xf32, #tpu.memory_space<vmem>> -> memref<1x1x4x8x128xf32, #tpu.memory_space<vmem>>
          %dma_start3A_892 = tpu.memref_squeeze %dma_start3A_891 : memref<1x1x4x8x128xf32, #tpu.memory_space<vmem>> -> memref<4x8x128xf32, #tpu.memory_space<vmem>>
          %dma_start3A_893 = arith.constant 0 : i32
          %dma_start3A_894 = arith.constant 0 : i32
          %dma_start3A_895 = tpu.memref_slice %arg3[%dma_start3A_893, %dma_start3A_894, %multiple_of3A_885] : memref<4x8x1000000xf32, #tpu.memory_space<hbm>> -> memref<4x8x128xf32, #tpu.memory_space<hbm>>
          %dma_start3A_896 = arith.constant 0 : i32
          %dma_start3A_897 = arith.constant 0 : i32
          %dma_start3A_898 = arith.constant 0 : i32
          %dma_start3A_899 = tpu.memref_slice %arg6[%dma_start3A_886, %dma_start3A_887, %dma_start3A_896, %dma_start3A_897, %dma_start3A_898] : memref<3x8x4x8x128xf32, #tpu.memory_space<vmem>> -> memref<1x1x4x8x128xf32, #tpu.memory_space<vmem>>
          %dma_start3A_900 = tpu.memref_squeeze %dma_start3A_899 : memref<1x1x4x8x128xf32, #tpu.memory_space<vmem>> -> memref<4x8x128xf32, #tpu.memory_space<vmem>>
          %dma_start3A_901 = arith.constant 0 : i32
          %dma_start3A_902 = arith.constant 0 : i32
          %dma_start3A_903 = tpu.memref_slice %arg3[%dma_start3A_901, %dma_start3A_902, %multiple_of3A_885] : memref<4x8x1000000xf32, #tpu.memory_space<hbm>> -> memref<4x8x128xf32, #tpu.memory_space<hbm>>
          tpu.enqueue_dma source(%dma_start3A_903 : memref<4x8x128xf32, #tpu.memory_space<hbm>>) target(%dma_start3A_900 : memref<4x8x128xf32, #tpu.memory_space<vmem>>) target_semaphore(%arg8 : memref<!tpu.dma_semaphore, #tpu.memory_space<semaphore_mem>>)
          %slice3A_904 = vector.extract_strided_slice %get3A_728 {offsets = [7], sizes = [1], strides = [1]} : vector<16xi32> to vector<1xi32>
          %squeeze3A_905 = vector.extract %slice3A_904[0] : i32 from vector<1xi32>
          %shift_right_arithmetic3A_906 = arith.constant 7 : i32
          %shift_right_arithmetic3A_907 = arith.shrsi %squeeze3A_905, %shift_right_arithmetic3A_906 : i32
          %mul3A_908 = arith.constant 128 : i32
          %mul3A_909 = arith.muli %shift_right_arithmetic3A_907, %mul3A_908 : i32
          %multiple_of3A_910 = tpu.assume_multiple %mul3A_909, 128 : i32
          %dma_start3A_911 = arith.constant 0 : i32
          %dma_start3A_912 = arith.constant 7 : i32
          %dma_start3A_913 = arith.constant 0 : i32
          %dma_start3A_914 = arith.constant 0 : i32
          %dma_start3A_915 = arith.constant 0 : i32
          %dma_start3A_916 = tpu.memref_slice %arg6[%dma_start3A_911, %dma_start3A_912, %dma_start3A_913, %dma_start3A_914, %dma_start3A_915] : memref<3x8x4x8x128xf32, #tpu.memory_space<vmem>> -> memref<1x1x4x8x128xf32, #tpu.memory_space<vmem>>
          %dma_start3A_917 = tpu.memref_squeeze %dma_start3A_916 : memref<1x1x4x8x128xf32, #tpu.memory_space<vmem>> -> memref<4x8x128xf32, #tpu.memory_space<vmem>>
          %dma_start3A_918 = arith.constant 0 : i32
          %dma_start3A_919 = arith.constant 0 : i32
          %dma_start3A_920 = tpu.memref_slice %arg3[%dma_start3A_918, %dma_start3A_919, %multiple_of3A_910] : memref<4x8x1000000xf32, #tpu.memory_space<hbm>> -> memref<4x8x128xf32, #tpu.memory_space<hbm>>
          %dma_start3A_921 = arith.constant 0 : i32
          %dma_start3A_922 = arith.constant 0 : i32
          %dma_start3A_923 = arith.constant 0 : i32
          %dma_start3A_924 = tpu.memref_slice %arg6[%dma_start3A_911, %dma_start3A_912, %dma_start3A_921, %dma_start3A_922, %dma_start3A_923] : memref<3x8x4x8x128xf32, #tpu.memory_space<vmem>> -> memref<1x1x4x8x128xf32, #tpu.memory_space<vmem>>
          %dma_start3A_925 = tpu.memref_squeeze %dma_start3A_924 : memref<1x1x4x8x128xf32, #tpu.memory_space<vmem>> -> memref<4x8x128xf32, #tpu.memory_space<vmem>>
          %dma_start3A_926 = arith.constant 0 : i32
          %dma_start3A_927 = arith.constant 0 : i32
          %dma_start3A_928 = tpu.memref_slice %arg3[%dma_start3A_926, %dma_start3A_927, %multiple_of3A_910] : memref<4x8x1000000xf32, #tpu.memory_space<hbm>> -> memref<4x8x128xf32, #tpu.memory_space<hbm>>
          tpu.enqueue_dma source(%dma_start3A_928 : memref<4x8x128xf32, #tpu.memory_space<hbm>>) target(%dma_start3A_925 : memref<4x8x128xf32, #tpu.memory_space<vmem>>) target_semaphore(%arg8 : memref<!tpu.dma_semaphore, #tpu.memory_space<semaphore_mem>>)
        } else {
        }
        %dma_wait3A = arith.constant 1 : i32
        %dma_wait3A_437 = arith.constant 0 : i32
        %dma_wait3A_438 = arith.constant 0 : i32
        %dma_wait3A_439 = arith.constant 0 : i32
        %dma_wait3A_440 = arith.constant 0 : i32
        %dma_wait3A_441 = tpu.memref_slice %arg6[%dma_wait3A, %dma_wait3A_437, %dma_wait3A_438, %dma_wait3A_439, %dma_wait3A_440] : memref<3x8x4x8x128xf32, #tpu.memory_space<vmem>> -> memref<1x1x4x8x128xf32, #tpu.memory_space<vmem>>
        %dma_wait3A_442 = tpu.memref_squeeze %dma_wait3A_441 : memref<1x1x4x8x128xf32, #tpu.memory_space<vmem>> -> memref<4x8x128xf32, #tpu.memory_space<vmem>>
        %dma_wait3A_443 = arith.constant 0 : i32
        %dma_wait3A_444 = arith.constant 0 : i32
        %dma_wait3A_445 = arith.constant 0 : i32
        %dma_wait3A_446 = tpu.memref_slice %arg3[%dma_wait3A_443, %dma_wait3A_444, %dma_wait3A_445] : memref<4x8x1000000xf32, #tpu.memory_space<hbm>> -> memref<4x8x128xf32, #tpu.memory_space<hbm>>
        %dma_wait3A_447 = arith.constant 0 : i32
        %dma_wait3A_448 = arith.constant 0 : i32
        %dma_wait3A_449 = arith.constant 0 : i32
        %dma_wait3A_450 = tpu.memref_slice %arg6[%dma_wait3A, %dma_wait3A_437, %dma_wait3A_447, %dma_wait3A_448, %dma_wait3A_449] : memref<3x8x4x8x128xf32, #tpu.memory_space<vmem>> -> memref<1x1x4x8x128xf32, #tpu.memory_space<vmem>>
        %dma_wait3A_451 = tpu.memref_squeeze %dma_wait3A_450 : memref<1x1x4x8x128xf32, #tpu.memory_space<vmem>> -> memref<4x8x128xf32, #tpu.memory_space<vmem>>
        %dma_wait3A_452 = arith.constant 0 : i32
        %dma_wait3A_453 = arith.constant 0 : i32
        %dma_wait3A_454 = arith.constant 0 : i32
        %dma_wait3A_455 = tpu.memref_slice %arg3[%dma_wait3A_452, %dma_wait3A_453, %dma_wait3A_454] : memref<4x8x1000000xf32, #tpu.memory_space<hbm>> -> memref<4x8x128xf32, #tpu.memory_space<hbm>>
        tpu.wait_dma2 semaphore(%arg9 : memref<!tpu.dma_semaphore, #tpu.memory_space<semaphore_mem>>) src(%dma_wait3A_455 : memref<4x8x128xf32, #tpu.memory_space<hbm>>) dst(%dma_wait3A_451 : memref<4x8x128xf32, #tpu.memory_space<vmem>>)
        %dma_wait3A_456 = arith.constant 1 : i32
        %dma_wait3A_457 = arith.constant 1 : i32
        %dma_wait3A_458 = arith.constant 0 : i32
        %dma_wait3A_459 = arith.constant 0 : i32
        %dma_wait3A_460 = arith.constant 0 : i32
        %dma_wait3A_461 = tpu.memref_slice %arg6[%dma_wait3A_456, %dma_wait3A_457, %dma_wait3A_458, %dma_wait3A_459, %dma_wait3A_460] : memref<3x8x4x8x128xf32, #tpu.memory_space<vmem>> -> memref<1x1x4x8x128xf32, #tpu.memory_space<vmem>>
        %dma_wait3A_462 = tpu.memref_squeeze %dma_wait3A_461 : memref<1x1x4x8x128xf32, #tpu.memory_space<vmem>> -> memref<4x8x128xf32, #tpu.memory_space<vmem>>
        %dma_wait3A_463 = arith.constant 0 : i32
        %dma_wait3A_464 = arith.constant 0 : i32
        %dma_wait3A_465 = arith.constant 0 : i32
        %dma_wait3A_466 = tpu.memref_slice %arg3[%dma_wait3A_463, %dma_wait3A_464, %dma_wait3A_465] : memref<4x8x1000000xf32, #tpu.memory_space<hbm>> -> memref<4x8x128xf32, #tpu.memory_space<hbm>>
        %dma_wait3A_467 = arith.constant 0 : i32
        %dma_wait3A_468 = arith.constant 0 : i32
        %dma_wait3A_469 = arith.constant 0 : i32
        %dma_wait3A_470 = tpu.memref_slice %arg6[%dma_wait3A_456, %dma_wait3A_457, %dma_wait3A_467, %dma_wait3A_468, %dma_wait3A_469] : memref<3x8x4x8x128xf32, #tpu.memory_space<vmem>> -> memref<1x1x4x8x128xf32, #tpu.memory_space<vmem>>
        %dma_wait3A_471 = tpu.memref_squeeze %dma_wait3A_470 : memref<1x1x4x8x128xf32, #tpu.memory_space<vmem>> -> memref<4x8x128xf32, #tpu.memory_space<vmem>>
        %dma_wait3A_472 = arith.constant 0 : i32
        %dma_wait3A_473 = arith.constant 0 : i32
        %dma_wait3A_474 = arith.constant 0 : i32
        %dma_wait3A_475 = tpu.memref_slice %arg3[%dma_wait3A_472, %dma_wait3A_473, %dma_wait3A_474] : memref<4x8x1000000xf32, #tpu.memory_space<hbm>> -> memref<4x8x128xf32, #tpu.memory_space<hbm>>
        tpu.wait_dma2 semaphore(%arg9 : memref<!tpu.dma_semaphore, #tpu.memory_space<semaphore_mem>>) src(%dma_wait3A_475 : memref<4x8x128xf32, #tpu.memory_space<hbm>>) dst(%dma_wait3A_471 : memref<4x8x128xf32, #tpu.memory_space<vmem>>)
        %dma_wait3A_476 = arith.constant 1 : i32
        %dma_wait3A_477 = arith.constant 2 : i32
        %dma_wait3A_478 = arith.constant 0 : i32
        %dma_wait3A_479 = arith.constant 0 : i32
        %dma_wait3A_480 = arith.constant 0 : i32
        %dma_wait3A_481 = tpu.memref_slice %arg6[%dma_wait3A_476, %dma_wait3A_477, %dma_wait3A_478, %dma_wait3A_479, %dma_wait3A_480] : memref<3x8x4x8x128xf32, #tpu.memory_space<vmem>> -> memref<1x1x4x8x128xf32, #tpu.memory_space<vmem>>
        %dma_wait3A_482 = tpu.memref_squeeze %dma_wait3A_481 : memref<1x1x4x8x128xf32, #tpu.memory_space<vmem>> -> memref<4x8x128xf32, #tpu.memory_space<vmem>>
        %dma_wait3A_483 = arith.constant 0 : i32
        %dma_wait3A_484 = arith.constant 0 : i32
        %dma_wait3A_485 = arith.constant 0 : i32
        %dma_wait3A_486 = tpu.memref_slice %arg3[%dma_wait3A_483, %dma_wait3A_484, %dma_wait3A_485] : memref<4x8x1000000xf32, #tpu.memory_space<hbm>> -> memref<4x8x128xf32, #tpu.memory_space<hbm>>
        %dma_wait3A_487 = arith.constant 0 : i32
        %dma_wait3A_488 = arith.constant 0 : i32
        %dma_wait3A_489 = arith.constant 0 : i32
        %dma_wait3A_490 = tpu.memref_slice %arg6[%dma_wait3A_476, %dma_wait3A_477, %dma_wait3A_487, %dma_wait3A_488, %dma_wait3A_489] : memref<3x8x4x8x128xf32, #tpu.memory_space<vmem>> -> memref<1x1x4x8x128xf32, #tpu.memory_space<vmem>>
        %dma_wait3A_491 = tpu.memref_squeeze %dma_wait3A_490 : memref<1x1x4x8x128xf32, #tpu.memory_space<vmem>> -> memref<4x8x128xf32, #tpu.memory_space<vmem>>
        %dma_wait3A_492 = arith.constant 0 : i32
        %dma_wait3A_493 = arith.constant 0 : i32
        %dma_wait3A_494 = arith.constant 0 : i32
        %dma_wait3A_495 = tpu.memref_slice %arg3[%dma_wait3A_492, %dma_wait3A_493, %dma_wait3A_494] : memref<4x8x1000000xf32, #tpu.memory_space<hbm>> -> memref<4x8x128xf32, #tpu.memory_space<hbm>>
        tpu.wait_dma2 semaphore(%arg9 : memref<!tpu.dma_semaphore, #tpu.memory_space<semaphore_mem>>) src(%dma_wait3A_495 : memref<4x8x128xf32, #tpu.memory_space<hbm>>) dst(%dma_wait3A_491 : memref<4x8x128xf32, #tpu.memory_space<vmem>>)
        %dma_wait3A_496 = arith.constant 1 : i32
        %dma_wait3A_497 = arith.constant 3 : i32
        %dma_wait3A_498 = arith.constant 0 : i32
        %dma_wait3A_499 = arith.constant 0 : i32
        %dma_wait3A_500 = arith.constant 0 : i32
        %dma_wait3A_501 = tpu.memref_slice %arg6[%dma_wait3A_496, %dma_wait3A_497, %dma_wait3A_498, %dma_wait3A_499, %dma_wait3A_500] : memref<3x8x4x8x128xf32, #tpu.memory_space<vmem>> -> memref<1x1x4x8x128xf32, #tpu.memory_space<vmem>>
        %dma_wait3A_502 = tpu.memref_squeeze %dma_wait3A_501 : memref<1x1x4x8x128xf32, #tpu.memory_space<vmem>> -> memref<4x8x128xf32, #tpu.memory_space<vmem>>
        %dma_wait3A_503 = arith.constant 0 : i32
        %dma_wait3A_504 = arith.constant 0 : i32
        %dma_wait3A_505 = arith.constant 0 : i32
        %dma_wait3A_506 = tpu.memref_slice %arg3[%dma_wait3A_503, %dma_wait3A_504, %dma_wait3A_505] : memref<4x8x1000000xf32, #tpu.memory_space<hbm>> -> memref<4x8x128xf32, #tpu.memory_space<hbm>>
        %dma_wait3A_507 = arith.constant 0 : i32
        %dma_wait3A_508 = arith.constant 0 : i32
        %dma_wait3A_509 = arith.constant 0 : i32
        %dma_wait3A_510 = tpu.memref_slice %arg6[%dma_wait3A_496, %dma_wait3A_497, %dma_wait3A_507, %dma_wait3A_508, %dma_wait3A_509] : memref<3x8x4x8x128xf32, #tpu.memory_space<vmem>> -> memref<1x1x4x8x128xf32, #tpu.memory_space<vmem>>
        %dma_wait3A_511 = tpu.memref_squeeze %dma_wait3A_510 : memref<1x1x4x8x128xf32, #tpu.memory_space<vmem>> -> memref<4x8x128xf32, #tpu.memory_space<vmem>>
        %dma_wait3A_512 = arith.constant 0 : i32
        %dma_wait3A_513 = arith.constant 0 : i32
        %dma_wait3A_514 = arith.constant 0 : i32
        %dma_wait3A_515 = tpu.memref_slice %arg3[%dma_wait3A_512, %dma_wait3A_513, %dma_wait3A_514] : memref<4x8x1000000xf32, #tpu.memory_space<hbm>> -> memref<4x8x128xf32, #tpu.memory_space<hbm>>
        tpu.wait_dma2 semaphore(%arg9 : memref<!tpu.dma_semaphore, #tpu.memory_space<semaphore_mem>>) src(%dma_wait3A_515 : memref<4x8x128xf32, #tpu.memory_space<hbm>>) dst(%dma_wait3A_511 : memref<4x8x128xf32, #tpu.memory_space<vmem>>)
        %dma_wait3A_516 = arith.constant 1 : i32
        %dma_wait3A_517 = arith.constant 4 : i32
        %dma_wait3A_518 = arith.constant 0 : i32
        %dma_wait3A_519 = arith.constant 0 : i32
        %dma_wait3A_520 = arith.constant 0 : i32
        %dma_wait3A_521 = tpu.memref_slice %arg6[%dma_wait3A_516, %dma_wait3A_517, %dma_wait3A_518, %dma_wait3A_519, %dma_wait3A_520] : memref<3x8x4x8x128xf32, #tpu.memory_space<vmem>> -> memref<1x1x4x8x128xf32, #tpu.memory_space<vmem>>
        %dma_wait3A_522 = tpu.memref_squeeze %dma_wait3A_521 : memref<1x1x4x8x128xf32, #tpu.memory_space<vmem>> -> memref<4x8x128xf32, #tpu.memory_space<vmem>>
        %dma_wait3A_523 = arith.constant 0 : i32
        %dma_wait3A_524 = arith.constant 0 : i32
        %dma_wait3A_525 = arith.constant 0 : i32
        %dma_wait3A_526 = tpu.memref_slice %arg3[%dma_wait3A_523, %dma_wait3A_524, %dma_wait3A_525] : memref<4x8x1000000xf32, #tpu.memory_space<hbm>> -> memref<4x8x128xf32, #tpu.memory_space<hbm>>
        %dma_wait3A_527 = arith.constant 0 : i32
        %dma_wait3A_528 = arith.constant 0 : i32
        %dma_wait3A_529 = arith.constant 0 : i32
        %dma_wait3A_530 = tpu.memref_slice %arg6[%dma_wait3A_516, %dma_wait3A_517, %dma_wait3A_527, %dma_wait3A_528, %dma_wait3A_529] : memref<3x8x4x8x128xf32, #tpu.memory_space<vmem>> -> memref<1x1x4x8x128xf32, #tpu.memory_space<vmem>>
        %dma_wait3A_531 = tpu.memref_squeeze %dma_wait3A_530 : memref<1x1x4x8x128xf32, #tpu.memory_space<vmem>> -> memref<4x8x128xf32, #tpu.memory_space<vmem>>
        %dma_wait3A_532 = arith.constant 0 : i32
        %dma_wait3A_533 = arith.constant 0 : i32
        %dma_wait3A_534 = arith.constant 0 : i32
        %dma_wait3A_535 = tpu.memref_slice %arg3[%dma_wait3A_532, %dma_wait3A_533, %dma_wait3A_534] : memref<4x8x1000000xf32, #tpu.memory_space<hbm>> -> memref<4x8x128xf32, #tpu.memory_space<hbm>>
        tpu.wait_dma2 semaphore(%arg9 : memref<!tpu.dma_semaphore, #tpu.memory_space<semaphore_mem>>) src(%dma_wait3A_535 : memref<4x8x128xf32, #tpu.memory_space<hbm>>) dst(%dma_wait3A_531 : memref<4x8x128xf32, #tpu.memory_space<vmem>>)
        %dma_wait3A_536 = arith.constant 1 : i32
        %dma_wait3A_537 = arith.constant 5 : i32
        %dma_wait3A_538 = arith.constant 0 : i32
        %dma_wait3A_539 = arith.constant 0 : i32
        %dma_wait3A_540 = arith.constant 0 : i32
        %dma_wait3A_541 = tpu.memref_slice %arg6[%dma_wait3A_536, %dma_wait3A_537, %dma_wait3A_538, %dma_wait3A_539, %dma_wait3A_540] : memref<3x8x4x8x128xf32, #tpu.memory_space<vmem>> -> memref<1x1x4x8x128xf32, #tpu.memory_space<vmem>>
        %dma_wait3A_542 = tpu.memref_squeeze %dma_wait3A_541 : memref<1x1x4x8x128xf32, #tpu.memory_space<vmem>> -> memref<4x8x128xf32, #tpu.memory_space<vmem>>
        %dma_wait3A_543 = arith.constant 0 : i32
        %dma_wait3A_544 = arith.constant 0 : i32
        %dma_wait3A_545 = arith.constant 0 : i32
        %dma_wait3A_546 = tpu.memref_slice %arg3[%dma_wait3A_543, %dma_wait3A_544, %dma_wait3A_545] : memref<4x8x1000000xf32, #tpu.memory_space<hbm>> -> memref<4x8x128xf32, #tpu.memory_space<hbm>>
        %dma_wait3A_547 = arith.constant 0 : i32
        %dma_wait3A_548 = arith.constant 0 : i32
        %dma_wait3A_549 = arith.constant 0 : i32
        %dma_wait3A_550 = tpu.memref_slice %arg6[%dma_wait3A_536, %dma_wait3A_537, %dma_wait3A_547, %dma_wait3A_548, %dma_wait3A_549] : memref<3x8x4x8x128xf32, #tpu.memory_space<vmem>> -> memref<1x1x4x8x128xf32, #tpu.memory_space<vmem>>
        %dma_wait3A_551 = tpu.memref_squeeze %dma_wait3A_550 : memref<1x1x4x8x128xf32, #tpu.memory_space<vmem>> -> memref<4x8x128xf32, #tpu.memory_space<vmem>>
        %dma_wait3A_552 = arith.constant 0 : i32
        %dma_wait3A_553 = arith.constant 0 : i32
        %dma_wait3A_554 = arith.constant 0 : i32
        %dma_wait3A_555 = tpu.memref_slice %arg3[%dma_wait3A_552, %dma_wait3A_553, %dma_wait3A_554] : memref<4x8x1000000xf32, #tpu.memory_space<hbm>> -> memref<4x8x128xf32, #tpu.memory_space<hbm>>
        tpu.wait_dma2 semaphore(%arg9 : memref<!tpu.dma_semaphore, #tpu.memory_space<semaphore_mem>>) src(%dma_wait3A_555 : memref<4x8x128xf32, #tpu.memory_space<hbm>>) dst(%dma_wait3A_551 : memref<4x8x128xf32, #tpu.memory_space<vmem>>)
        %dma_wait3A_556 = arith.constant 1 : i32
        %dma_wait3A_557 = arith.constant 6 : i32
        %dma_wait3A_558 = arith.constant 0 : i32
        %dma_wait3A_559 = arith.constant 0 : i32
        %dma_wait3A_560 = arith.constant 0 : i32
        %dma_wait3A_561 = tpu.memref_slice %arg6[%dma_wait3A_556, %dma_wait3A_557, %dma_wait3A_558, %dma_wait3A_559, %dma_wait3A_560] : memref<3x8x4x8x128xf32, #tpu.memory_space<vmem>> -> memref<1x1x4x8x128xf32, #tpu.memory_space<vmem>>
        %dma_wait3A_562 = tpu.memref_squeeze %dma_wait3A_561 : memref<1x1x4x8x128xf32, #tpu.memory_space<vmem>> -> memref<4x8x128xf32, #tpu.memory_space<vmem>>
        %dma_wait3A_563 = arith.constant 0 : i32
        %dma_wait3A_564 = arith.constant 0 : i32
        %dma_wait3A_565 = arith.constant 0 : i32
        %dma_wait3A_566 = tpu.memref_slice %arg3[%dma_wait3A_563, %dma_wait3A_564, %dma_wait3A_565] : memref<4x8x1000000xf32, #tpu.memory_space<hbm>> -> memref<4x8x128xf32, #tpu.memory_space<hbm>>
        %dma_wait3A_567 = arith.constant 0 : i32
        %dma_wait3A_568 = arith.constant 0 : i32
        %dma_wait3A_569 = arith.constant 0 : i32
        %dma_wait3A_570 = tpu.memref_slice %arg6[%dma_wait3A_556, %dma_wait3A_557, %dma_wait3A_567, %dma_wait3A_568, %dma_wait3A_569] : memref<3x8x4x8x128xf32, #tpu.memory_space<vmem>> -> memref<1x1x4x8x128xf32, #tpu.memory_space<vmem>>
        %dma_wait3A_571 = tpu.memref_squeeze %dma_wait3A_570 : memref<1x1x4x8x128xf32, #tpu.memory_space<vmem>> -> memref<4x8x128xf32, #tpu.memory_space<vmem>>
        %dma_wait3A_572 = arith.constant 0 : i32
        %dma_wait3A_573 = arith.constant 0 : i32
        %dma_wait3A_574 = arith.constant 0 : i32
        %dma_wait3A_575 = tpu.memref_slice %arg3[%dma_wait3A_572, %dma_wait3A_573, %dma_wait3A_574] : memref<4x8x1000000xf32, #tpu.memory_space<hbm>> -> memref<4x8x128xf32, #tpu.memory_space<hbm>>
        tpu.wait_dma2 semaphore(%arg9 : memref<!tpu.dma_semaphore, #tpu.memory_space<semaphore_mem>>) src(%dma_wait3A_575 : memref<4x8x128xf32, #tpu.memory_space<hbm>>) dst(%dma_wait3A_571 : memref<4x8x128xf32, #tpu.memory_space<vmem>>)
        %dma_wait3A_576 = arith.constant 1 : i32
        %dma_wait3A_577 = arith.constant 7 : i32
        %dma_wait3A_578 = arith.constant 0 : i32
        %dma_wait3A_579 = arith.constant 0 : i32
        %dma_wait3A_580 = arith.constant 0 : i32
        %dma_wait3A_581 = tpu.memref_slice %arg6[%dma_wait3A_576, %dma_wait3A_577, %dma_wait3A_578, %dma_wait3A_579, %dma_wait3A_580] : memref<3x8x4x8x128xf32, #tpu.memory_space<vmem>> -> memref<1x1x4x8x128xf32, #tpu.memory_space<vmem>>
        %dma_wait3A_582 = tpu.memref_squeeze %dma_wait3A_581 : memref<1x1x4x8x128xf32, #tpu.memory_space<vmem>> -> memref<4x8x128xf32, #tpu.memory_space<vmem>>
        %dma_wait3A_583 = arith.constant 0 : i32
        %dma_wait3A_584 = arith.constant 0 : i32
        %dma_wait3A_585 = arith.constant 0 : i32
        %dma_wait3A_586 = tpu.memref_slice %arg3[%dma_wait3A_583, %dma_wait3A_584, %dma_wait3A_585] : memref<4x8x1000000xf32, #tpu.memory_space<hbm>> -> memref<4x8x128xf32, #tpu.memory_space<hbm>>
        %dma_wait3A_587 = arith.constant 0 : i32
        %dma_wait3A_588 = arith.constant 0 : i32
        %dma_wait3A_589 = arith.constant 0 : i32
        %dma_wait3A_590 = tpu.memref_slice %arg6[%dma_wait3A_576, %dma_wait3A_577, %dma_wait3A_587, %dma_wait3A_588, %dma_wait3A_589] : memref<3x8x4x8x128xf32, #tpu.memory_space<vmem>> -> memref<1x1x4x8x128xf32, #tpu.memory_space<vmem>>
        %dma_wait3A_591 = tpu.memref_squeeze %dma_wait3A_590 : memref<1x1x4x8x128xf32, #tpu.memory_space<vmem>> -> memref<4x8x128xf32, #tpu.memory_space<vmem>>
        %dma_wait3A_592 = arith.constant 0 : i32
        %dma_wait3A_593 = arith.constant 0 : i32
        %dma_wait3A_594 = arith.constant 0 : i32
        %dma_wait3A_595 = tpu.memref_slice %arg3[%dma_wait3A_592, %dma_wait3A_593, %dma_wait3A_594] : memref<4x8x1000000xf32, #tpu.memory_space<hbm>> -> memref<4x8x128xf32, #tpu.memory_space<hbm>>
        tpu.wait_dma2 semaphore(%arg9 : memref<!tpu.dma_semaphore, #tpu.memory_space<semaphore_mem>>) src(%dma_wait3A_595 : memref<4x8x128xf32, #tpu.memory_space<hbm>>) dst(%dma_wait3A_591 : memref<4x8x128xf32, #tpu.memory_space<vmem>>)
        %mul3A_596 = arith.constant 8 : i32
        %mul3A_597 = arith.muli %scan3A_417, %mul3A_596 : i32
        %get3A_598 = arith.index_cast %mul3A_597 : i32 to index
        %get3A_599 = tpu.vector_load %arg5[%get3A_598] {strides = array<i32>} : memref<528xi32, #tpu.memory_space<vmem>>, vector<16xi32>,
        %and3A_600 = arith.constant 127 : i32
        %and3A_601 = vector.broadcast %and3A_600 : i32 to vector<16xi32>
        %and3A_602 = arith.andi %get3A_599, %and3A_601 : vector<16xi32>
        %broadcast_in_dim3A = arith.constant 1 : i32
        %broadcast_in_dim3A_603 = vector.broadcast %broadcast_in_dim3A : i32 to vector<16xi32>
        %broadcast_in_dim3A_604 = arith.constant 0 : i32
        %broadcast_in_dim3A_605 = vector.broadcast %broadcast_in_dim3A_604 : i32 to vector<16xi32>
        %slice3A_606 = vector.extract_strided_slice %and3A_602 {offsets = [0], sizes = [1], strides = [1]} : vector<16xi32> to vector<1xi32>
        %squeeze3A_607 = vector.extract %slice3A_606[0] : i32 from vector<1xi32>
        %broadcast_in_dim3A_608 = vector.broadcast %squeeze3A_607 : i32 to vector<16xi32>
        %mul3A_609 = arith.constant 8 : i32
        %mul3A_610 = arith.muli %scan3A_417, %mul3A_609 : i32
        %add3A_611 = arith.constant 0 : i32
        %add3A_612 = arith.addi %mul3A_610, %add3A_611 : i32
        %broadcast_in_dim3A_613 = vector.broadcast %add3A_612 : i32 to vector<16xi32>
        %gather3A = tpu.vector_load_idx %arg6[%broadcast_in_dim3A_603, %broadcast_in_dim3A_605, %shift_right_arithmetic3A_4, %and3A_6, %broadcast_in_dim3A_608] : memref<3x8x4x8x128xf32, #tpu.memory_space<vmem>>[vector<16xi32>, vector<16xi32>, vector<16xi32>, vector<16xi32>, vector<16xi32>], vector<16xf32>,
        %gather3A_614 = tpu.vector_load_idx %arg6[%broadcast_in_dim3A_603, %broadcast_in_dim3A_605, %shift_right_arithmetic3A_12, %and3A_6, %broadcast_in_dim3A_608] : memref<3x8x4x8x128xf32, #tpu.memory_space<vmem>>[vector<16xi32>, vector<16xi32>, vector<16xi32>, vector<16xi32>, vector<16xi32>], vector<16xf32>,
        tpu.vector_store_idx %arg7[%iota3A, %broadcast_in_dim3A_613], %gather3A : memref<32x512xf32, #tpu.memory_space<vmem>>[vector<16xi32>, vector<16xi32>], vector<16xf32>,
        %add3A_615 = arith.constant 16 : i32
        %add3A_616 = vector.broadcast %add3A_615 : i32 to vector<16xi32>
        %add3A_617 = arith.addi %iota3A, %add3A_616 : vector<16xi32>
        tpu.vector_store_idx %arg7[%add3A_617, %broadcast_in_dim3A_613], %gather3A_614 : memref<32x512xf32, #tpu.memory_space<vmem>>[vector<16xi32>, vector<16xi32>], vector<16xf32>,
        %broadcast_in_dim3A_618 = arith.constant 1 : i32
        %broadcast_in_dim3A_619 = vector.broadcast %broadcast_in_dim3A_618 : i32 to vector<16xi32>
        %slice3A_620 = vector.extract_strided_slice %and3A_602 {offsets = [1], sizes = [1], strides = [1]} : vector<16xi32> to vector<1xi32>
        %squeeze3A_621 = vector.extract %slice3A_620[0] : i32 from vector<1xi32>
        %broadcast_in_dim3A_622 = vector.broadcast %squeeze3A_621 : i32 to vector<16xi32>
        %mul3A_623 = arith.constant 8 : i32
        %mul3A_624 = arith.muli %scan3A_417, %mul3A_623 : i32
        %add3A_625 = arith.constant 1 : i32
        %add3A_626 = arith.addi %mul3A_624, %add3A_625 : i32
        %broadcast_in_dim3A_627 = vector.broadcast %add3A_626 : i32 to vector<16xi32>
        %gather3A_628 = tpu.vector_load_idx %arg6[%broadcast_in_dim3A_603, %broadcast_in_dim3A_619, %shift_right_arithmetic3A_4, %and3A_6, %broadcast_in_dim3A_622] : memref<3x8x4x8x128xf32, #tpu.memory_space<vmem>>[vector<16xi32>, vector<16xi32>, vector<16xi32>, vector<16xi32>, vector<16xi32>], vector<16xf32>,
        %gather3A_629 = tpu.vector_load_idx %arg6[%broadcast_in_dim3A_603, %broadcast_in_dim3A_619, %shift_right_arithmetic3A_12, %and3A_6, %broadcast_in_dim3A_622] : memref<3x8x4x8x128xf32, #tpu.memory_space<vmem>>[vector<16xi32>, vector<16xi32>, vector<16xi32>, vector<16xi32>, vector<16xi32>], vector<16xf32>,
        tpu.vector_store_idx %arg7[%iota3A, %broadcast_in_dim3A_627], %gather3A_628 : memref<32x512xf32, #tpu.memory_space<vmem>>[vector<16xi32>, vector<16xi32>], vector<16xf32>,
        %add3A_630 = arith.constant 16 : i32
        %add3A_631 = vector.broadcast %add3A_630 : i32 to vector<16xi32>
        %add3A_632 = arith.addi %iota3A, %add3A_631 : vector<16xi32>
        tpu.vector_store_idx %arg7[%add3A_632, %broadcast_in_dim3A_627], %gather3A_629 : memref<32x512xf32, #tpu.memory_space<vmem>>[vector<16xi32>, vector<16xi32>], vector<16xf32>,
        %broadcast_in_dim3A_633 = arith.constant 2 : i32
        %broadcast_in_dim3A_634 = vector.broadcast %broadcast_in_dim3A_633 : i32 to vector<16xi32>
        %slice3A_635 = vector.extract_strided_slice %and3A_602 {offsets = [2], sizes = [1], strides = [1]} : vector<16xi32> to vector<1xi32>
        %squeeze3A_636 = vector.extract %slice3A_635[0] : i32 from vector<1xi32>
        %broadcast_in_dim3A_637 = vector.broadcast %squeeze3A_636 : i32 to vector<16xi32>
        %mul3A_638 = arith.constant 8 : i32
        %mul3A_639 = arith.muli %scan3A_417, %mul3A_638 : i32
        %add3A_640 = arith.constant 2 : i32
        %add3A_641 = arith.addi %mul3A_639, %add3A_640 : i32
        %broadcast_in_dim3A_642 = vector.broadcast %add3A_641 : i32 to vector<16xi32>
        %gather3A_643 = tpu.vector_load_idx %arg6[%broadcast_in_dim3A_603, %broadcast_in_dim3A_634, %shift_right_arithmetic3A_4, %and3A_6, %broadcast_in_dim3A_637] : memref<3x8x4x8x128xf32, #tpu.memory_space<vmem>>[vector<16xi32>, vector<16xi32>, vector<16xi32>, vector<16xi32>, vector<16xi32>], vector<16xf32>,
        %gather3A_644 = tpu.vector_load_idx %arg6[%broadcast_in_dim3A_603, %broadcast_in_dim3A_634, %shift_right_arithmetic3A_12, %and3A_6, %broadcast_in_dim3A_637] : memref<3x8x4x8x128xf32, #tpu.memory_space<vmem>>[vector<16xi32>, vector<16xi32>, vector<16xi32>, vector<16xi32>, vector<16xi32>], vector<16xf32>,
        tpu.vector_store_idx %arg7[%iota3A, %broadcast_in_dim3A_642], %gather3A_643 : memref<32x512xf32, #tpu.memory_space<vmem>>[vector<16xi32>, vector<16xi32>], vector<16xf32>,
        %add3A_645 = arith.constant 16 : i32
        %add3A_646 = vector.broadcast %add3A_645 : i32 to vector<16xi32>
        %add3A_647 = arith.addi %iota3A, %add3A_646 : vector<16xi32>
        tpu.vector_store_idx %arg7[%add3A_647, %broadcast_in_dim3A_642], %gather3A_644 : memref<32x512xf32, #tpu.memory_space<vmem>>[vector<16xi32>, vector<16xi32>], vector<16xf32>,
        %broadcast_in_dim3A_648 = arith.constant 3 : i32
        %broadcast_in_dim3A_649 = vector.broadcast %broadcast_in_dim3A_648 : i32 to vector<16xi32>
        %slice3A_650 = vector.extract_strided_slice %and3A_602 {offsets = [3], sizes = [1], strides = [1]} : vector<16xi32> to vector<1xi32>
        %squeeze3A_651 = vector.extract %slice3A_650[0] : i32 from vector<1xi32>
        %broadcast_in_dim3A_652 = vector.broadcast %squeeze3A_651 : i32 to vector<16xi32>
        %mul3A_653 = arith.constant 8 : i32
        %mul3A_654 = arith.muli %scan3A_417, %mul3A_653 : i32
        %add3A_655 = arith.constant 3 : i32
        %add3A_656 = arith.addi %mul3A_654, %add3A_655 : i32
        %broadcast_in_dim3A_657 = vector.broadcast %add3A_656 : i32 to vector<16xi32>
        %gather3A_658 = tpu.vector_load_idx %arg6[%broadcast_in_dim3A_603, %broadcast_in_dim3A_649, %shift_right_arithmetic3A_4, %and3A_6, %broadcast_in_dim3A_652] : memref<3x8x4x8x128xf32, #tpu.memory_space<vmem>>[vector<16xi32>, vector<16xi32>, vector<16xi32>, vector<16xi32>, vector<16xi32>], vector<16xf32>,
        %gather3A_659 = tpu.vector_load_idx %arg6[%broadcast_in_dim3A_603, %broadcast_in_dim3A_649, %shift_right_arithmetic3A_12, %and3A_6, %broadcast_in_dim3A_652] : memref<3x8x4x8x128xf32, #tpu.memory_space<vmem>>[vector<16xi32>, vector<16xi32>, vector<16xi32>, vector<16xi32>, vector<16xi32>], vector<16xf32>,
        tpu.vector_store_idx %arg7[%iota3A, %broadcast_in_dim3A_657], %gather3A_658 : memref<32x512xf32, #tpu.memory_space<vmem>>[vector<16xi32>, vector<16xi32>], vector<16xf32>,
        %add3A_660 = arith.constant 16 : i32
        %add3A_661 = vector.broadcast %add3A_660 : i32 to vector<16xi32>
        %add3A_662 = arith.addi %iota3A, %add3A_661 : vector<16xi32>
        tpu.vector_store_idx %arg7[%add3A_662, %broadcast_in_dim3A_657], %gather3A_659 : memref<32x512xf32, #tpu.memory_space<vmem>>[vector<16xi32>, vector<16xi32>], vector<16xf32>,
        %broadcast_in_dim3A_663 = arith.constant 4 : i32
        %broadcast_in_dim3A_664 = vector.broadcast %broadcast_in_dim3A_663 : i32 to vector<16xi32>
        %slice3A_665 = vector.extract_strided_slice %and3A_602 {offsets = [4], sizes = [1], strides = [1]} : vector<16xi32> to vector<1xi32>
        %squeeze3A_666 = vector.extract %slice3A_665[0] : i32 from vector<1xi32>
        %broadcast_in_dim3A_667 = vector.broadcast %squeeze3A_666 : i32 to vector<16xi32>
        %mul3A_668 = arith.constant 8 : i32
        %mul3A_669 = arith.muli %scan3A_417, %mul3A_668 : i32
        %add3A_670 = arith.constant 4 : i32
        %add3A_671 = arith.addi %mul3A_669, %add3A_670 : i32
        %broadcast_in_dim3A_672 = vector.broadcast %add3A_671 : i32 to vector<16xi32>
        %gather3A_673 = tpu.vector_load_idx %arg6[%broadcast_in_dim3A_603, %broadcast_in_dim3A_664, %shift_right_arithmetic3A_4, %and3A_6, %broadcast_in_dim3A_667] : memref<3x8x4x8x128xf32, #tpu.memory_space<vmem>>[vector<16xi32>, vector<16xi32>, vector<16xi32>, vector<16xi32>, vector<16xi32>], vector<16xf32>,
        %gather3A_674 = tpu.vector_load_idx %arg6[%broadcast_in_dim3A_603, %broadcast_in_dim3A_664, %shift_right_arithmetic3A_12, %and3A_6, %broadcast_in_dim3A_667] : memref<3x8x4x8x128xf32, #tpu.memory_space<vmem>>[vector<16xi32>, vector<16xi32>, vector<16xi32>, vector<16xi32>, vector<16xi32>], vector<16xf32>,
        tpu.vector_store_idx %arg7[%iota3A, %broadcast_in_dim3A_672], %gather3A_673 : memref<32x512xf32, #tpu.memory_space<vmem>>[vector<16xi32>, vector<16xi32>], vector<16xf32>,
        %add3A_675 = arith.constant 16 : i32
        %add3A_676 = vector.broadcast %add3A_675 : i32 to vector<16xi32>
        %add3A_677 = arith.addi %iota3A, %add3A_676 : vector<16xi32>
        tpu.vector_store_idx %arg7[%add3A_677, %broadcast_in_dim3A_672], %gather3A_674 : memref<32x512xf32, #tpu.memory_space<vmem>>[vector<16xi32>, vector<16xi32>], vector<16xf32>,
        %broadcast_in_dim3A_678 = arith.constant 5 : i32
        %broadcast_in_dim3A_679 = vector.broadcast %broadcast_in_dim3A_678 : i32 to vector<16xi32>
        %slice3A_680 = vector.extract_strided_slice %and3A_602 {offsets = [5], sizes = [1], strides = [1]} : vector<16xi32> to vector<1xi32>
        %squeeze3A_681 = vector.extract %slice3A_680[0] : i32 from vector<1xi32>
        %broadcast_in_dim3A_682 = vector.broadcast %squeeze3A_681 : i32 to vector<16xi32>
        %mul3A_683 = arith.constant 8 : i32
        %mul3A_684 = arith.muli %scan3A_417, %mul3A_683 : i32
        %add3A_685 = arith.constant 5 : i32
        %add3A_686 = arith.addi %mul3A_684, %add3A_685 : i32
        %broadcast_in_dim3A_687 = vector.broadcast %add3A_686 : i32 to vector<16xi32>
        %gather3A_688 = tpu.vector_load_idx %arg6[%broadcast_in_dim3A_603, %broadcast_in_dim3A_679, %shift_right_arithmetic3A_4, %and3A_6, %broadcast_in_dim3A_682] : memref<3x8x4x8x128xf32, #tpu.memory_space<vmem>>[vector<16xi32>, vector<16xi32>, vector<16xi32>, vector<16xi32>, vector<16xi32>], vector<16xf32>,
        %gather3A_689 = tpu.vector_load_idx %arg6[%broadcast_in_dim3A_603, %broadcast_in_dim3A_679, %shift_right_arithmetic3A_12, %and3A_6, %broadcast_in_dim3A_682] : memref<3x8x4x8x128xf32, #tpu.memory_space<vmem>>[vector<16xi32>, vector<16xi32>, vector<16xi32>, vector<16xi32>, vector<16xi32>], vector<16xf32>,
        tpu.vector_store_idx %arg7[%iota3A, %broadcast_in_dim3A_687], %gather3A_688 : memref<32x512xf32, #tpu.memory_space<vmem>>[vector<16xi32>, vector<16xi32>], vector<16xf32>,
        %add3A_690 = arith.constant 16 : i32
        %add3A_691 = vector.broadcast %add3A_690 : i32 to vector<16xi32>
        %add3A_692 = arith.addi %iota3A, %add3A_691 : vector<16xi32>
        tpu.vector_store_idx %arg7[%add3A_692, %broadcast_in_dim3A_687], %gather3A_689 : memref<32x512xf32, #tpu.memory_space<vmem>>[vector<16xi32>, vector<16xi32>], vector<16xf32>,
        %broadcast_in_dim3A_693 = arith.constant 6 : i32
        %broadcast_in_dim3A_694 = vector.broadcast %broadcast_in_dim3A_693 : i32 to vector<16xi32>
        %slice3A_695 = vector.extract_strided_slice %and3A_602 {offsets = [6], sizes = [1], strides = [1]} : vector<16xi32> to vector<1xi32>
        %squeeze3A_696 = vector.extract %slice3A_695[0] : i32 from vector<1xi32>
        %broadcast_in_dim3A_697 = vector.broadcast %squeeze3A_696 : i32 to vector<16xi32>
        %mul3A_698 = arith.constant 8 : i32
        %mul3A_699 = arith.muli %scan3A_417, %mul3A_698 : i32
        %add3A_700 = arith.constant 6 : i32
        %add3A_701 = arith.addi %mul3A_699, %add3A_700 : i32
        %broadcast_in_dim3A_702 = vector.broadcast %add3A_701 : i32 to vector<16xi32>
        %gather3A_703 = tpu.vector_load_idx %arg6[%broadcast_in_dim3A_603, %broadcast_in_dim3A_694, %shift_right_arithmetic3A_4, %and3A_6, %broadcast_in_dim3A_697] : memref<3x8x4x8x128xf32, #tpu.memory_space<vmem>>[vector<16xi32>, vector<16xi32>, vector<16xi32>, vector<16xi32>, vector<16xi32>], vector<16xf32>,
        %gather3A_704 = tpu.vector_load_idx %arg6[%broadcast_in_dim3A_603, %broadcast_in_dim3A_694, %shift_right_arithmetic3A_12, %and3A_6, %broadcast_in_dim3A_697] : memref<3x8x4x8x128xf32, #tpu.memory_space<vmem>>[vector<16xi32>, vector<16xi32>, vector<16xi32>, vector<16xi32>, vector<16xi32>], vector<16xf32>,
        tpu.vector_store_idx %arg7[%iota3A, %broadcast_in_dim3A_702], %gather3A_703 : memref<32x512xf32, #tpu.memory_space<vmem>>[vector<16xi32>, vector<16xi32>], vector<16xf32>,
        %add3A_705 = arith.constant 16 : i32
        %add3A_706 = vector.broadcast %add3A_705 : i32 to vector<16xi32>
        %add3A_707 = arith.addi %iota3A, %add3A_706 : vector<16xi32>
        tpu.vector_store_idx %arg7[%add3A_707, %broadcast_in_dim3A_702], %gather3A_704 : memref<32x512xf32, #tpu.memory_space<vmem>>[vector<16xi32>, vector<16xi32>], vector<16xf32>,
        %broadcast_in_dim3A_708 = arith.constant 7 : i32
        %broadcast_in_dim3A_709 = vector.broadcast %broadcast_in_dim3A_708 : i32 to vector<16xi32>
        %slice3A_710 = vector.extract_strided_slice %and3A_602 {offsets = [7], sizes = [1], strides = [1]} : vector<16xi32> to vector<1xi32>
        %squeeze3A_711 = vector.extract %slice3A_710[0] : i32 from vector<1xi32>
        %broadcast_in_dim3A_712 = vector.broadcast %squeeze3A_711 : i32 to vector<16xi32>
        %mul3A_713 = arith.constant 8 : i32
        %mul3A_714 = arith.muli %scan3A_417, %mul3A_713 : i32
        %add3A_715 = arith.constant 7 : i32
        %add3A_716 = arith.addi %mul3A_714, %add3A_715 : i32
        %broadcast_in_dim3A_717 = vector.broadcast %add3A_716 : i32 to vector<16xi32>
        %gather3A_718 = tpu.vector_load_idx %arg6[%broadcast_in_dim3A_603, %broadcast_in_dim3A_709, %shift_right_arithmetic3A_4, %and3A_6, %broadcast_in_dim3A_712] : memref<3x8x4x8x128xf32, #tpu.memory_space<vmem>>[vector<16xi32>, vector<16xi32>, vector<16xi32>, vector<16xi32>, vector<16xi32>], vector<16xf32>,
        %gather3A_719 = tpu.vector_load_idx %arg6[%broadcast_in_dim3A_603, %broadcast_in_dim3A_709, %shift_right_arithmetic3A_12, %and3A_6, %broadcast_in_dim3A_712] : memref<3x8x4x8x128xf32, #tpu.memory_space<vmem>>[vector<16xi32>, vector<16xi32>, vector<16xi32>, vector<16xi32>, vector<16xi32>], vector<16xf32>,
        tpu.vector_store_idx %arg7[%iota3A, %broadcast_in_dim3A_717], %gather3A_718 : memref<32x512xf32, #tpu.memory_space<vmem>>[vector<16xi32>, vector<16xi32>], vector<16xf32>,
        %add3A_720 = arith.constant 16 : i32
        %add3A_721 = vector.broadcast %add3A_720 : i32 to vector<16xi32>
        %add3A_722 = arith.addi %iota3A, %add3A_721 : vector<16xi32>
        tpu.vector_store_idx %arg7[%add3A_722, %broadcast_in_dim3A_717], %gather3A_719 : memref<32x512xf32, #tpu.memory_space<vmem>>[vector<16xi32>, vector<16xi32>], vector<16xf32>,
      } else {
      }
      %eq3A_426 = arith.constant 2 : i32
      %eq3A_427 = arith.cmpi eq, %rem3A_418, %eq3A_426 : i32
      %convert_element_type3A_428 = arith.extui %eq3A_427 : i1 to i32
      %cond3A_429 = arith.constant 0 : i32
      %cond3A_430 = arith.cmpi ne, %convert_element_type3A_428, %cond3A_429 : i32
      scf.if %cond3A_430 {
        %add3A_431 = arith.constant 2 : i32
        %add3A_432 = arith.addi %scan3A_417, %add3A_431 : i32
        %lt3A = arith.constant 64 : i32
        %lt3A_433 = arith.cmpi slt, %add3A_432, %lt3A : i32
        %convert_element_type3A_434 = arith.extui %lt3A_433 : i1 to i32
        %cond3A_435 = arith.constant 0 : i32
        %cond3A_436 = arith.cmpi ne, %convert_element_type3A_434, %cond3A_435 : i32
        scf.if %cond3A_436 {
          %add3A_723 = arith.constant 2 : i32
          %add3A_724 = arith.addi %scan3A_417, %add3A_723 : i32
          %mul3A_725 = arith.constant 8 : i32
          %mul3A_726 = arith.muli %add3A_724, %mul3A_725 : i32
          %get3A_727 = arith.index_cast %mul3A_726 : i32 to index
          %get3A_728 = tpu.vector_load %arg5[%get3A_727] {strides = array<i32>} : memref<528xi32, #tpu.memory_space<vmem>>, vector<16xi32>,
          %slice3A_729 = vector.extract_strided_slice %get3A_728 {offsets = [0], sizes = [1], strides = [1]} : vector<16xi32> to vector<1xi32>
          %squeeze3A_730 = vector.extract %slice3A_729[0] : i32 from vector<1xi32>
          %shift_right_arithmetic3A_731 = arith.constant 7 : i32
          %shift_right_arithmetic3A_732 = arith.shrsi %squeeze3A_730, %shift_right_arithmetic3A_731 : i32
          %mul3A_733 = arith.constant 128 : i32
          %mul3A_734 = arith.muli %shift_right_arithmetic3A_732, %mul3A_733 : i32
          %multiple_of3A_735 = tpu.assume_multiple %mul3A_734, 128 : i32
          %dma_start3A_736 = arith.constant 1 : i32
          %dma_start3A_737 = arith.constant 0 : i32
          %dma_start3A_738 = arith.constant 0 : i32
          %dma_start3A_739 = arith.constant 0 : i32
          %dma_start3A_740 = arith.constant 0 : i32
          %dma_start3A_741 = tpu.memref_slice %arg6[%dma_start3A_736, %dma_start3A_737, %dma_start3A_738, %dma_start3A_739, %dma_start3A_740] : memref<3x8x4x8x128xf32, #tpu.memory_space<vmem>> -> memref<1x1x4x8x128xf32, #tpu.memory_space<vmem>>
          %dma_start3A_742 = tpu.memref_squeeze %dma_start3A_741 : memref<1x1x4x8x128xf32, #tpu.memory_space<vmem>> -> memref<4x8x128xf32, #tpu.memory_space<vmem>>
          %dma_start3A_743 = arith.constant 0 : i32
          %dma_start3A_744 = arith.constant 0 : i32
          %dma_start3A_745 = tpu.memref_slice %arg3[%dma_start3A_743, %dma_start3A_744, %multiple_of3A_735] : memref<4x8x1000000xf32, #tpu.memory_space<hbm>> -> memref<4x8x128xf32, #tpu.memory_space<hbm>>
          %dma_start3A_746 = arith.constant 0 : i32
          %dma_start3A_747 = arith.constant 0 : i32
          %dma_start3A_748 = arith.constant 0 : i32
          %dma_start3A_749 = tpu.memref_slice %arg6[%dma_start3A_736, %dma_start3A_737, %dma_start3A_746, %dma_start3A_747, %dma_start3A_748] : memref<3x8x4x8x128xf32, #tpu.memory_space<vmem>> -> memref<1x1x4x8x128xf32, #tpu.memory_space<vmem>>
          %dma_start3A_750 = tpu.memref_squeeze %dma_start3A_749 : memref<1x1x4x8x128xf32, #tpu.memory_space<vmem>> -> memref<4x8x128xf32, #tpu.memory_space<vmem>>
          %dma_start3A_751 = arith.constant 0 : i32
          %dma_start3A_752 = arith.constant 0 : i32
          %dma_start3A_753 = tpu.memref_slice %arg3[%dma_start3A_751, %dma_start3A_752, %multiple_of3A_735] : memref<4x8x1000000xf32, #tpu.memory_space<hbm>> -> memref<4x8x128xf32, #tpu.memory_space<hbm>>
          tpu.enqueue_dma source(%dma_start3A_753 : memref<4x8x128xf32, #tpu.memory_space<hbm>>) target(%dma_start3A_750 : memref<4x8x128xf32, #tpu.memory_space<vmem>>) target_semaphore(%arg9 : memref<!tpu.dma_semaphore, #tpu.memory_space<semaphore_mem>>)
          %slice3A_754 = vector.extract_strided_slice %get3A_728 {offsets = [1], sizes = [1], strides = [1]} : vector<16xi32> to vector<1xi32>
          %squeeze3A_755 = vector.extract %slice3A_754[0] : i32 from vector<1xi32>
          %shift_right_arithmetic3A_756 = arith.constant 7 : i32
          %shift_right_arithmetic3A_757 = arith.shrsi %squeeze3A_755, %shift_right_arithmetic3A_756 : i32
          %mul3A_758 = arith.constant 128 : i32
          %mul3A_759 = arith.muli %shift_right_arithmetic3A_757, %mul3A_758 : i32
          %multiple_of3A_760 = tpu.assume_multiple %mul3A_759, 128 : i32
          %dma_start3A_761 = arith.constant 1 : i32
          %dma_start3A_762 = arith.constant 1 : i32
          %dma_start3A_763 = arith.constant 0 : i32
          %dma_start3A_764 = arith.constant 0 : i32
          %dma_start3A_765 = arith.constant 0 : i32
          %dma_start3A_766 = tpu.memref_slice %arg6[%dma_start3A_761, %dma_start3A_762, %dma_start3A_763, %dma_start3A_764, %dma_start3A_765] : memref<3x8x4x8x128xf32, #tpu.memory_space<vmem>> -> memref<1x1x4x8x128xf32, #tpu.memory_space<vmem>>
          %dma_start3A_767 = tpu.memref_squeeze %dma_start3A_766 : memref<1x1x4x8x128xf32, #tpu.memory_space<vmem>> -> memref<4x8x128xf32, #tpu.memory_space<vmem>>
          %dma_start3A_768 = arith.constant 0 : i32
          %dma_start3A_769 = arith.constant 0 : i32
          %dma_start3A_770 = tpu.memref_slice %arg3[%dma_start3A_768, %dma_start3A_769, %multiple_of3A_760] : memref<4x8x1000000xf32, #tpu.memory_space<hbm>> -> memref<4x8x128xf32, #tpu.memory_space<hbm>>
          %dma_start3A_771 = arith.constant 0 : i32
          %dma_start3A_772 = arith.constant 0 : i32
          %dma_start3A_773 = arith.constant 0 : i32
          %dma_start3A_774 = tpu.memref_slice %arg6[%dma_start3A_761, %dma_start3A_762, %dma_start3A_771, %dma_start3A_772, %dma_start3A_773] : memref<3x8x4x8x128xf32, #tpu.memory_space<vmem>> -> memref<1x1x4x8x128xf32, #tpu.memory_space<vmem>>
          %dma_start3A_775 = tpu.memref_squeeze %dma_start3A_774 : memref<1x1x4x8x128xf32, #tpu.memory_space<vmem>> -> memref<4x8x128xf32, #tpu.memory_space<vmem>>
          %dma_start3A_776 = arith.constant 0 : i32
          %dma_start3A_777 = arith.constant 0 : i32
          %dma_start3A_778 = tpu.memref_slice %arg3[%dma_start3A_776, %dma_start3A_777, %multiple_of3A_760] : memref<4x8x1000000xf32, #tpu.memory_space<hbm>> -> memref<4x8x128xf32, #tpu.memory_space<hbm>>
          tpu.enqueue_dma source(%dma_start3A_778 : memref<4x8x128xf32, #tpu.memory_space<hbm>>) target(%dma_start3A_775 : memref<4x8x128xf32, #tpu.memory_space<vmem>>) target_semaphore(%arg9 : memref<!tpu.dma_semaphore, #tpu.memory_space<semaphore_mem>>)
          %slice3A_779 = vector.extract_strided_slice %get3A_728 {offsets = [2], sizes = [1], strides = [1]} : vector<16xi32> to vector<1xi32>
          %squeeze3A_780 = vector.extract %slice3A_779[0] : i32 from vector<1xi32>
          %shift_right_arithmetic3A_781 = arith.constant 7 : i32
          %shift_right_arithmetic3A_782 = arith.shrsi %squeeze3A_780, %shift_right_arithmetic3A_781 : i32
          %mul3A_783 = arith.constant 128 : i32
          %mul3A_784 = arith.muli %shift_right_arithmetic3A_782, %mul3A_783 : i32
          %multiple_of3A_785 = tpu.assume_multiple %mul3A_784, 128 : i32
          %dma_start3A_786 = arith.constant 1 : i32
          %dma_start3A_787 = arith.constant 2 : i32
          %dma_start3A_788 = arith.constant 0 : i32
          %dma_start3A_789 = arith.constant 0 : i32
          %dma_start3A_790 = arith.constant 0 : i32
          %dma_start3A_791 = tpu.memref_slice %arg6[%dma_start3A_786, %dma_start3A_787, %dma_start3A_788, %dma_start3A_789, %dma_start3A_790] : memref<3x8x4x8x128xf32, #tpu.memory_space<vmem>> -> memref<1x1x4x8x128xf32, #tpu.memory_space<vmem>>
          %dma_start3A_792 = tpu.memref_squeeze %dma_start3A_791 : memref<1x1x4x8x128xf32, #tpu.memory_space<vmem>> -> memref<4x8x128xf32, #tpu.memory_space<vmem>>
          %dma_start3A_793 = arith.constant 0 : i32
          %dma_start3A_794 = arith.constant 0 : i32
          %dma_start3A_795 = tpu.memref_slice %arg3[%dma_start3A_793, %dma_start3A_794, %multiple_of3A_785] : memref<4x8x1000000xf32, #tpu.memory_space<hbm>> -> memref<4x8x128xf32, #tpu.memory_space<hbm>>
          %dma_start3A_796 = arith.constant 0 : i32
          %dma_start3A_797 = arith.constant 0 : i32
          %dma_start3A_798 = arith.constant 0 : i32
          %dma_start3A_799 = tpu.memref_slice %arg6[%dma_start3A_786, %dma_start3A_787, %dma_start3A_796, %dma_start3A_797, %dma_start3A_798] : memref<3x8x4x8x128xf32, #tpu.memory_space<vmem>> -> memref<1x1x4x8x128xf32, #tpu.memory_space<vmem>>
          %dma_start3A_800 = tpu.memref_squeeze %dma_start3A_799 : memref<1x1x4x8x128xf32, #tpu.memory_space<vmem>> -> memref<4x8x128xf32, #tpu.memory_space<vmem>>
          %dma_start3A_801 = arith.constant 0 : i32
          %dma_start3A_802 = arith.constant 0 : i32
          %dma_start3A_803 = tpu.memref_slice %arg3[%dma_start3A_801, %dma_start3A_802, %multiple_of3A_785] : memref<4x8x1000000xf32, #tpu.memory_space<hbm>> -> memref<4x8x128xf32, #tpu.memory_space<hbm>>
          tpu.enqueue_dma source(%dma_start3A_803 : memref<4x8x128xf32, #tpu.memory_space<hbm>>) target(%dma_start3A_800 : memref<4x8x128xf32, #tpu.memory_space<vmem>>) target_semaphore(%arg9 : memref<!tpu.dma_semaphore, #tpu.memory_space<semaphore_mem>>)
          %slice3A_804 = vector.extract_strided_slice %get3A_728 {offsets = [3], sizes = [1], strides = [1]} : vector<16xi32> to vector<1xi32>
          %squeeze3A_805 = vector.extract %slice3A_804[0] : i32 from vector<1xi32>
          %shift_right_arithmetic3A_806 = arith.constant 7 : i32
          %shift_right_arithmetic3A_807 = arith.shrsi %squeeze3A_805, %shift_right_arithmetic3A_806 : i32
          %mul3A_808 = arith.constant 128 : i32
          %mul3A_809 = arith.muli %shift_right_arithmetic3A_807, %mul3A_808 : i32
          %multiple_of3A_810 = tpu.assume_multiple %mul3A_809, 128 : i32
          %dma_start3A_811 = arith.constant 1 : i32
          %dma_start3A_812 = arith.constant 3 : i32
          %dma_start3A_813 = arith.constant 0 : i32
          %dma_start3A_814 = arith.constant 0 : i32
          %dma_start3A_815 = arith.constant 0 : i32
          %dma_start3A_816 = tpu.memref_slice %arg6[%dma_start3A_811, %dma_start3A_812, %dma_start3A_813, %dma_start3A_814, %dma_start3A_815] : memref<3x8x4x8x128xf32, #tpu.memory_space<vmem>> -> memref<1x1x4x8x128xf32, #tpu.memory_space<vmem>>
          %dma_start3A_817 = tpu.memref_squeeze %dma_start3A_816 : memref<1x1x4x8x128xf32, #tpu.memory_space<vmem>> -> memref<4x8x128xf32, #tpu.memory_space<vmem>>
          %dma_start3A_818 = arith.constant 0 : i32
          %dma_start3A_819 = arith.constant 0 : i32
          %dma_start3A_820 = tpu.memref_slice %arg3[%dma_start3A_818, %dma_start3A_819, %multiple_of3A_810] : memref<4x8x1000000xf32, #tpu.memory_space<hbm>> -> memref<4x8x128xf32, #tpu.memory_space<hbm>>
          %dma_start3A_821 = arith.constant 0 : i32
          %dma_start3A_822 = arith.constant 0 : i32
          %dma_start3A_823 = arith.constant 0 : i32
          %dma_start3A_824 = tpu.memref_slice %arg6[%dma_start3A_811, %dma_start3A_812, %dma_start3A_821, %dma_start3A_822, %dma_start3A_823] : memref<3x8x4x8x128xf32, #tpu.memory_space<vmem>> -> memref<1x1x4x8x128xf32, #tpu.memory_space<vmem>>
          %dma_start3A_825 = tpu.memref_squeeze %dma_start3A_824 : memref<1x1x4x8x128xf32, #tpu.memory_space<vmem>> -> memref<4x8x128xf32, #tpu.memory_space<vmem>>
          %dma_start3A_826 = arith.constant 0 : i32
          %dma_start3A_827 = arith.constant 0 : i32
          %dma_start3A_828 = tpu.memref_slice %arg3[%dma_start3A_826, %dma_start3A_827, %multiple_of3A_810] : memref<4x8x1000000xf32, #tpu.memory_space<hbm>> -> memref<4x8x128xf32, #tpu.memory_space<hbm>>
          tpu.enqueue_dma source(%dma_start3A_828 : memref<4x8x128xf32, #tpu.memory_space<hbm>>) target(%dma_start3A_825 : memref<4x8x128xf32, #tpu.memory_space<vmem>>) target_semaphore(%arg9 : memref<!tpu.dma_semaphore, #tpu.memory_space<semaphore_mem>>)
          %slice3A_829 = vector.extract_strided_slice %get3A_728 {offsets = [4], sizes = [1], strides = [1]} : vector<16xi32> to vector<1xi32>
          %squeeze3A_830 = vector.extract %slice3A_829[0] : i32 from vector<1xi32>
          %shift_right_arithmetic3A_831 = arith.constant 7 : i32
          %shift_right_arithmetic3A_832 = arith.shrsi %squeeze3A_830, %shift_right_arithmetic3A_831 : i32
          %mul3A_833 = arith.constant 128 : i32
          %mul3A_834 = arith.muli %shift_right_arithmetic3A_832, %mul3A_833 : i32
          %multiple_of3A_835 = tpu.assume_multiple %mul3A_834, 128 : i32
          %dma_start3A_836 = arith.constant 1 : i32
          %dma_start3A_837 = arith.constant 4 : i32
          %dma_start3A_838 = arith.constant 0 : i32
          %dma_start3A_839 = arith.constant 0 : i32
          %dma_start3A_840 = arith.constant 0 : i32
          %dma_start3A_841 = tpu.memref_slice %arg6[%dma_start3A_836, %dma_start3A_837, %dma_start3A_838, %dma_start3A_839, %dma_start3A_840] : memref<3x8x4x8x128xf32, #tpu.memory_space<vmem>> -> memref<1x1x4x8x128xf32, #tpu.memory_space<vmem>>
          %dma_start3A_842 = tpu.memref_squeeze %dma_start3A_841 : memref<1x1x4x8x128xf32, #tpu.memory_space<vmem>> -> memref<4x8x128xf32, #tpu.memory_space<vmem>>
          %dma_start3A_843 = arith.constant 0 : i32
          %dma_start3A_844 = arith.constant 0 : i32
          %dma_start3A_845 = tpu.memref_slice %arg3[%dma_start3A_843, %dma_start3A_844, %multiple_of3A_835] : memref<4x8x1000000xf32, #tpu.memory_space<hbm>> -> memref<4x8x128xf32, #tpu.memory_space<hbm>>
          %dma_start3A_846 = arith.constant 0 : i32
          %dma_start3A_847 = arith.constant 0 : i32
          %dma_start3A_848 = arith.constant 0 : i32
          %dma_start3A_849 = tpu.memref_slice %arg6[%dma_start3A_836, %dma_start3A_837, %dma_start3A_846, %dma_start3A_847, %dma_start3A_848] : memref<3x8x4x8x128xf32, #tpu.memory_space<vmem>> -> memref<1x1x4x8x128xf32, #tpu.memory_space<vmem>>
          %dma_start3A_850 = tpu.memref_squeeze %dma_start3A_849 : memref<1x1x4x8x128xf32, #tpu.memory_space<vmem>> -> memref<4x8x128xf32, #tpu.memory_space<vmem>>
          %dma_start3A_851 = arith.constant 0 : i32
          %dma_start3A_852 = arith.constant 0 : i32
          %dma_start3A_853 = tpu.memref_slice %arg3[%dma_start3A_851, %dma_start3A_852, %multiple_of3A_835] : memref<4x8x1000000xf32, #tpu.memory_space<hbm>> -> memref<4x8x128xf32, #tpu.memory_space<hbm>>
          tpu.enqueue_dma source(%dma_start3A_853 : memref<4x8x128xf32, #tpu.memory_space<hbm>>) target(%dma_start3A_850 : memref<4x8x128xf32, #tpu.memory_space<vmem>>) target_semaphore(%arg9 : memref<!tpu.dma_semaphore, #tpu.memory_space<semaphore_mem>>)
          %slice3A_854 = vector.extract_strided_slice %get3A_728 {offsets = [5], sizes = [1], strides = [1]} : vector<16xi32> to vector<1xi32>
          %squeeze3A_855 = vector.extract %slice3A_854[0] : i32 from vector<1xi32>
          %shift_right_arithmetic3A_856 = arith.constant 7 : i32
          %shift_right_arithmetic3A_857 = arith.shrsi %squeeze3A_855, %shift_right_arithmetic3A_856 : i32
          %mul3A_858 = arith.constant 128 : i32
          %mul3A_859 = arith.muli %shift_right_arithmetic3A_857, %mul3A_858 : i32
          %multiple_of3A_860 = tpu.assume_multiple %mul3A_859, 128 : i32
          %dma_start3A_861 = arith.constant 1 : i32
          %dma_start3A_862 = arith.constant 5 : i32
          %dma_start3A_863 = arith.constant 0 : i32
          %dma_start3A_864 = arith.constant 0 : i32
          %dma_start3A_865 = arith.constant 0 : i32
          %dma_start3A_866 = tpu.memref_slice %arg6[%dma_start3A_861, %dma_start3A_862, %dma_start3A_863, %dma_start3A_864, %dma_start3A_865] : memref<3x8x4x8x128xf32, #tpu.memory_space<vmem>> -> memref<1x1x4x8x128xf32, #tpu.memory_space<vmem>>
          %dma_start3A_867 = tpu.memref_squeeze %dma_start3A_866 : memref<1x1x4x8x128xf32, #tpu.memory_space<vmem>> -> memref<4x8x128xf32, #tpu.memory_space<vmem>>
          %dma_start3A_868 = arith.constant 0 : i32
          %dma_start3A_869 = arith.constant 0 : i32
          %dma_start3A_870 = tpu.memref_slice %arg3[%dma_start3A_868, %dma_start3A_869, %multiple_of3A_860] : memref<4x8x1000000xf32, #tpu.memory_space<hbm>> -> memref<4x8x128xf32, #tpu.memory_space<hbm>>
          %dma_start3A_871 = arith.constant 0 : i32
          %dma_start3A_872 = arith.constant 0 : i32
          %dma_start3A_873 = arith.constant 0 : i32
          %dma_start3A_874 = tpu.memref_slice %arg6[%dma_start3A_861, %dma_start3A_862, %dma_start3A_871, %dma_start3A_872, %dma_start3A_873] : memref<3x8x4x8x128xf32, #tpu.memory_space<vmem>> -> memref<1x1x4x8x128xf32, #tpu.memory_space<vmem>>
          %dma_start3A_875 = tpu.memref_squeeze %dma_start3A_874 : memref<1x1x4x8x128xf32, #tpu.memory_space<vmem>> -> memref<4x8x128xf32, #tpu.memory_space<vmem>>
          %dma_start3A_876 = arith.constant 0 : i32
          %dma_start3A_877 = arith.constant 0 : i32
          %dma_start3A_878 = tpu.memref_slice %arg3[%dma_start3A_876, %dma_start3A_877, %multiple_of3A_860] : memref<4x8x1000000xf32, #tpu.memory_space<hbm>> -> memref<4x8x128xf32, #tpu.memory_space<hbm>>
          tpu.enqueue_dma source(%dma_start3A_878 : memref<4x8x128xf32, #tpu.memory_space<hbm>>) target(%dma_start3A_875 : memref<4x8x128xf32, #tpu.memory_space<vmem>>) target_semaphore(%arg9 : memref<!tpu.dma_semaphore, #tpu.memory_space<semaphore_mem>>)
          %slice3A_879 = vector.extract_strided_slice %get3A_728 {offsets = [6], sizes = [1], strides = [1]} : vector<16xi32> to vector<1xi32>
          %squeeze3A_880 = vector.extract %slice3A_879[0] : i32 from vector<1xi32>
          %shift_right_arithmetic3A_881 = arith.constant 7 : i32
          %shift_right_arithmetic3A_882 = arith.shrsi %squeeze3A_880, %shift_right_arithmetic3A_881 : i32
          %mul3A_883 = arith.constant 128 : i32
          %mul3A_884 = arith.muli %shift_right_arithmetic3A_882, %mul3A_883 : i32
          %multiple_of3A_885 = tpu.assume_multiple %mul3A_884, 128 : i32
          %dma_start3A_886 = arith.constant 1 : i32
          %dma_start3A_887 = arith.constant 6 : i32
          %dma_start3A_888 = arith.constant 0 : i32
          %dma_start3A_889 = arith.constant 0 : i32
          %dma_start3A_890 = arith.constant 0 : i32
          %dma_start3A_891 = tpu.memref_slice %arg6[%dma_start3A_886, %dma_start3A_887, %dma_start3A_888, %dma_start3A_889, %dma_start3A_890] : memref<3x8x4x8x128xf32, #tpu.memory_space<vmem>> -> memref<1x1x4x8x128xf32, #tpu.memory_space<vmem>>
          %dma_start3A_892 = tpu.memref_squeeze %dma_start3A_891 : memref<1x1x4x8x128xf32, #tpu.memory_space<vmem>> -> memref<4x8x128xf32, #tpu.memory_space<vmem>>
          %dma_start3A_893 = arith.constant 0 : i32
          %dma_start3A_894 = arith.constant 0 : i32
          %dma_start3A_895 = tpu.memref_slice %arg3[%dma_start3A_893, %dma_start3A_894, %multiple_of3A_885] : memref<4x8x1000000xf32, #tpu.memory_space<hbm>> -> memref<4x8x128xf32, #tpu.memory_space<hbm>>
          %dma_start3A_896 = arith.constant 0 : i32
          %dma_start3A_897 = arith.constant 0 : i32
          %dma_start3A_898 = arith.constant 0 : i32
          %dma_start3A_899 = tpu.memref_slice %arg6[%dma_start3A_886, %dma_start3A_887, %dma_start3A_896, %dma_start3A_897, %dma_start3A_898] : memref<3x8x4x8x128xf32, #tpu.memory_space<vmem>> -> memref<1x1x4x8x128xf32, #tpu.memory_space<vmem>>
          %dma_start3A_900 = tpu.memref_squeeze %dma_start3A_899 : memref<1x1x4x8x128xf32, #tpu.memory_space<vmem>> -> memref<4x8x128xf32, #tpu.memory_space<vmem>>
          %dma_start3A_901 = arith.constant 0 : i32
          %dma_start3A_902 = arith.constant 0 : i32
          %dma_start3A_903 = tpu.memref_slice %arg3[%dma_start3A_901, %dma_start3A_902, %multiple_of3A_885] : memref<4x8x1000000xf32, #tpu.memory_space<hbm>> -> memref<4x8x128xf32, #tpu.memory_space<hbm>>
          tpu.enqueue_dma source(%dma_start3A_903 : memref<4x8x128xf32, #tpu.memory_space<hbm>>) target(%dma_start3A_900 : memref<4x8x128xf32, #tpu.memory_space<vmem>>) target_semaphore(%arg9 : memref<!tpu.dma_semaphore, #tpu.memory_space<semaphore_mem>>)
          %slice3A_904 = vector.extract_strided_slice %get3A_728 {offsets = [7], sizes = [1], strides = [1]} : vector<16xi32> to vector<1xi32>
          %squeeze3A_905 = vector.extract %slice3A_904[0] : i32 from vector<1xi32>
          %shift_right_arithmetic3A_906 = arith.constant 7 : i32
          %shift_right_arithmetic3A_907 = arith.shrsi %squeeze3A_905, %shift_right_arithmetic3A_906 : i32
          %mul3A_908 = arith.constant 128 : i32
          %mul3A_909 = arith.muli %shift_right_arithmetic3A_907, %mul3A_908 : i32
          %multiple_of3A_910 = tpu.assume_multiple %mul3A_909, 128 : i32
          %dma_start3A_911 = arith.constant 1 : i32
          %dma_start3A_912 = arith.constant 7 : i32
          %dma_start3A_913 = arith.constant 0 : i32
          %dma_start3A_914 = arith.constant 0 : i32
          %dma_start3A_915 = arith.constant 0 : i32
          %dma_start3A_916 = tpu.memref_slice %arg6[%dma_start3A_911, %dma_start3A_912, %dma_start3A_913, %dma_start3A_914, %dma_start3A_915] : memref<3x8x4x8x128xf32, #tpu.memory_space<vmem>> -> memref<1x1x4x8x128xf32, #tpu.memory_space<vmem>>
          %dma_start3A_917 = tpu.memref_squeeze %dma_start3A_916 : memref<1x1x4x8x128xf32, #tpu.memory_space<vmem>> -> memref<4x8x128xf32, #tpu.memory_space<vmem>>
          %dma_start3A_918 = arith.constant 0 : i32
          %dma_start3A_919 = arith.constant 0 : i32
          %dma_start3A_920 = tpu.memref_slice %arg3[%dma_start3A_918, %dma_start3A_919, %multiple_of3A_910] : memref<4x8x1000000xf32, #tpu.memory_space<hbm>> -> memref<4x8x128xf32, #tpu.memory_space<hbm>>
          %dma_start3A_921 = arith.constant 0 : i32
          %dma_start3A_922 = arith.constant 0 : i32
          %dma_start3A_923 = arith.constant 0 : i32
          %dma_start3A_924 = tpu.memref_slice %arg6[%dma_start3A_911, %dma_start3A_912, %dma_start3A_921, %dma_start3A_922, %dma_start3A_923] : memref<3x8x4x8x128xf32, #tpu.memory_space<vmem>> -> memref<1x1x4x8x128xf32, #tpu.memory_space<vmem>>
          %dma_start3A_925 = tpu.memref_squeeze %dma_start3A_924 : memref<1x1x4x8x128xf32, #tpu.memory_space<vmem>> -> memref<4x8x128xf32, #tpu.memory_space<vmem>>
          %dma_start3A_926 = arith.constant 0 : i32
          %dma_start3A_927 = arith.constant 0 : i32
          %dma_start3A_928 = tpu.memref_slice %arg3[%dma_start3A_926, %dma_start3A_927, %multiple_of3A_910] : memref<4x8x1000000xf32, #tpu.memory_space<hbm>> -> memref<4x8x128xf32, #tpu.memory_space<hbm>>
          tpu.enqueue_dma source(%dma_start3A_928 : memref<4x8x128xf32, #tpu.memory_space<hbm>>) target(%dma_start3A_925 : memref<4x8x128xf32, #tpu.memory_space<vmem>>) target_semaphore(%arg9 : memref<!tpu.dma_semaphore, #tpu.memory_space<semaphore_mem>>)
        } else {
        }
        %dma_wait3A = arith.constant 2 : i32
        %dma_wait3A_437 = arith.constant 0 : i32
        %dma_wait3A_438 = arith.constant 0 : i32
        %dma_wait3A_439 = arith.constant 0 : i32
        %dma_wait3A_440 = arith.constant 0 : i32
        %dma_wait3A_441 = tpu.memref_slice %arg6[%dma_wait3A, %dma_wait3A_437, %dma_wait3A_438, %dma_wait3A_439, %dma_wait3A_440] : memref<3x8x4x8x128xf32, #tpu.memory_space<vmem>> -> memref<1x1x4x8x128xf32, #tpu.memory_space<vmem>>
        %dma_wait3A_442 = tpu.memref_squeeze %dma_wait3A_441 : memref<1x1x4x8x128xf32, #tpu.memory_space<vmem>> -> memref<4x8x128xf32, #tpu.memory_space<vmem>>
        %dma_wait3A_443 = arith.constant 0 : i32
        %dma_wait3A_444 = arith.constant 0 : i32
        %dma_wait3A_445 = arith.constant 0 : i32
        %dma_wait3A_446 = tpu.memref_slice %arg3[%dma_wait3A_443, %dma_wait3A_444, %dma_wait3A_445] : memref<4x8x1000000xf32, #tpu.memory_space<hbm>> -> memref<4x8x128xf32, #tpu.memory_space<hbm>>
        %dma_wait3A_447 = arith.constant 0 : i32
        %dma_wait3A_448 = arith.constant 0 : i32
        %dma_wait3A_449 = arith.constant 0 : i32
        %dma_wait3A_450 = tpu.memref_slice %arg6[%dma_wait3A, %dma_wait3A_437, %dma_wait3A_447, %dma_wait3A_448, %dma_wait3A_449] : memref<3x8x4x8x128xf32, #tpu.memory_space<vmem>> -> memref<1x1x4x8x128xf32, #tpu.memory_space<vmem>>
        %dma_wait3A_451 = tpu.memref_squeeze %dma_wait3A_450 : memref<1x1x4x8x128xf32, #tpu.memory_space<vmem>> -> memref<4x8x128xf32, #tpu.memory_space<vmem>>
        %dma_wait3A_452 = arith.constant 0 : i32
        %dma_wait3A_453 = arith.constant 0 : i32
        %dma_wait3A_454 = arith.constant 0 : i32
        %dma_wait3A_455 = tpu.memref_slice %arg3[%dma_wait3A_452, %dma_wait3A_453, %dma_wait3A_454] : memref<4x8x1000000xf32, #tpu.memory_space<hbm>> -> memref<4x8x128xf32, #tpu.memory_space<hbm>>
        tpu.wait_dma2 semaphore(%arg10 : memref<!tpu.dma_semaphore, #tpu.memory_space<semaphore_mem>>) src(%dma_wait3A_455 : memref<4x8x128xf32, #tpu.memory_space<hbm>>) dst(%dma_wait3A_451 : memref<4x8x128xf32, #tpu.memory_space<vmem>>)
        %dma_wait3A_456 = arith.constant 2 : i32
        %dma_wait3A_457 = arith.constant 1 : i32
        %dma_wait3A_458 = arith.constant 0 : i32
        %dma_wait3A_459 = arith.constant 0 : i32
        %dma_wait3A_460 = arith.constant 0 : i32
        %dma_wait3A_461 = tpu.memref_slice %arg6[%dma_wait3A_456, %dma_wait3A_457, %dma_wait3A_458, %dma_wait3A_459, %dma_wait3A_460] : memref<3x8x4x8x128xf32, #tpu.memory_space<vmem>> -> memref<1x1x4x8x128xf32, #tpu.memory_space<vmem>>
        %dma_wait3A_462 = tpu.memref_squeeze %dma_wait3A_461 : memref<1x1x4x8x128xf32, #tpu.memory_space<vmem>> -> memref<4x8x128xf32, #tpu.memory_space<vmem>>
        %dma_wait3A_463 = arith.constant 0 : i32
        %dma_wait3A_464 = arith.constant 0 : i32
        %dma_wait3A_465 = arith.constant 0 : i32
        %dma_wait3A_466 = tpu.memref_slice %arg3[%dma_wait3A_463, %dma_wait3A_464, %dma_wait3A_465] : memref<4x8x1000000xf32, #tpu.memory_space<hbm>> -> memref<4x8x128xf32, #tpu.memory_space<hbm>>
        %dma_wait3A_467 = arith.constant 0 : i32
        %dma_wait3A_468 = arith.constant 0 : i32
        %dma_wait3A_469 = arith.constant 0 : i32
        %dma_wait3A_470 = tpu.memref_slice %arg6[%dma_wait3A_456, %dma_wait3A_457, %dma_wait3A_467, %dma_wait3A_468, %dma_wait3A_469] : memref<3x8x4x8x128xf32, #tpu.memory_space<vmem>> -> memref<1x1x4x8x128xf32, #tpu.memory_space<vmem>>
        %dma_wait3A_471 = tpu.memref_squeeze %dma_wait3A_470 : memref<1x1x4x8x128xf32, #tpu.memory_space<vmem>> -> memref<4x8x128xf32, #tpu.memory_space<vmem>>
        %dma_wait3A_472 = arith.constant 0 : i32
        %dma_wait3A_473 = arith.constant 0 : i32
        %dma_wait3A_474 = arith.constant 0 : i32
        %dma_wait3A_475 = tpu.memref_slice %arg3[%dma_wait3A_472, %dma_wait3A_473, %dma_wait3A_474] : memref<4x8x1000000xf32, #tpu.memory_space<hbm>> -> memref<4x8x128xf32, #tpu.memory_space<hbm>>
        tpu.wait_dma2 semaphore(%arg10 : memref<!tpu.dma_semaphore, #tpu.memory_space<semaphore_mem>>) src(%dma_wait3A_475 : memref<4x8x128xf32, #tpu.memory_space<hbm>>) dst(%dma_wait3A_471 : memref<4x8x128xf32, #tpu.memory_space<vmem>>)
        %dma_wait3A_476 = arith.constant 2 : i32
        %dma_wait3A_477 = arith.constant 2 : i32
        %dma_wait3A_478 = arith.constant 0 : i32
        %dma_wait3A_479 = arith.constant 0 : i32
        %dma_wait3A_480 = arith.constant 0 : i32
        %dma_wait3A_481 = tpu.memref_slice %arg6[%dma_wait3A_476, %dma_wait3A_477, %dma_wait3A_478, %dma_wait3A_479, %dma_wait3A_480] : memref<3x8x4x8x128xf32, #tpu.memory_space<vmem>> -> memref<1x1x4x8x128xf32, #tpu.memory_space<vmem>>
        %dma_wait3A_482 = tpu.memref_squeeze %dma_wait3A_481 : memref<1x1x4x8x128xf32, #tpu.memory_space<vmem>> -> memref<4x8x128xf32, #tpu.memory_space<vmem>>
        %dma_wait3A_483 = arith.constant 0 : i32
        %dma_wait3A_484 = arith.constant 0 : i32
        %dma_wait3A_485 = arith.constant 0 : i32
        %dma_wait3A_486 = tpu.memref_slice %arg3[%dma_wait3A_483, %dma_wait3A_484, %dma_wait3A_485] : memref<4x8x1000000xf32, #tpu.memory_space<hbm>> -> memref<4x8x128xf32, #tpu.memory_space<hbm>>
        %dma_wait3A_487 = arith.constant 0 : i32
        %dma_wait3A_488 = arith.constant 0 : i32
        %dma_wait3A_489 = arith.constant 0 : i32
        %dma_wait3A_490 = tpu.memref_slice %arg6[%dma_wait3A_476, %dma_wait3A_477, %dma_wait3A_487, %dma_wait3A_488, %dma_wait3A_489] : memref<3x8x4x8x128xf32, #tpu.memory_space<vmem>> -> memref<1x1x4x8x128xf32, #tpu.memory_space<vmem>>
        %dma_wait3A_491 = tpu.memref_squeeze %dma_wait3A_490 : memref<1x1x4x8x128xf32, #tpu.memory_space<vmem>> -> memref<4x8x128xf32, #tpu.memory_space<vmem>>
        %dma_wait3A_492 = arith.constant 0 : i32
        %dma_wait3A_493 = arith.constant 0 : i32
        %dma_wait3A_494 = arith.constant 0 : i32
        %dma_wait3A_495 = tpu.memref_slice %arg3[%dma_wait3A_492, %dma_wait3A_493, %dma_wait3A_494] : memref<4x8x1000000xf32, #tpu.memory_space<hbm>> -> memref<4x8x128xf32, #tpu.memory_space<hbm>>
        tpu.wait_dma2 semaphore(%arg10 : memref<!tpu.dma_semaphore, #tpu.memory_space<semaphore_mem>>) src(%dma_wait3A_495 : memref<4x8x128xf32, #tpu.memory_space<hbm>>) dst(%dma_wait3A_491 : memref<4x8x128xf32, #tpu.memory_space<vmem>>)
        %dma_wait3A_496 = arith.constant 2 : i32
        %dma_wait3A_497 = arith.constant 3 : i32
        %dma_wait3A_498 = arith.constant 0 : i32
        %dma_wait3A_499 = arith.constant 0 : i32
        %dma_wait3A_500 = arith.constant 0 : i32
        %dma_wait3A_501 = tpu.memref_slice %arg6[%dma_wait3A_496, %dma_wait3A_497, %dma_wait3A_498, %dma_wait3A_499, %dma_wait3A_500] : memref<3x8x4x8x128xf32, #tpu.memory_space<vmem>> -> memref<1x1x4x8x128xf32, #tpu.memory_space<vmem>>
        %dma_wait3A_502 = tpu.memref_squeeze %dma_wait3A_501 : memref<1x1x4x8x128xf32, #tpu.memory_space<vmem>> -> memref<4x8x128xf32, #tpu.memory_space<vmem>>
        %dma_wait3A_503 = arith.constant 0 : i32
        %dma_wait3A_504 = arith.constant 0 : i32
        %dma_wait3A_505 = arith.constant 0 : i32
        %dma_wait3A_506 = tpu.memref_slice %arg3[%dma_wait3A_503, %dma_wait3A_504, %dma_wait3A_505] : memref<4x8x1000000xf32, #tpu.memory_space<hbm>> -> memref<4x8x128xf32, #tpu.memory_space<hbm>>
        %dma_wait3A_507 = arith.constant 0 : i32
        %dma_wait3A_508 = arith.constant 0 : i32
        %dma_wait3A_509 = arith.constant 0 : i32
        %dma_wait3A_510 = tpu.memref_slice %arg6[%dma_wait3A_496, %dma_wait3A_497, %dma_wait3A_507, %dma_wait3A_508, %dma_wait3A_509] : memref<3x8x4x8x128xf32, #tpu.memory_space<vmem>> -> memref<1x1x4x8x128xf32, #tpu.memory_space<vmem>>
        %dma_wait3A_511 = tpu.memref_squeeze %dma_wait3A_510 : memref<1x1x4x8x128xf32, #tpu.memory_space<vmem>> -> memref<4x8x128xf32, #tpu.memory_space<vmem>>
        %dma_wait3A_512 = arith.constant 0 : i32
        %dma_wait3A_513 = arith.constant 0 : i32
        %dma_wait3A_514 = arith.constant 0 : i32
        %dma_wait3A_515 = tpu.memref_slice %arg3[%dma_wait3A_512, %dma_wait3A_513, %dma_wait3A_514] : memref<4x8x1000000xf32, #tpu.memory_space<hbm>> -> memref<4x8x128xf32, #tpu.memory_space<hbm>>
        tpu.wait_dma2 semaphore(%arg10 : memref<!tpu.dma_semaphore, #tpu.memory_space<semaphore_mem>>) src(%dma_wait3A_515 : memref<4x8x128xf32, #tpu.memory_space<hbm>>) dst(%dma_wait3A_511 : memref<4x8x128xf32, #tpu.memory_space<vmem>>)
        %dma_wait3A_516 = arith.constant 2 : i32
        %dma_wait3A_517 = arith.constant 4 : i32
        %dma_wait3A_518 = arith.constant 0 : i32
        %dma_wait3A_519 = arith.constant 0 : i32
        %dma_wait3A_520 = arith.constant 0 : i32
        %dma_wait3A_521 = tpu.memref_slice %arg6[%dma_wait3A_516, %dma_wait3A_517, %dma_wait3A_518, %dma_wait3A_519, %dma_wait3A_520] : memref<3x8x4x8x128xf32, #tpu.memory_space<vmem>> -> memref<1x1x4x8x128xf32, #tpu.memory_space<vmem>>
        %dma_wait3A_522 = tpu.memref_squeeze %dma_wait3A_521 : memref<1x1x4x8x128xf32, #tpu.memory_space<vmem>> -> memref<4x8x128xf32, #tpu.memory_space<vmem>>
        %dma_wait3A_523 = arith.constant 0 : i32
        %dma_wait3A_524 = arith.constant 0 : i32
        %dma_wait3A_525 = arith.constant 0 : i32
        %dma_wait3A_526 = tpu.memref_slice %arg3[%dma_wait3A_523, %dma_wait3A_524, %dma_wait3A_525] : memref<4x8x1000000xf32, #tpu.memory_space<hbm>> -> memref<4x8x128xf32, #tpu.memory_space<hbm>>
        %dma_wait3A_527 = arith.constant 0 : i32
        %dma_wait3A_528 = arith.constant 0 : i32
        %dma_wait3A_529 = arith.constant 0 : i32
        %dma_wait3A_530 = tpu.memref_slice %arg6[%dma_wait3A_516, %dma_wait3A_517, %dma_wait3A_527, %dma_wait3A_528, %dma_wait3A_529] : memref<3x8x4x8x128xf32, #tpu.memory_space<vmem>> -> memref<1x1x4x8x128xf32, #tpu.memory_space<vmem>>
        %dma_wait3A_531 = tpu.memref_squeeze %dma_wait3A_530 : memref<1x1x4x8x128xf32, #tpu.memory_space<vmem>> -> memref<4x8x128xf32, #tpu.memory_space<vmem>>
        %dma_wait3A_532 = arith.constant 0 : i32
        %dma_wait3A_533 = arith.constant 0 : i32
        %dma_wait3A_534 = arith.constant 0 : i32
        %dma_wait3A_535 = tpu.memref_slice %arg3[%dma_wait3A_532, %dma_wait3A_533, %dma_wait3A_534] : memref<4x8x1000000xf32, #tpu.memory_space<hbm>> -> memref<4x8x128xf32, #tpu.memory_space<hbm>>
        tpu.wait_dma2 semaphore(%arg10 : memref<!tpu.dma_semaphore, #tpu.memory_space<semaphore_mem>>) src(%dma_wait3A_535 : memref<4x8x128xf32, #tpu.memory_space<hbm>>) dst(%dma_wait3A_531 : memref<4x8x128xf32, #tpu.memory_space<vmem>>)
        %dma_wait3A_536 = arith.constant 2 : i32
        %dma_wait3A_537 = arith.constant 5 : i32
        %dma_wait3A_538 = arith.constant 0 : i32
        %dma_wait3A_539 = arith.constant 0 : i32
        %dma_wait3A_540 = arith.constant 0 : i32
        %dma_wait3A_541 = tpu.memref_slice %arg6[%dma_wait3A_536, %dma_wait3A_537, %dma_wait3A_538, %dma_wait3A_539, %dma_wait3A_540] : memref<3x8x4x8x128xf32, #tpu.memory_space<vmem>> -> memref<1x1x4x8x128xf32, #tpu.memory_space<vmem>>
        %dma_wait3A_542 = tpu.memref_squeeze %dma_wait3A_541 : memref<1x1x4x8x128xf32, #tpu.memory_space<vmem>> -> memref<4x8x128xf32, #tpu.memory_space<vmem>>
        %dma_wait3A_543 = arith.constant 0 : i32
        %dma_wait3A_544 = arith.constant 0 : i32
        %dma_wait3A_545 = arith.constant 0 : i32
        %dma_wait3A_546 = tpu.memref_slice %arg3[%dma_wait3A_543, %dma_wait3A_544, %dma_wait3A_545] : memref<4x8x1000000xf32, #tpu.memory_space<hbm>> -> memref<4x8x128xf32, #tpu.memory_space<hbm>>
        %dma_wait3A_547 = arith.constant 0 : i32
        %dma_wait3A_548 = arith.constant 0 : i32
        %dma_wait3A_549 = arith.constant 0 : i32
        %dma_wait3A_550 = tpu.memref_slice %arg6[%dma_wait3A_536, %dma_wait3A_537, %dma_wait3A_547, %dma_wait3A_548, %dma_wait3A_549] : memref<3x8x4x8x128xf32, #tpu.memory_space<vmem>> -> memref<1x1x4x8x128xf32, #tpu.memory_space<vmem>>
        %dma_wait3A_551 = tpu.memref_squeeze %dma_wait3A_550 : memref<1x1x4x8x128xf32, #tpu.memory_space<vmem>> -> memref<4x8x128xf32, #tpu.memory_space<vmem>>
        %dma_wait3A_552 = arith.constant 0 : i32
        %dma_wait3A_553 = arith.constant 0 : i32
        %dma_wait3A_554 = arith.constant 0 : i32
        %dma_wait3A_555 = tpu.memref_slice %arg3[%dma_wait3A_552, %dma_wait3A_553, %dma_wait3A_554] : memref<4x8x1000000xf32, #tpu.memory_space<hbm>> -> memref<4x8x128xf32, #tpu.memory_space<hbm>>
        tpu.wait_dma2 semaphore(%arg10 : memref<!tpu.dma_semaphore, #tpu.memory_space<semaphore_mem>>) src(%dma_wait3A_555 : memref<4x8x128xf32, #tpu.memory_space<hbm>>) dst(%dma_wait3A_551 : memref<4x8x128xf32, #tpu.memory_space<vmem>>)
        %dma_wait3A_556 = arith.constant 2 : i32
        %dma_wait3A_557 = arith.constant 6 : i32
        %dma_wait3A_558 = arith.constant 0 : i32
        %dma_wait3A_559 = arith.constant 0 : i32
        %dma_wait3A_560 = arith.constant 0 : i32
        %dma_wait3A_561 = tpu.memref_slice %arg6[%dma_wait3A_556, %dma_wait3A_557, %dma_wait3A_558, %dma_wait3A_559, %dma_wait3A_560] : memref<3x8x4x8x128xf32, #tpu.memory_space<vmem>> -> memref<1x1x4x8x128xf32, #tpu.memory_space<vmem>>
        %dma_wait3A_562 = tpu.memref_squeeze %dma_wait3A_561 : memref<1x1x4x8x128xf32, #tpu.memory_space<vmem>> -> memref<4x8x128xf32, #tpu.memory_space<vmem>>
        %dma_wait3A_563 = arith.constant 0 : i32
        %dma_wait3A_564 = arith.constant 0 : i32
        %dma_wait3A_565 = arith.constant 0 : i32
        %dma_wait3A_566 = tpu.memref_slice %arg3[%dma_wait3A_563, %dma_wait3A_564, %dma_wait3A_565] : memref<4x8x1000000xf32, #tpu.memory_space<hbm>> -> memref<4x8x128xf32, #tpu.memory_space<hbm>>
        %dma_wait3A_567 = arith.constant 0 : i32
        %dma_wait3A_568 = arith.constant 0 : i32
        %dma_wait3A_569 = arith.constant 0 : i32
        %dma_wait3A_570 = tpu.memref_slice %arg6[%dma_wait3A_556, %dma_wait3A_557, %dma_wait3A_567, %dma_wait3A_568, %dma_wait3A_569] : memref<3x8x4x8x128xf32, #tpu.memory_space<vmem>> -> memref<1x1x4x8x128xf32, #tpu.memory_space<vmem>>
        %dma_wait3A_571 = tpu.memref_squeeze %dma_wait3A_570 : memref<1x1x4x8x128xf32, #tpu.memory_space<vmem>> -> memref<4x8x128xf32, #tpu.memory_space<vmem>>
        %dma_wait3A_572 = arith.constant 0 : i32
        %dma_wait3A_573 = arith.constant 0 : i32
        %dma_wait3A_574 = arith.constant 0 : i32
        %dma_wait3A_575 = tpu.memref_slice %arg3[%dma_wait3A_572, %dma_wait3A_573, %dma_wait3A_574] : memref<4x8x1000000xf32, #tpu.memory_space<hbm>> -> memref<4x8x128xf32, #tpu.memory_space<hbm>>
        tpu.wait_dma2 semaphore(%arg10 : memref<!tpu.dma_semaphore, #tpu.memory_space<semaphore_mem>>) src(%dma_wait3A_575 : memref<4x8x128xf32, #tpu.memory_space<hbm>>) dst(%dma_wait3A_571 : memref<4x8x128xf32, #tpu.memory_space<vmem>>)
        %dma_wait3A_576 = arith.constant 2 : i32
        %dma_wait3A_577 = arith.constant 7 : i32
        %dma_wait3A_578 = arith.constant 0 : i32
        %dma_wait3A_579 = arith.constant 0 : i32
        %dma_wait3A_580 = arith.constant 0 : i32
        %dma_wait3A_581 = tpu.memref_slice %arg6[%dma_wait3A_576, %dma_wait3A_577, %dma_wait3A_578, %dma_wait3A_579, %dma_wait3A_580] : memref<3x8x4x8x128xf32, #tpu.memory_space<vmem>> -> memref<1x1x4x8x128xf32, #tpu.memory_space<vmem>>
        %dma_wait3A_582 = tpu.memref_squeeze %dma_wait3A_581 : memref<1x1x4x8x128xf32, #tpu.memory_space<vmem>> -> memref<4x8x128xf32, #tpu.memory_space<vmem>>
        %dma_wait3A_583 = arith.constant 0 : i32
        %dma_wait3A_584 = arith.constant 0 : i32
        %dma_wait3A_585 = arith.constant 0 : i32
        %dma_wait3A_586 = tpu.memref_slice %arg3[%dma_wait3A_583, %dma_wait3A_584, %dma_wait3A_585] : memref<4x8x1000000xf32, #tpu.memory_space<hbm>> -> memref<4x8x128xf32, #tpu.memory_space<hbm>>
        %dma_wait3A_587 = arith.constant 0 : i32
        %dma_wait3A_588 = arith.constant 0 : i32
        %dma_wait3A_589 = arith.constant 0 : i32
        %dma_wait3A_590 = tpu.memref_slice %arg6[%dma_wait3A_576, %dma_wait3A_577, %dma_wait3A_587, %dma_wait3A_588, %dma_wait3A_589] : memref<3x8x4x8x128xf32, #tpu.memory_space<vmem>> -> memref<1x1x4x8x128xf32, #tpu.memory_space<vmem>>
        %dma_wait3A_591 = tpu.memref_squeeze %dma_wait3A_590 : memref<1x1x4x8x128xf32, #tpu.memory_space<vmem>> -> memref<4x8x128xf32, #tpu.memory_space<vmem>>
        %dma_wait3A_592 = arith.constant 0 : i32
        %dma_wait3A_593 = arith.constant 0 : i32
        %dma_wait3A_594 = arith.constant 0 : i32
        %dma_wait3A_595 = tpu.memref_slice %arg3[%dma_wait3A_592, %dma_wait3A_593, %dma_wait3A_594] : memref<4x8x1000000xf32, #tpu.memory_space<hbm>> -> memref<4x8x128xf32, #tpu.memory_space<hbm>>
        tpu.wait_dma2 semaphore(%arg10 : memref<!tpu.dma_semaphore, #tpu.memory_space<semaphore_mem>>) src(%dma_wait3A_595 : memref<4x8x128xf32, #tpu.memory_space<hbm>>) dst(%dma_wait3A_591 : memref<4x8x128xf32, #tpu.memory_space<vmem>>)
        %mul3A_596 = arith.constant 8 : i32
        %mul3A_597 = arith.muli %scan3A_417, %mul3A_596 : i32
        %get3A_598 = arith.index_cast %mul3A_597 : i32 to index
        %get3A_599 = tpu.vector_load %arg5[%get3A_598] {strides = array<i32>} : memref<528xi32, #tpu.memory_space<vmem>>, vector<16xi32>,
        %and3A_600 = arith.constant 127 : i32
        %and3A_601 = vector.broadcast %and3A_600 : i32 to vector<16xi32>
        %and3A_602 = arith.andi %get3A_599, %and3A_601 : vector<16xi32>
        %broadcast_in_dim3A = arith.constant 2 : i32
        %broadcast_in_dim3A_603 = vector.broadcast %broadcast_in_dim3A : i32 to vector<16xi32>
        %broadcast_in_dim3A_604 = arith.constant 0 : i32
        %broadcast_in_dim3A_605 = vector.broadcast %broadcast_in_dim3A_604 : i32 to vector<16xi32>
        %slice3A_606 = vector.extract_strided_slice %and3A_602 {offsets = [0], sizes = [1], strides = [1]} : vector<16xi32> to vector<1xi32>
        %squeeze3A_607 = vector.extract %slice3A_606[0] : i32 from vector<1xi32>
        %broadcast_in_dim3A_608 = vector.broadcast %squeeze3A_607 : i32 to vector<16xi32>
        %mul3A_609 = arith.constant 8 : i32
        %mul3A_610 = arith.muli %scan3A_417, %mul3A_609 : i32
        %add3A_611 = arith.constant 0 : i32
        %add3A_612 = arith.addi %mul3A_610, %add3A_611 : i32
        %broadcast_in_dim3A_613 = vector.broadcast %add3A_612 : i32 to vector<16xi32>
        %gather3A = tpu.vector_load_idx %arg6[%broadcast_in_dim3A_603, %broadcast_in_dim3A_605, %shift_right_arithmetic3A_4, %and3A_6, %broadcast_in_dim3A_608] : memref<3x8x4x8x128xf32, #tpu.memory_space<vmem>>[vector<16xi32>, vector<16xi32>, vector<16xi32>, vector<16xi32>, vector<16xi32>], vector<16xf32>,
        %gather3A_614 = tpu.vector_load_idx %arg6[%broadcast_in_dim3A_603, %broadcast_in_dim3A_605, %shift_right_arithmetic3A_12, %and3A_6, %broadcast_in_dim3A_608] : memref<3x8x4x8x128xf32, #tpu.memory_space<vmem>>[vector<16xi32>, vector<16xi32>, vector<16xi32>, vector<16xi32>, vector<16xi32>], vector<16xf32>,
        tpu.vector_store_idx %arg7[%iota3A, %broadcast_in_dim3A_613], %gather3A : memref<32x512xf32, #tpu.memory_space<vmem>>[vector<16xi32>, vector<16xi32>], vector<16xf32>,
        %add3A_615 = arith.constant 16 : i32
        %add3A_616 = vector.broadcast %add3A_615 : i32 to vector<16xi32>
        %add3A_617 = arith.addi %iota3A, %add3A_616 : vector<16xi32>
        tpu.vector_store_idx %arg7[%add3A_617, %broadcast_in_dim3A_613], %gather3A_614 : memref<32x512xf32, #tpu.memory_space<vmem>>[vector<16xi32>, vector<16xi32>], vector<16xf32>,
        %broadcast_in_dim3A_618 = arith.constant 1 : i32
        %broadcast_in_dim3A_619 = vector.broadcast %broadcast_in_dim3A_618 : i32 to vector<16xi32>
        %slice3A_620 = vector.extract_strided_slice %and3A_602 {offsets = [1], sizes = [1], strides = [1]} : vector<16xi32> to vector<1xi32>
        %squeeze3A_621 = vector.extract %slice3A_620[0] : i32 from vector<1xi32>
        %broadcast_in_dim3A_622 = vector.broadcast %squeeze3A_621 : i32 to vector<16xi32>
        %mul3A_623 = arith.constant 8 : i32
        %mul3A_624 = arith.muli %scan3A_417, %mul3A_623 : i32
        %add3A_625 = arith.constant 1 : i32
        %add3A_626 = arith.addi %mul3A_624, %add3A_625 : i32
        %broadcast_in_dim3A_627 = vector.broadcast %add3A_626 : i32 to vector<16xi32>
        %gather3A_628 = tpu.vector_load_idx %arg6[%broadcast_in_dim3A_603, %broadcast_in_dim3A_619, %shift_right_arithmetic3A_4, %and3A_6, %broadcast_in_dim3A_622] : memref<3x8x4x8x128xf32, #tpu.memory_space<vmem>>[vector<16xi32>, vector<16xi32>, vector<16xi32>, vector<16xi32>, vector<16xi32>], vector<16xf32>,
        %gather3A_629 = tpu.vector_load_idx %arg6[%broadcast_in_dim3A_603, %broadcast_in_dim3A_619, %shift_right_arithmetic3A_12, %and3A_6, %broadcast_in_dim3A_622] : memref<3x8x4x8x128xf32, #tpu.memory_space<vmem>>[vector<16xi32>, vector<16xi32>, vector<16xi32>, vector<16xi32>, vector<16xi32>], vector<16xf32>,
        tpu.vector_store_idx %arg7[%iota3A, %broadcast_in_dim3A_627], %gather3A_628 : memref<32x512xf32, #tpu.memory_space<vmem>>[vector<16xi32>, vector<16xi32>], vector<16xf32>,
        %add3A_630 = arith.constant 16 : i32
        %add3A_631 = vector.broadcast %add3A_630 : i32 to vector<16xi32>
        %add3A_632 = arith.addi %iota3A, %add3A_631 : vector<16xi32>
        tpu.vector_store_idx %arg7[%add3A_632, %broadcast_in_dim3A_627], %gather3A_629 : memref<32x512xf32, #tpu.memory_space<vmem>>[vector<16xi32>, vector<16xi32>], vector<16xf32>,
        %broadcast_in_dim3A_633 = arith.constant 2 : i32
        %broadcast_in_dim3A_634 = vector.broadcast %broadcast_in_dim3A_633 : i32 to vector<16xi32>
        %slice3A_635 = vector.extract_strided_slice %and3A_602 {offsets = [2], sizes = [1], strides = [1]} : vector<16xi32> to vector<1xi32>
        %squeeze3A_636 = vector.extract %slice3A_635[0] : i32 from vector<1xi32>
        %broadcast_in_dim3A_637 = vector.broadcast %squeeze3A_636 : i32 to vector<16xi32>
        %mul3A_638 = arith.constant 8 : i32
        %mul3A_639 = arith.muli %scan3A_417, %mul3A_638 : i32
        %add3A_640 = arith.constant 2 : i32
        %add3A_641 = arith.addi %mul3A_639, %add3A_640 : i32
        %broadcast_in_dim3A_642 = vector.broadcast %add3A_641 : i32 to vector<16xi32>
        %gather3A_643 = tpu.vector_load_idx %arg6[%broadcast_in_dim3A_603, %broadcast_in_dim3A_634, %shift_right_arithmetic3A_4, %and3A_6, %broadcast_in_dim3A_637] : memref<3x8x4x8x128xf32, #tpu.memory_space<vmem>>[vector<16xi32>, vector<16xi32>, vector<16xi32>, vector<16xi32>, vector<16xi32>], vector<16xf32>,
        %gather3A_644 = tpu.vector_load_idx %arg6[%broadcast_in_dim3A_603, %broadcast_in_dim3A_634, %shift_right_arithmetic3A_12, %and3A_6, %broadcast_in_dim3A_637] : memref<3x8x4x8x128xf32, #tpu.memory_space<vmem>>[vector<16xi32>, vector<16xi32>, vector<16xi32>, vector<16xi32>, vector<16xi32>], vector<16xf32>,
        tpu.vector_store_idx %arg7[%iota3A, %broadcast_in_dim3A_642], %gather3A_643 : memref<32x512xf32, #tpu.memory_space<vmem>>[vector<16xi32>, vector<16xi32>], vector<16xf32>,
        %add3A_645 = arith.constant 16 : i32
        %add3A_646 = vector.broadcast %add3A_645 : i32 to vector<16xi32>
        %add3A_647 = arith.addi %iota3A, %add3A_646 : vector<16xi32>
        tpu.vector_store_idx %arg7[%add3A_647, %broadcast_in_dim3A_642], %gather3A_644 : memref<32x512xf32, #tpu.memory_space<vmem>>[vector<16xi32>, vector<16xi32>], vector<16xf32>,
        %broadcast_in_dim3A_648 = arith.constant 3 : i32
        %broadcast_in_dim3A_649 = vector.broadcast %broadcast_in_dim3A_648 : i32 to vector<16xi32>
        %slice3A_650 = vector.extract_strided_slice %and3A_602 {offsets = [3], sizes = [1], strides = [1]} : vector<16xi32> to vector<1xi32>
        %squeeze3A_651 = vector.extract %slice3A_650[0] : i32 from vector<1xi32>
        %broadcast_in_dim3A_652 = vector.broadcast %squeeze3A_651 : i32 to vector<16xi32>
        %mul3A_653 = arith.constant 8 : i32
        %mul3A_654 = arith.muli %scan3A_417, %mul3A_653 : i32
        %add3A_655 = arith.constant 3 : i32
        %add3A_656 = arith.addi %mul3A_654, %add3A_655 : i32
        %broadcast_in_dim3A_657 = vector.broadcast %add3A_656 : i32 to vector<16xi32>
        %gather3A_658 = tpu.vector_load_idx %arg6[%broadcast_in_dim3A_603, %broadcast_in_dim3A_649, %shift_right_arithmetic3A_4, %and3A_6, %broadcast_in_dim3A_652] : memref<3x8x4x8x128xf32, #tpu.memory_space<vmem>>[vector<16xi32>, vector<16xi32>, vector<16xi32>, vector<16xi32>, vector<16xi32>], vector<16xf32>,
        %gather3A_659 = tpu.vector_load_idx %arg6[%broadcast_in_dim3A_603, %broadcast_in_dim3A_649, %shift_right_arithmetic3A_12, %and3A_6, %broadcast_in_dim3A_652] : memref<3x8x4x8x128xf32, #tpu.memory_space<vmem>>[vector<16xi32>, vector<16xi32>, vector<16xi32>, vector<16xi32>, vector<16xi32>], vector<16xf32>,
        tpu.vector_store_idx %arg7[%iota3A, %broadcast_in_dim3A_657], %gather3A_658 : memref<32x512xf32, #tpu.memory_space<vmem>>[vector<16xi32>, vector<16xi32>], vector<16xf32>,
        %add3A_660 = arith.constant 16 : i32
        %add3A_661 = vector.broadcast %add3A_660 : i32 to vector<16xi32>
        %add3A_662 = arith.addi %iota3A, %add3A_661 : vector<16xi32>
        tpu.vector_store_idx %arg7[%add3A_662, %broadcast_in_dim3A_657], %gather3A_659 : memref<32x512xf32, #tpu.memory_space<vmem>>[vector<16xi32>, vector<16xi32>], vector<16xf32>,
        %broadcast_in_dim3A_663 = arith.constant 4 : i32
        %broadcast_in_dim3A_664 = vector.broadcast %broadcast_in_dim3A_663 : i32 to vector<16xi32>
        %slice3A_665 = vector.extract_strided_slice %and3A_602 {offsets = [4], sizes = [1], strides = [1]} : vector<16xi32> to vector<1xi32>
        %squeeze3A_666 = vector.extract %slice3A_665[0] : i32 from vector<1xi32>
        %broadcast_in_dim3A_667 = vector.broadcast %squeeze3A_666 : i32 to vector<16xi32>
        %mul3A_668 = arith.constant 8 : i32
        %mul3A_669 = arith.muli %scan3A_417, %mul3A_668 : i32
        %add3A_670 = arith.constant 4 : i32
        %add3A_671 = arith.addi %mul3A_669, %add3A_670 : i32
        %broadcast_in_dim3A_672 = vector.broadcast %add3A_671 : i32 to vector<16xi32>
        %gather3A_673 = tpu.vector_load_idx %arg6[%broadcast_in_dim3A_603, %broadcast_in_dim3A_664, %shift_right_arithmetic3A_4, %and3A_6, %broadcast_in_dim3A_667] : memref<3x8x4x8x128xf32, #tpu.memory_space<vmem>>[vector<16xi32>, vector<16xi32>, vector<16xi32>, vector<16xi32>, vector<16xi32>], vector<16xf32>,
        %gather3A_674 = tpu.vector_load_idx %arg6[%broadcast_in_dim3A_603, %broadcast_in_dim3A_664, %shift_right_arithmetic3A_12, %and3A_6, %broadcast_in_dim3A_667] : memref<3x8x4x8x128xf32, #tpu.memory_space<vmem>>[vector<16xi32>, vector<16xi32>, vector<16xi32>, vector<16xi32>, vector<16xi32>], vector<16xf32>,
        tpu.vector_store_idx %arg7[%iota3A, %broadcast_in_dim3A_672], %gather3A_673 : memref<32x512xf32, #tpu.memory_space<vmem>>[vector<16xi32>, vector<16xi32>], vector<16xf32>,
        %add3A_675 = arith.constant 16 : i32
        %add3A_676 = vector.broadcast %add3A_675 : i32 to vector<16xi32>
        %add3A_677 = arith.addi %iota3A, %add3A_676 : vector<16xi32>
        tpu.vector_store_idx %arg7[%add3A_677, %broadcast_in_dim3A_672], %gather3A_674 : memref<32x512xf32, #tpu.memory_space<vmem>>[vector<16xi32>, vector<16xi32>], vector<16xf32>,
        %broadcast_in_dim3A_678 = arith.constant 5 : i32
        %broadcast_in_dim3A_679 = vector.broadcast %broadcast_in_dim3A_678 : i32 to vector<16xi32>
        %slice3A_680 = vector.extract_strided_slice %and3A_602 {offsets = [5], sizes = [1], strides = [1]} : vector<16xi32> to vector<1xi32>
        %squeeze3A_681 = vector.extract %slice3A_680[0] : i32 from vector<1xi32>
        %broadcast_in_dim3A_682 = vector.broadcast %squeeze3A_681 : i32 to vector<16xi32>
        %mul3A_683 = arith.constant 8 : i32
        %mul3A_684 = arith.muli %scan3A_417, %mul3A_683 : i32
        %add3A_685 = arith.constant 5 : i32
        %add3A_686 = arith.addi %mul3A_684, %add3A_685 : i32
        %broadcast_in_dim3A_687 = vector.broadcast %add3A_686 : i32 to vector<16xi32>
        %gather3A_688 = tpu.vector_load_idx %arg6[%broadcast_in_dim3A_603, %broadcast_in_dim3A_679, %shift_right_arithmetic3A_4, %and3A_6, %broadcast_in_dim3A_682] : memref<3x8x4x8x128xf32, #tpu.memory_space<vmem>>[vector<16xi32>, vector<16xi32>, vector<16xi32>, vector<16xi32>, vector<16xi32>], vector<16xf32>,
        %gather3A_689 = tpu.vector_load_idx %arg6[%broadcast_in_dim3A_603, %broadcast_in_dim3A_679, %shift_right_arithmetic3A_12, %and3A_6, %broadcast_in_dim3A_682] : memref<3x8x4x8x128xf32, #tpu.memory_space<vmem>>[vector<16xi32>, vector<16xi32>, vector<16xi32>, vector<16xi32>, vector<16xi32>], vector<16xf32>,
        tpu.vector_store_idx %arg7[%iota3A, %broadcast_in_dim3A_687], %gather3A_688 : memref<32x512xf32, #tpu.memory_space<vmem>>[vector<16xi32>, vector<16xi32>], vector<16xf32>,
        %add3A_690 = arith.constant 16 : i32
        %add3A_691 = vector.broadcast %add3A_690 : i32 to vector<16xi32>
        %add3A_692 = arith.addi %iota3A, %add3A_691 : vector<16xi32>
        tpu.vector_store_idx %arg7[%add3A_692, %broadcast_in_dim3A_687], %gather3A_689 : memref<32x512xf32, #tpu.memory_space<vmem>>[vector<16xi32>, vector<16xi32>], vector<16xf32>,
        %broadcast_in_dim3A_693 = arith.constant 6 : i32
        %broadcast_in_dim3A_694 = vector.broadcast %broadcast_in_dim3A_693 : i32 to vector<16xi32>
        %slice3A_695 = vector.extract_strided_slice %and3A_602 {offsets = [6], sizes = [1], strides = [1]} : vector<16xi32> to vector<1xi32>
        %squeeze3A_696 = vector.extract %slice3A_695[0] : i32 from vector<1xi32>
        %broadcast_in_dim3A_697 = vector.broadcast %squeeze3A_696 : i32 to vector<16xi32>
        %mul3A_698 = arith.constant 8 : i32
        %mul3A_699 = arith.muli %scan3A_417, %mul3A_698 : i32
        %add3A_700 = arith.constant 6 : i32
        %add3A_701 = arith.addi %mul3A_699, %add3A_700 : i32
        %broadcast_in_dim3A_702 = vector.broadcast %add3A_701 : i32 to vector<16xi32>
        %gather3A_703 = tpu.vector_load_idx %arg6[%broadcast_in_dim3A_603, %broadcast_in_dim3A_694, %shift_right_arithmetic3A_4, %and3A_6, %broadcast_in_dim3A_697] : memref<3x8x4x8x128xf32, #tpu.memory_space<vmem>>[vector<16xi32>, vector<16xi32>, vector<16xi32>, vector<16xi32>, vector<16xi32>], vector<16xf32>,
        %gather3A_704 = tpu.vector_load_idx %arg6[%broadcast_in_dim3A_603, %broadcast_in_dim3A_694, %shift_right_arithmetic3A_12, %and3A_6, %broadcast_in_dim3A_697] : memref<3x8x4x8x128xf32, #tpu.memory_space<vmem>>[vector<16xi32>, vector<16xi32>, vector<16xi32>, vector<16xi32>, vector<16xi32>], vector<16xf32>,
        tpu.vector_store_idx %arg7[%iota3A, %broadcast_in_dim3A_702], %gather3A_703 : memref<32x512xf32, #tpu.memory_space<vmem>>[vector<16xi32>, vector<16xi32>], vector<16xf32>,
        %add3A_705 = arith.constant 16 : i32
        %add3A_706 = vector.broadcast %add3A_705 : i32 to vector<16xi32>
        %add3A_707 = arith.addi %iota3A, %add3A_706 : vector<16xi32>
        tpu.vector_store_idx %arg7[%add3A_707, %broadcast_in_dim3A_702], %gather3A_704 : memref<32x512xf32, #tpu.memory_space<vmem>>[vector<16xi32>, vector<16xi32>], vector<16xf32>,
        %broadcast_in_dim3A_708 = arith.constant 7 : i32
        %broadcast_in_dim3A_709 = vector.broadcast %broadcast_in_dim3A_708 : i32 to vector<16xi32>
        %slice3A_710 = vector.extract_strided_slice %and3A_602 {offsets = [7], sizes = [1], strides = [1]} : vector<16xi32> to vector<1xi32>
        %squeeze3A_711 = vector.extract %slice3A_710[0] : i32 from vector<1xi32>
        %broadcast_in_dim3A_712 = vector.broadcast %squeeze3A_711 : i32 to vector<16xi32>
        %mul3A_713 = arith.constant 8 : i32
        %mul3A_714 = arith.muli %scan3A_417, %mul3A_713 : i32
        %add3A_715 = arith.constant 7 : i32
        %add3A_716 = arith.addi %mul3A_714, %add3A_715 : i32
        %broadcast_in_dim3A_717 = vector.broadcast %add3A_716 : i32 to vector<16xi32>
        %gather3A_718 = tpu.vector_load_idx %arg6[%broadcast_in_dim3A_603, %broadcast_in_dim3A_709, %shift_right_arithmetic3A_4, %and3A_6, %broadcast_in_dim3A_712] : memref<3x8x4x8x128xf32, #tpu.memory_space<vmem>>[vector<16xi32>, vector<16xi32>, vector<16xi32>, vector<16xi32>, vector<16xi32>], vector<16xf32>,
        %gather3A_719 = tpu.vector_load_idx %arg6[%broadcast_in_dim3A_603, %broadcast_in_dim3A_709, %shift_right_arithmetic3A_12, %and3A_6, %broadcast_in_dim3A_712] : memref<3x8x4x8x128xf32, #tpu.memory_space<vmem>>[vector<16xi32>, vector<16xi32>, vector<16xi32>, vector<16xi32>, vector<16xi32>], vector<16xf32>,
        tpu.vector_store_idx %arg7[%iota3A, %broadcast_in_dim3A_717], %gather3A_718 : memref<32x512xf32, #tpu.memory_space<vmem>>[vector<16xi32>, vector<16xi32>], vector<16xf32>,
        %add3A_720 = arith.constant 16 : i32
        %add3A_721 = vector.broadcast %add3A_720 : i32 to vector<16xi32>
        %add3A_722 = arith.addi %iota3A, %add3A_721 : vector<16xi32>
        tpu.vector_store_idx %arg7[%add3A_722, %broadcast_in_dim3A_717], %gather3A_719 : memref<32x512xf32, #tpu.memory_space<vmem>>[vector<16xi32>, vector<16xi32>], vector<16xf32>,
      } else {
      }
    }
    %scan3A_416 = arith.constant 64 : i32
    "tpu.region"() ({
      %run_scoped3A = tpu.sem_alloc : memref<!tpu.dma_semaphore, #tpu.memory_space<semaphore_mem>>
      %dma_start3A_417 = arith.constant 0 : i32
      %dma_start3A_418 = tpu.memref_slice %arg4[%dma_start3A_417, %multiple_of3A] : memref<32x16384xf32, #tpu.memory_space<hbm>> -> memref<32x512xf32, #tpu.memory_space<hbm>>
      %dma_start3A_419 = arith.constant 0 : i32
      %dma_start3A_420 = tpu.memref_slice %arg4[%dma_start3A_419, %multiple_of3A] : memref<32x16384xf32, #tpu.memory_space<hbm>> -> memref<32x512xf32, #tpu.memory_space<hbm>>
      tpu.enqueue_dma source(%arg7 : memref<32x512xf32, #tpu.memory_space<vmem>>) target(%dma_start3A_420 : memref<32x512xf32, #tpu.memory_space<hbm>>) target_semaphore(%run_scoped3A : memref<!tpu.dma_semaphore, #tpu.memory_space<semaphore_mem>>)
      %dma_wait3A = arith.constant 0 : i32
      %dma_wait3A_421 = tpu.memref_slice %arg4[%dma_wait3A, %multiple_of3A] : memref<32x16384xf32, #tpu.memory_space<hbm>> -> memref<32x512xf32, #tpu.memory_space<hbm>>
      %dma_wait3A_422 = arith.constant 0 : i32
      %dma_wait3A_423 = tpu.memref_slice %arg4[%dma_wait3A_422, %multiple_of3A] : memref<32x16384xf32, #tpu.memory_space<hbm>> -> memref<32x512xf32, #tpu.memory_space<hbm>>
      tpu.wait_dma2 semaphore(%run_scoped3A : memref<!tpu.dma_semaphore, #tpu.memory_space<semaphore_mem>>) src(%arg7 : memref<32x512xf32, #tpu.memory_space<vmem>>) dst(%dma_wait3A_423 : memref<32x512xf32, #tpu.memory_space<hbm>>)
      tpu.yield
    }) : () -> ()
    return
  }
}

</mosaic_0001>

<sc_bundles>
// kernel: kernel.3.cloned.1.call-start
scs
__scs_entry_jumppad:
0x0: {  	(pc) =	sbr.rel $0x88, $3  }
0x1: {  	(tag) =	ssettag $0x0;
	lr =	simm.s32 $0x1  }
0x2: {  	[smem:$0x3F9F] =	sst lr;
	_ =	strace $0xD0000000  }
0x3: {  	_ = 	snop  }
0x4: {  	_ = 	snop  }
0x5: {  	_ = 	snop  }
0x6: {  	_ = 	snop  }
0x7: {  	_ = 	snop  }
__scs_overlays_trampoline_lowered:
0x8: {  	[smem:$0x3FAE] =	sst s0  }
0x9: {  	[smem:$0x3FAF] =	sst s1  }
0xa: {  	[smem:$0x3FB0] =	sst s2  }
0xb: {  	[smem:$0x3FB1] =	sst s3  }
0xc: {  	[smem:$0x3FB2] =	sst s4  }
0xd: {  	[smem:$0x3FB3] =	sst s5  }
0xe: {  	[smem:$0x3FB4] =	sst s6  }
0xf: {  	[smem:$0x3FB5] =	sst s7  }
0x10: {  	[smem:$0x3FB6] =	sst s8  }
0x11: {  	[smem:$0x3FB7] =	sst s9;
	s0 =	simm.s32 @!p0 $0x0  }
0x12: {  	s1 =	sld [smem:$0x3F9D];
	s0 =	simm.s32 @p0 $0x1  }
0x13: {  	[smem:$0x3FB8] =	sst s0;
	s0 =	simm.s32 @!p1 $0x0  }
0x14: {  	s2 =	sld [smem:$0x3F9C];
	s0 =	simm.s32 @p1 $0x1  }
0x15: {  	[smem:$0x3FB9] =	sst s0;
	s0 =	simm.s32 @!p2 $0x0  }
0x16: {  	s3 =	sld [smem:$0x3FDB];
	s0 =	simm.s32 @p2 $0x1  }
0x17: {  	s4 =	simm.s32 $0x1BF5;
	[smem:$0x3FBB] =	sst s0  }
0x18: {  	s0 =	sld [smem:$0x3F9E];
	_ =	swait.ge [sflag:s4], $0x0  }
0x19: {  	s7 =	sld [smem:$0x3F9F]  }
0x1a: {  	s8 =	sadd.s32 $0xFFFFE003, lr  }
0x1b: {  	s9 =	sadd.s32 $0xFFFFFEF7, lr;
	s5 =	simm.s32 $0xFFFFFFFF;
	p2 =	slt.u32 s8, $0xFFFFF086  }
0x1c: {  	p1 =	slt.u32 s9, $0xF7A;
	s5 =	simm.s32 @!p2 $0x0  }
0x1d: {  	s5 =	simm.s32 @p1 $0x1;
	p0 =	seq.s32 s7, s2  }
0x1e: {  	s7 =	smul.u32 @!p0 $0xF7A, s2;
	p2 =	seq.s32 @!p0 s5, $0x0  }
0x1f: {  	s9 =	smul.u32 $0xF7A, s1;
	s8 =	simm.s32 @!p0 $0x1BF5;
	p2 =	por !p2, p0  }
0x20: {  	[sflag:s8] =	ssyncset.s32 @!p0 $0xFFFFF086;
	s6 =	sadd.s32 @!p0 s3, s7;
	s7 =	simm.s32 @!p0 $0x108  }
0x21: {  	s3 =	sadd.s32 s3, s9;
	s6 =	sadd.s32 @!p0 $0x88, s6;
	s7 =	simm.s32 @p2 $0x1082  }
0x22: {  	[simem:s7], [sflag:s8] =	dma.local @!p0 [hbm:s6], $0xF7A  }
0x23: {  	s9 =	sor.u32 $0xD0000000, s2;
	s6 =	simm.s32 $0x108;
	_ =	swait.ge @!p0 [sflag:s8], $0x0  }
0x24: {  	s3 =	sadd.s32 $0x88, s3;
	s6 =	simm.s32 @!p1 $0x1082;
	[sflag:s4] =	ssyncset.s32 $0xFFFFF086  }
0x25: {  	[simem:s6], [sflag:s4] =	dma.local [hbm:s3], $0xF7A  }
0x26: {  	[smem:$0x3F9F] =	sst s1;
	(tag) =	ssettag s2;
	_ =	strace s9  }
0x27: {  	s1 =	sld [smem:$0x3FAF]  }
0x28: {  	s2 =	sld [smem:$0x3FB0]  }
0x29: {  	s4 =	sld [smem:$0x3FB2]  }
0x2a: {  	p0 =	seq.s32 s5, $0x0;
	s5 =	sld [smem:$0x3FB3]  }
0x2b: {  	s6 =	sld [smem:$0x3FB4]  }
0x2c: {  	s7 =	sld [smem:$0x3FB5]  }
0x2d: {  	s3 =	simm.s32 $0x108;
	s8 =	sld [smem:$0x3FB6]  }
0x2e: {  	s3 =	simm.s32 @!p0 $0x1082;
	s9 =	sld [smem:$0x3FB7]  }
0x2f: {  	lr =	sadd.s32 s0, s3;
	s0 =	sld [smem:$0x3FAE]  }
0x30: {  	s3 =	sld [smem:$0x3FB1]  }
0x31: {  	[smem:$0x3FBA] =	sst s10  }
0x32: {  	s10 =	sld [smem:$0x3FB8];
	_ =	sdelay $0x3  }
0x33: {  	p0 =	seq.s32 s10, $0x1;
	s10 =	sld [smem:$0x3FBA];
	_ =	sdelay $0x3  }
0x34: {  	[smem:$0x3FBA] =	sst s10  }
0x35: {  	s10 =	sld [smem:$0x3FB9];
	_ =	sdelay $0x3  }
0x36: {  	p1 =	seq.s32 s10, $0x1;
	s10 =	sld [smem:$0x3FBA];
	_ =	sdelay $0x3  }
0x37: {  	[smem:$0x3FBA] =	sst s10  }
0x38: {  	s10 =	sld [smem:$0x3FBB]  }
0x39: {  	_ = 	snop;
	(pc) =	sbr.ind lr, $3  }
0x3a: {  	_ = 	snop  }
0x3b: {  	_ = 	snop  }
0x3c: {  	p2 =	seq.s32 s10, $0x1;
	s10 =	sld [smem:$0x3FBA]  }
0x3d: {  	_ =	shalt  }
0x3e: {  	_ =	shalt  }
0x3f: {  	_ =	shalt  }
0x40: {  	_ =	shalt  }
0x41: {  	_ =	shalt  }
0x42: {  	_ =	shalt  }
0x43: {  	_ =	shalt  }
0x44: {  	_ =	shalt  }
0x45: {  	_ =	shalt  }
0x46: {  	_ =	shalt  }
0x47: {  	_ =	shalt  }
0x48: {  	_ =	shalt  }
0x49: {  	_ =	shalt  }
0x4a: {  	_ =	shalt  }
0x4b: {  	_ =	shalt  }
0x4c: {  	_ =	shalt  }
0x4d: {  	_ =	shalt  }
0x4e: {  	_ =	shalt  }
0x4f: {  	_ =	shalt  }
0x50: {  	_ =	shalt  }
0x51: {  	_ =	shalt  }
0x52: {  	_ =	shalt  }
0x53: {  	_ =	shalt  }
0x54: {  	_ =	shalt  }
0x55: {  	_ =	shalt  }
0x56: {  	_ =	shalt  }
0x57: {  	_ =	shalt  }
0x58: {  	_ =	shalt  }
0x59: {  	_ =	shalt  }
0x5a: {  	_ =	shalt  }
0x5b: {  	_ =	shalt  }
0x5c: {  	_ =	shalt  }
0x5d: {  	_ =	shalt  }
0x5e: {  	_ =	shalt  }
0x5f: {  	_ =	shalt  }
0x60: {  	_ =	shalt  }
0x61: {  	_ =	shalt  }
0x62: {  	_ =	shalt  }
0x63: {  	_ =	shalt  }
0x64: {  	_ =	shalt  }
0x65: {  	_ =	shalt  }
0x66: {  	_ =	shalt  }
0x67: {  	_ =	shalt  }
0x68: {  	_ =	shalt  }
0x69: {  	_ =	shalt  }
0x6a: {  	_ =	shalt  }
0x6b: {  	_ =	shalt  }
0x6c: {  	_ =	shalt  }
0x6d: {  	_ =	shalt  }
0x6e: {  	_ =	shalt  }
0x6f: {  	_ =	shalt  }
0x70: {  	_ =	shalt  }
0x71: {  	_ =	shalt  }
0x72: {  	_ =	shalt  }
0x73: {  	_ =	shalt  }
0x74: {  	_ =	shalt  }
0x75: {  	_ =	shalt  }
0x76: {  	_ =	shalt  }
0x77: {  	_ =	shalt  }
0x78: {  	_ =	shalt  }
0x79: {  	_ =	shalt  }
0x7a: {  	_ =	shalt  }
0x7b: {  	_ =	shalt  }
0x7c: {  	_ =	shalt  }
0x7d: {  	_ =	shalt  }
0x7e: {  	_ =	shalt  }
0x7f: {  	_ =	shalt  }
0x80: {  	_ =	shalt  }
0x81: {  	_ =	shalt  }
0x82: {  	_ =	shalt  }
0x83: {  	_ =	shalt  }
0x84: {  	_ =	shalt  }
0x85: {  	_ =	shalt  }
0x86: {  	_ =	shalt  }
0x87: {  	_ =	shalt  }
.Lfunc_end0:
.L_simem_size_0:
called_computation_lowered:
.L_overlay_start_0:
0x88: {  	s2 =	sld [smem:$0x3FD9]  }
0x89: {  	s3 =	sld [smem:$0x3FFE];
	_ =	sdelay $0x1  }
0x8a: {  	s1 =	srdreg.scid  }
0x8b: {  	s0 =	sand.u32 $0x1, s1  }
0x8c: {  	s18 =	sshll.u32 s0, $0xA;
	s2 =	sadd.s32 s3, s2  }
0x8d: {  	s2 =	sadd.s32 s2, s18  }
0x8e: {  	[smem:$0x3FC6] =	sst s2  }
0x8f: {  	_ = 	snop  }
0x90: {  	s2 =	sld [smem:$0x3FC9]  }
0x91: {  	s19 =	sld [smem:$0x3FC8]  }
0x92: {  	s4 =	sld [smem:$0x3FD0];
	(tm) =	ssettm $0x1  }
0x93: {  	s5 =	sld [smem:$0x3FFB];
	_ =	sdelay $0x3  }
0x94: {  	_ =	strace s5  }
0x95: {  	s5 =	sld [smem:$0x3FFC];
	_ =	sdelay $0x3  }
0x96: {  	_ =	strace s5  }
0x97: {  	s5 =	sld [smem:$0x3FFD];
	_ =	sdelay $0x3  }
0x98: {  	_ =	strace s5  }
0x99: {  	_ =	strace $0x8FFFFFFF  }
0x9a: {  	s20 =	sld [smem:$0x3FDB];
	_ =	sdelay $0x1  }
0x9b: {  	s6 =	simm.s32 $_scs_section_size  }
0x9c: {  	s7 =	simm.s32 $_size__tile_overlayer_lowered;
	s8 =	simm.s32 $_tile_overlayer_lowered  }
0x9d: {  	s23 =	simm.s32 $0x1BFF;
	s22 =	sshll.u32 s8, $0x1;
	s5 =	sadd.s32 s6, s20  }
0x9e: {  	s9 =	simm.s32 $0x0;
	s21 =	sshll.u32 s7, $0x1;
	s7 =	sadd.s32 s22, s5  }
0x9f: {  	[timem:s9], [sflag:s23] =	dma.local [hbm:s7], s21  }
0xa0: {  	_ =	swait.ge [sflag:s23], s21  }
0xa1: {  	s6 =	ssub.s32 $0x0, s21;
	[sflag:s23] =	ssyncset.done $0x0  }
0xa2: {  	[sflag:s23] =	ssyncadd.s32 s6;
	_ =	sdelay $0x1  }
0xa3: {  	s24 =	simm.s32 $0x1B8B  }
0xa4: {  	_ =	swait.ge [sflag:s24], $0x1  }
0xa5: {  	[sflag:s24] =	ssyncset.done $0x0  }
0xa6: {  	s25 =	simm.s32 $0x1B8E;
	[sflag:s24] =	ssyncadd.s32 $0xFFFFFFFF  }
0xa7: {  	s26 =	simm.s32 $execute0_lowered;
	[smem:$0x3FD2] =	sst s25  }
0xa8: {  	s6 =	sshll.u32 s26, $0x1;
	_ =	strace $0x80000046;
	[dreg:$0x1] =	wrdreg $0xFFFFFFFF  }
0xa9: {  	s28 =	simm.s32 $_size_execute0_lowered;
	s5 =	sadd.s32 s5, s6;
	[dreg:$0x0] =	wrdreg $0x0  }
0xaa: {  	s6 =	sshll.u32 s28, $0x1;
	[dreg:$0x2] =	wrdreg s5  }
0xab: {  	[dreg:$0x3] =	wrdreg s6  }
0xac: {  	[dreg:$0x4] =	wrdreg $0xC0  }
0xad: {  	_ =	task [dreg:s9], $0x5FFFF  }
0xae: {  	[dreg:$0x1] =	wrdreg $0xFFFFFFFF  }
0xaf: {  	[dreg:$0x0] =	wrdreg $0x60  }
0xb0: {  	[dreg:$0x2] =	wrdreg s2  }
0xb1: {  	[dreg:$0x3] =	wrdreg s19  }
0xb2: {  	[dreg:$0x4] =	wrdreg s4  }
0xb3: {  	[dreg:$0x5] =	wrdreg $0x9  }
0xb4: {  	_ =	task.clear_ibuf [dreg:s9], $0x6FFFF;
	_ =	strace $0x90000046  }
0xb5: {  	s29 =	simm.s32 $0x9;
	_ =	strace $0x80000048  }
0xb6: {  	_ =	swait.ge [sflag:s29], $0x1  }
0xb7: {  	[sflag:s29] =	ssyncadd.s32 $0xFFFFFFFF  }
0xb8: {  	_ =	strace $0x90000048  }
0xb9: {  	_ =	sfence  }
0xba: {  	s30 =	sld [smem:$0x0];
	_ =	sdelay $0x2  }
0xbb: {  	s31 =	sshll.u32 s1, $0xD;
	s1 =	sshrl.u32 s1, $0x2  }
0xbc: {  	s3 =	sand.u32 $0x4000, s31;
	s1 =	sadd.s32 s1, s30  }
0xbd: {  	s0 =	sor.u32 s3, s0;
	s1 =	sshll.u32 s1, $0x11  }
0xbe: {  	s0 =	sor.u32 s1, s0  }
0xbf: {  	s0 =	sadd.s32 $0x8F2B, s0  }
0xc0: {  	[sflag:s0] =	ssyncadd.remote.s32 $0x1  }
0xc1: {  	_ =	sfence.sel $0xFFFF  }
0xc2: {  	[dreg:$0x0] =	wrdreg $0xFFFFFFFF;
	(pc) =	sbr.abs _section_cstart, $3  }
0xc3: {  	[dreg:$0x1] =	wrdreg $0xFFFFFFFF  }
0xc4: {  	_ =	task.clear_ibuf [dreg:s9], $0x2FFFF;
	_ =	strace $0x9FFFFFFF  }
0xc5: {  	(tm) =	ssettm $0x7FFFFFFF  }
tec
execute0_lowered:
.L_overlay_start_1:
0x0: {  	(tag) =	ssettag $0x1  }
0x1: {  	v0 =	vlaneseq.u32;
	v18 =	vimm.s32 $0x1380;
	vm0 =	vcmask $0x300  }
0x2: {  	v19 =	vimm.s32 $0x3380;
	vm1 =	vcmask $0x704;
	vm15 =	vcmask $0xB08  }
0x3: {  	vm4 =	vcmask $0xF0C;
	vm5 =	vcmask $0x1310;
	vm6 =	vcmask $0x1714  }
0x4: {  	vm7 =	vcmask $0x1B18;
	vm8 =	vcmask $0x1F1C;
	vm9 =	vcmask $0x2320  }
0x5: {  	vm10 =	vcmask $0x2724;
	vm11 =	vcmask $0x2B28;
	vm12 =	vcmask $0x2F2C  }
0x6: {  	vm13 =	vcmask $0x3330;
	v1 =	vmul.u32 $0x80, v0;
	v18 =	vsel vm0, $0x0, v18  }
0x7: {  	vm14 =	vcmask $0x3734;
	v19 =	vsel vm0, $0x2000, v19;
	v18 =	vsel vm1, $0x80, v18  }
0x8: {  	v19 =	vsel vm1, $0x2080, v19;
	v2 =	vor.u32 $0x17800, v1;
	v3 =	vor.u32 $0x17000, v1  }
0x9: {  	v4 =	vor.u32 $0x16800, v1;
	v5 =	vor.u32 $0x16000, v1;
	v6 =	vor.u32 $0x15800, v1  }
0xa: {  	v7 =	vor.u32 $0x15000, v1;
	v8 =	vor.u32 $0x14800, v1;
	v9 =	vor.u32 $0x14000, v1  }
0xb: {  	s1 =	rddreg [dreg:$0x0];
	v10 =	vor.u32 $0x13800, v1;
	v11 =	vor.u32 $0x13000, v1;
	v12 =	vor.u32 $0x12800, v1  }
0xc: {  	s0 =	rddreg [dreg:$0x1];
	s2 =	srdreg.scid;
	v13 =	vor.u32 $0x12000, v1;
	v14 =	vor.u32 $0x11800, v1;
	v15 =	vor.u32 $0x11000, v1  }
0xd: {  	s3 =	rddreg [dreg:$0x2];
	s4 =	stileid.u32;
	v16 =	vor.u32 $0x10800, v1;
	v17 =	vor.u32 $0x10000, v1;
	v18 =	vsel vm15, $0x100, v18  }
0xe: {  	s6 =	simm.s32 $0x0;
	s7 =	simm.s32 $0x400;
	s9 =	simm.s32 $0x7A1400;
	v19 =	vsel vm15, $0x2100, v19;
	vm15 =	vcmask $0x3B38;
	v20 =	vor.u32 $0xF800, v1  }
0xf: {  	s8 =	simm.s32 $0x4;
	s10 =	simm.s32 $0x280;
	s11 =	simm.s32 $0x1280;
	v21 =	vor.u32 $0xF000, v1;
	v22 =	vor.u32 $0xE800, v1;
	v23 =	vor.u32 $0xE000, v1  }
0x10: {  	s12 =	simm.s32 $0x2280;
	s13 =	simm.s32 $0x3280;
	s14 =	simm.s32 $0x4280;
	v24 =	vor.u32 $0xD800, v1;
	v18 =	vsel vm4, $0x180, v18;
	v19 =	vsel vm4, $0x2180, v19  }
0x11: {  	s15 =	simm.s32 $0x5280;
	s16 =	simm.s32 $0x6280;
	s17 =	simm.s32 $0x7280;
	v25 =	vor.u32 $0xD000, v1;
	v18 =	vsel vm5, $0x200, v18;
	v19 =	vsel vm5, $0x2200, v19  }
0x12: {  	s18 =	simm.s32 $0x8280;
	s19 =	simm.s32 $0x9280;
	s20 =	simm.s32 $0xA280;
	v26 =	vor.u32 $0xC800, v1;
	v18 =	vsel vm6, $0x280, v18;
	v19 =	vsel vm6, $0x2280, v19  }
0x13: {  	s21 =	simm.s32 $0xB280;
	s22 =	simm.s32 $0xC280;
	s23 =	simm.s32 $0xD280;
	v27 =	vor.u32 $0xC000, v1;
	v18 =	vsel vm7, $0x300, v18;
	v19 =	vsel vm7, $0x2300, v19  }
0x14: {  	s24 =	simm.s32 $0xE280;
	s28 =	simm.s32 $0x15280;
	s29 =	simm.s32 $0x16280;
	v28 =	vor.u32 $0xB800, v1;
	v18 =	vsel vm8, $0x380, v18;
	v19 =	vsel vm8, $0x2380, v19  }
0x15: {  	s2 =	sand.u32 $0x1, s2;
	s4 =	sshll.u32 s4, $0xA;
	[smem:$0x7FF] =	sst s6;
	v29 =	vor.u32 $0xB000, v1;
	v18 =	vsel vm9, $0x1000, v18;
	v19 =	vsel vm9, $0x3000, v19  }
0x16: {  	s5 =	sshll.u32 s2, $0x9;
	s2 =	ssub.s32 $0x2, s2;
	_ =	strace $0x80000047;
	v30 =	vor.u32 $0xA800, v1;
	v18 =	vsel vm10, $0x1080, v18;
	v19 =	vsel vm10, $0x3080, v19  }
.Ltmp0:
0x17: {  	s4 =	sor.u32 s5, s4;
	s25 =	sshrl.u32 s2, $0x1;
	v31 =	vor.u32 $0xA000, v1;
	v18 =	vsel vm11, $0x1100, v18;
	v19 =	vsel vm11, $0x3100, v19;
	(pc) =	sbr.rel .LBB2_1-.Ltmp0, $4  }
0x18: {  	v32 =	vor.u32 $0x9800, v1;
	s5 =	simm.s32 $0x0;
	s26 =	sshrl.u32 s4, $0x3;
	s30 =	sadd.s32 s3, s4;
	v18 =	vsel vm12, $0x1180, v18;
	v19 =	vsel vm12, $0x3180, v19  }
0x19: {  	v33 =	vor.u32 $0x9000, v1;
	s2 =	ssub.s32 s2, s25;
	s1 =	sadd.s32 s1, s26;
	[dreg:$0x5] =	wrdreg s30;
	v18 =	vsel vm13, $0x1200, v18;
	v19 =	vsel vm13, $0x3200, v19  }
0x1a: {  	v34 =	vor.u32 $0x8800, v1;
	s25 =	simm.s32 $0xF280;
	s31 =	smax.u32 s2, $0x1;
	[dreg:$0x4] =	wrdreg s1;
	v18 =	vsel vm14, $0x1280, v18;
	v19 =	vsel vm14, $0x3280, v19  }
0x1b: {  	v35 =	vor.u32 $0x8000, v1;
	s4 =	simm.s32 $0x17280;
	s26 =	simm.s32 $0x18280;
	[dreg:$0x6] =	wrdreg s31;
	v18 =	vsel vm15, $0x1300, v18;
	v19 =	vsel vm15, $0x3300, v19  }
.LBB2_10:
0x1c: {  	s1 =	rddreg [dreg:$0x5];
	s2 =	simm.s32 $0x1000;
	s6 =	simm.s32 $0x20000  }
0x1d: {  	[hbm4b:s1+s2] =	stream.strided.scatter [tilespmem:s26], [sflag:$0x4], $0x4000, s6, s2, $0x38;
	[tilespmem:$0x1C280] =	vst v63  }
0x1e: {  	_ =	swait.ge [sflag:s8], $0x4000  }
0x1f: {  	s5 =	sadd.s32 $0x1, s5;
	s31 =	rddreg [dreg:$0x6]  }
0x20: {  	p0 =	sne.s32 s5, s31  }
.Ltmp1:
0x21: {  	_ = 	snop;
	(pc) =	sbr.rel @!p0 .LBB2_11-.Ltmp1, $3  }
0x22: {  	_ =	sdelay $0x1  }
0x23: {  	[sflag:s8] =	ssyncset.done $0x0  }
0x24: {  	[sflag:s8] =	ssyncadd.s32 $0xFFFFC000  }
.LBB2_1:
0x25: {  	s1 =	simm.s32 $0x0;
	s2 =	rddreg [dreg:$0x4]  }
0x26: {  	[tilespmem:s1], [sflag:$0x4] =	stream.linear.gather [hbm4b:s2+s1], $0x200, $0x38;
	[tilespmem:$0x1C280] =	vst v63  }
0x27: {  	_ =	swait.ge [sflag:s8], $0x200  }
0x28: {  	[sflag:s8] =	ssyncset.done $0x0  }
0x29: {  	[sflag:s8] =	ssyncadd.s32 $0xFFFFFE00  }
0x2a: {  	v36 =	vld [tilespmem:$0x0];
	_ =	sdelay $0x4  }
0x2b: {  	(v2sf) =	vpush v36, $0x0;
	_ =	sdelay $0x1  }
0x2c: {  	(v2sf) =	vpush v36, $0x1;
	_ =	sdelay $0x1  }
0x2d: {  	(v2sf) =	vpush v36, $0x2;
	_ =	sdelay $0x5  }
0x2e: {  	(v2sf) =	vpush v36, $0x3;
	_ =	sdelay $0x4  }
0x2f: {  	s3 =	spop (v2sf);
	(v2sf) =	vpush v36, $0x4;
	_ =	sdelay $0x1  }
0x30: {  	s6 =	spop (v2sf);
	(v2sf) =	vpush v36, $0x5  }
0x31: {  	s2 =	sand.u32 $0xFFFFF80, s3  }
0x32: {  	s2 =	sadd.s32 s0, s2;
	s1 =	spop (v2sf)  }
0x33: {  	(v2sf) =	vpush v36, $0x6;
	[tilespmem:s10], [sflag:$0x1] =	stream.strided.gather [hbm4b:s2+s7], $0x1000, s9, s7, $0x38;
	[tilespmem:$0x1C280] =	vst v63  }
0x34: {  	s2 =	sand.u32 $0xFFFFF80, s6  }
0x35: {  	s2 =	sadd.s32 s0, s2  }
0x36: {  	(v2sf) =	vpush v36, $0x7;
	[tilespmem:s11], [sflag:$0x1] =	stream.strided.gather [hbm4b:s2+s7], $0x1000, s9, s7, $0x38;
	[tilespmem:$0x1C280] =	vst v63  }
0x37: {  	s2 =	sand.u32 $0xFFFFF80, s1  }
0x38: {  	s3 =	spop (v2sf);
	s2 =	sadd.s32 s0, s2  }
0x39: {  	[tilespmem:s12], [sflag:$0x1] =	stream.strided.gather [hbm4b:s2+s7], $0x1000, s9, s7, $0x38;
	[tilespmem:$0x1C280] =	vst v63  }
0x3a: {  	s2 =	sand.u32 $0xFFFFF80, s3  }
0x3b: {  	s2 =	sadd.s32 s0, s2  }
0x3c: {  	[tilespmem:s13], [sflag:$0x1] =	stream.strided.gather [hbm4b:s2+s7], $0x1000, s9, s7, $0x38;
	[tilespmem:$0x1C280] =	vst v63  }
0x3d: {  	s6 =	spop (v2sf)  }
0x3e: {  	s2 =	sand.u32 $0xFFFFF80, s6  }
0x3f: {  	s1 =	spop (v2sf);
	s2 =	sadd.s32 s0, s2  }
0x40: {  	[tilespmem:s14], [sflag:$0x1] =	stream.strided.gather [hbm4b:s2+s7], $0x1000, s9, s7, $0x38;
	[tilespmem:$0x1C280] =	vst v63  }
0x41: {  	s2 =	sand.u32 $0xFFFFF80, s1  }
0x42: {  	s3 =	spop (v2sf);
	s2 =	sadd.s32 s0, s2  }
0x43: {  	[tilespmem:s15], [sflag:$0x1] =	stream.strided.gather [hbm4b:s2+s7], $0x1000, s9, s7, $0x38;
	[tilespmem:$0x1C280] =	vst v63  }
0x44: {  	s2 =	sand.u32 $0xFFFFF80, s3  }
0x45: {  	s6 =	spop (v2sf);
	s2 =	sadd.s32 s0, s2  }
0x46: {  	[tilespmem:s16], [sflag:$0x1] =	stream.strided.gather [hbm4b:s2+s7], $0x1000, s9, s7, $0x38;
	[tilespmem:$0x1C280] =	vst v63  }
0x47: {  	s2 =	sand.u32 $0xFFFFF80, s6  }
0x48: {  	s2 =	sadd.s32 s0, s2  }
0x49: {  	[tilespmem:s17], [sflag:$0x1] =	stream.strided.gather [hbm4b:s2+s7], $0x1000, s9, s7, $0x38;
	[tilespmem:$0x1C280] =	vst v63  }
0x4a: {  	v63 =	vld [tilespmem:$0x8];
	_ =	sdelay $0x4  }
0x4b: {  	(v2sf) =	vpush v63, $0x0  }
0x4c: {  	(v2sf) =	vpush v63, $0x1;
	_ =	sdelay $0x1  }
0x4d: {  	(v2sf) =	vpush v63, $0x2;
	_ =	sdelay $0x4  }
0x4e: {  	(v2sf) =	vpush v63, $0x3  }
0x4f: {  	(v2sf) =	vpush v63, $0x4;
	_ =	sdelay $0x5  }
0x50: {  	s1 =	spop (v2sf);
	(v2sf) =	vpush v63, $0x5  }
0x51: {  	s3 =	spop (v2sf);
	(v2sf) =	vpush v63, $0x6  }
0x52: {  	s2 =	sand.u32 $0xFFFFF80, s1  }
0x53: {  	s2 =	sadd.s32 s0, s2;
	s6 =	spop (v2sf)  }
0x54: {  	(v2sf) =	vpush v63, $0x7;
	[tilespmem:s18], [sflag:$0x2] =	stream.strided.gather [hbm4b:s2+s7], $0x1000, s9, s7, $0x38;
	[tilespmem:$0x1C280] =	vst v63  }
0x55: {  	s2 =	sand.u32 $0xFFFFF80, s3  }
0x56: {  	s2 =	sadd.s32 s0, s2  }
0x57: {  	[tilespmem:s19], [sflag:$0x2] =	stream.strided.gather [hbm4b:s2+s7], $0x1000, s9, s7, $0x38;
	[tilespmem:$0x1C280] =	vst v63  }
0x58: {  	s2 =	sand.u32 $0xFFFFF80, s6;
	s6 =	spop (v2sf)  }
0x59: {  	s2 =	sadd.s32 s0, s2;
	s1 =	sand.u32 $0xFFFFF80, s6;
	s3 =	spop (v2sf)  }
0x5a: {  	[tilespmem:s20], [sflag:$0x2] =	stream.strided.gather [hbm4b:s2+s7], $0x1000, s9, s7, $0x38;
	[tilespmem:$0x1C280] =	vst v63  }
0x5b: {  	s2 =	sadd.s32 s0, s1;
	s1 =	sand.u32 $0xFFFFF80, s3  }
0x5c: {  	[tilespmem:s21], [sflag:$0x2] =	stream.strided.gather [hbm4b:s2+s7], $0x1000, s9, s7, $0x38;
	[tilespmem:$0x1C280] =	vst v63  }
0x5d: {  	s2 =	sadd.s32 s0, s1  }
0x5e: {  	[tilespmem:s22], [sflag:$0x2] =	stream.strided.gather [hbm4b:s2+s7], $0x1000, s9, s7, $0x38;
	[tilespmem:$0x1C280] =	vst v63  }
0x5f: {  	s3 =	spop (v2sf)  }
0x60: {  	s6 =	sand.u32 $0xFFFFF80, s3;
	s1 =	spop (v2sf)  }
0x61: {  	s2 =	sadd.s32 s0, s6;
	s3 =	sand.u32 $0xFFFFF80, s1  }
0x62: {  	[tilespmem:s23], [sflag:$0x2] =	stream.strided.gather [hbm4b:s2+s7], $0x1000, s9, s7, $0x38;
	[tilespmem:$0x1C280] =	vst v63  }
.Ltmp2:
0x63: {  	s6 =	spop (v2sf);
	s2 =	sadd.s32 s0, s3;
	(pc) =	sbr.rel .LBB2_2-.Ltmp2, $4  }
0x64: {  	[tilespmem:s24], [sflag:$0x2] =	stream.strided.gather [hbm4b:s2+s7], $0x1000, s9, s7, $0x38;
	[tilespmem:$0x1C280] =	vst v63  }
0x65: {  	s30 =	simm.s32 $0x10;
	s2 =	sand.u32 $0xFFFFF80, s6  }
0x66: {  	s31 =	simm.s32 $0x0;
	s6 =	simm.s32 $0x7;
	s2 =	sadd.s32 s0, s2  }
0x67: {  	[tilespmem:s25], [sflag:$0x2] =	stream.strided.gather [hbm4b:s2+s7], $0x1000, s9, s7, $0x38;
	[tilespmem:$0x1C280] =	vst v63  }
.LBB2_8:
0x68: {  	p0 =	sgt.u32 s31, $0x3D  }
0x69: {  	v36 =	vld @!p0 [tilespmem:s30+$0x0];
	_ =	sdelay $0x4  }
0x6a: {  	(v2sf) =	vpush @!p0 v36, $0x0;
	_ =	sdelay $0x3  }
0x6b: {  	(v2sf) =	vpush @!p0 v36, $0x1;
	_ =	sdelay $0x3  }
0x6c: {  	(v2sf) =	vpush @!p0 v36, $0x2;
	_ =	sdelay $0x3  }
0x6d: {  	(v2sf) =	vpush @!p0 v36, $0x3;
	_ =	sdelay $0x2  }
0x6e: {  	s1 =	spop @!p0 (v2sf)  }
0x6f: {  	(v2sf) =	vpush @!p0 v36, $0x4;
	s1 =	sand.u32 @!p0 $0xFFFFF80, s1  }
0x70: {  	s1 =	sadd.s32 @!p0 s0, s1  }
0x71: {  	[tilespmem:s18], [sflag:$0x2] =	stream.strided.gather @!p0 [hbm4b:s1+s7], $0x1000, s9, s7, $0x38;
	[tilespmem:$0x1C280] =	vst v63  }
0x72: {  	s1 =	spop @!p0 (v2sf)  }
0x73: {  	(v2sf) =	vpush @!p0 v36, $0x5;
	s1 =	sand.u32 @!p0 $0xFFFFF80, s1  }
0x74: {  	s1 =	sadd.s32 @!p0 s0, s1  }
0x75: {  	[tilespmem:s19], [sflag:$0x2] =	stream.strided.gather @!p0 [hbm4b:s1+s7], $0x1000, s9, s7, $0x38;
	[tilespmem:$0x1C280] =	vst v63  }
0x76: {  	s1 =	spop @!p0 (v2sf)  }
0x77: {  	(v2sf) =	vpush @!p0 v36, $0x6;
	s1 =	sand.u32 @!p0 $0xFFFFF80, s1  }
0x78: {  	s1 =	sadd.s32 @!p0 s0, s1  }
0x79: {  	[tilespmem:s20], [sflag:$0x2] =	stream.strided.gather @!p0 [hbm4b:s1+s7], $0x1000, s9, s7, $0x38;
	[tilespmem:$0x1C280] =	vst v63  }
0x7a: {  	s1 =	spop @!p0 (v2sf)  }
0x7b: {  	(v2sf) =	vpush @!p0 v36, $0x7;
	s1 =	sand.u32 @!p0 $0xFFFFF80, s1  }
0x7c: {  	s1 =	sadd.s32 @!p0 s0, s1  }
0x7d: {  	[tilespmem:s21], [sflag:$0x2] =	stream.strided.gather @!p0 [hbm4b:s1+s7], $0x1000, s9, s7, $0x38;
	[tilespmem:$0x1C280] =	vst v63  }
0x7e: {  	s1 =	spop @!p0 (v2sf)  }
0x7f: {  	s1 =	sand.u32 @!p0 $0xFFFFF80, s1  }
0x80: {  	s1 =	sadd.s32 @!p0 s0, s1  }
0x81: {  	[tilespmem:s22], [sflag:$0x2] =	stream.strided.gather @!p0 [hbm4b:s1+s7], $0x1000, s9, s7, $0x38;
	[tilespmem:$0x1C280] =	vst v63  }
0x82: {  	s1 =	spop @!p0 (v2sf)  }
0x83: {  	s1 =	sand.u32 @!p0 $0xFFFFF80, s1  }
0x84: {  	s1 =	sadd.s32 @!p0 s0, s1  }
0x85: {  	[tilespmem:s23], [sflag:$0x2] =	stream.strided.gather @!p0 [hbm4b:s1+s7], $0x1000, s9, s7, $0x38;
	[tilespmem:$0x1C280] =	vst v63  }
0x86: {  	s1 =	spop @!p0 (v2sf)  }
0x87: {  	s1 =	sand.u32 @!p0 $0xFFFFF80, s1  }
0x88: {  	s1 =	sadd.s32 @!p0 s0, s1  }
0x89: {  	[tilespmem:s24], [sflag:$0x2] =	stream.strided.gather @!p0 [hbm4b:s1+s7], $0x1000, s9, s7, $0x38;
	[tilespmem:$0x1C280] =	vst v63  }
0x8a: {  	v46 =	vmov v17;
	s1 =	spop @!p0 (v2sf)  }
0x8b: {  	v51 =	vmovc v16;
	v49 =	vmovc v15;
	v50 =	vmov v14;
	v47 =	vmov v13;
	v48 =	vmov v12;
	s1 =	sand.u32 @!p0 $0xFFFFF80, s1  }
0x8c: {  	s2 =	simm.s32 $0x3;
	v44 =	vmovc v11;
	v45 =	vmovc v10;
	v42 =	vmov v9;
	v43 =	vmov v8;
	v40 =	vmov v7;
	s1 =	sadd.s32 @!p0 s0, s1  }
0x8d: {  	v41 =	vmovc v6;
	v39 =	vmovc v5;
	v38 =	vmov v4;
	v37 =	vmov v2;
	v36 =	vmov v3;
	[tilespmem:s25], [sflag:$0x2] =	stream.strided.gather @!p0 [hbm4b:s1+s7], $0x1000, s9, s7, $0x38;
	[tilespmem:$0x1C280] =	vst v63  }
.LBB2_9:
0x8e: {  	_ =	swait.ge [sflag:s2], $0x1000  }
0x8f: {  	[sflag:s2] =	ssyncset.done $0x0  }
0x90: {  	[sflag:s2] =	ssyncadd.s32 $0xFFFFF000  }
0x91: {  	_ =	swait.ge [sflag:s2], $0x1000  }
0x92: {  	[sflag:s2] =	ssyncset.done $0x0  }
0x93: {  	[sflag:s2] =	ssyncadd.s32 $0xFFFFF000  }
0x94: {  	_ =	swait.ge [sflag:s2], $0x1000  }
0x95: {  	[sflag:s2] =	ssyncset.done $0x0  }
0x96: {  	[sflag:s2] =	ssyncadd.s32 $0xFFFFF000  }
0x97: {  	_ =	swait.ge [sflag:s2], $0x1000  }
0x98: {  	[sflag:s2] =	ssyncset.done $0x0  }
0x99: {  	[sflag:s2] =	ssyncadd.s32 $0xFFFFF000  }
0x9a: {  	_ =	swait.ge [sflag:s2], $0x1000  }
0x9b: {  	[sflag:s2] =	ssyncset.done $0x0  }
0x9c: {  	[sflag:s2] =	ssyncadd.s32 $0xFFFFF000  }
0x9d: {  	_ =	swait.ge [sflag:s2], $0x1000  }
0x9e: {  	[sflag:s2] =	ssyncset.done $0x0  }
0x9f: {  	[sflag:s2] =	ssyncadd.s32 $0xFFFFF000  }
0xa0: {  	_ =	swait.ge [sflag:s2], $0x1000  }
0xa1: {  	[sflag:s2] =	ssyncset.done $0x0  }
0xa2: {  	[sflag:s2] =	ssyncadd.s32 $0xFFFFF000  }
0xa3: {  	_ =	swait.ge [sflag:s2], $0x1000  }
0xa4: {  	[sflag:s2] =	ssyncset.done $0x0  }
0xa5: {  	[sflag:s2] =	ssyncadd.s32 $0xFFFFF000  }
0xa6: {  	v52 =	vld [tilespmem:s30+$0xFFFFFFF0];
	_ =	sdelay $0x4  }
0xa7: {  	v52 =	vand.u32 $0x7F, v52  }
0xa8: {  	v53 =	vbroadcast v52, $0x0;
	_ =	sdelay $0x1  }
0xa9: {  	s1 =	sadd.s32 $0xFFFFFFF9, s6;
	v46 =	vor.u32 v46, v53  }
0xaa: {  	v54 =	vmov s1;
	v51 =	vor.u32 v51, v53  }
0xab: {  	v57 =	vshll.u32 v54, $0x3  }
0xac: {  	v54 =	vand.u32 $0x78, v54;
	v53 =	vand.u32 $0xC00, v57  }
0xad: {  	v53 =	vor.u32 v54, v53  }
0xae: {  	v55 =	vbroadcast v52, $0x1;
	v54 =	vor.u32 v18, v53;
	v46 =	vld.idx.msk [tilespmem:v46+s10+$0x0], $0xffff  }
0xaf: {  	v53 =	vor.u32 v19, v53;
	v51 =	vld.idx.msk [tilespmem:v51+s10+$0x0], $0xffff  }
0xb0: {  	s2 =	sadd.s32 $0xFFFFFFFA, s6;
	v49 =	vor.u32 v49, v55  }
0xb1: {  	v56 =	vmov s2;
	v50 =	vor.u32 v50, v55  }
0xb2: {  	v58 =	vshll.u32 v56, $0x3  }
0xb3: {  	v59 =	vand.u32 $0x79, v56;
	v60 =	vand.u32 $0xC00, v58;
	[tilespmem:v54+s26+$0x0] =	vst.idx.msk $0xffff, v46  }
0xb4: {  	v46 =	vor.u32 v59, v60;
	[tilespmem:v53+s26+$0x0] =	vst.idx.msk $0xffff, v51  }
0xb5: {  	v62 =	vbroadcast v52, $0x2;
	v61 =	vor.u32 v18, v46;
	v49 =	vld.idx.msk [tilespmem:v49+s10+$0x0], $0xffff  }
0xb6: {  	v46 =	vor.u32 v19, v46;
	v50 =	vld.idx.msk [tilespmem:v50+s10+$0x0], $0xffff  }
0xb7: {  	s3 =	sadd.s32 $0xFFFFFFFB, s6;
	v47 =	vor.u32 v47, v62  }
0xb8: {  	v63 =	vmov s3;
	v48 =	vor.u32 v48, v62  }
0xb9: {  	v56 =	vshll.u32 v63, $0x3  }
0xba: {  	v58 =	vand.u32 $0xC00, v56;
	v57 =	vand.u32 $0x7A, v63;
	[tilespmem:v61+s26+$0x0] =	vst.idx.msk $0xffff, v49  }
0xbb: {  	v59 =	vor.u32 v57, v58;
	[tilespmem:v46+s26+$0x0] =	vst.idx.msk $0xffff, v50  }
0xbc: {  	v60 =	vbroadcast v52, $0x3;
	v49 =	vor.u32 v18, v59;
	v47 =	vld.idx.msk [tilespmem:v47+s10+$0x0], $0xffff  }
0xbd: {  	v46 =	vor.u32 v19, v59;
	v48 =	vld.idx.msk [tilespmem:v48+s10+$0x0], $0xffff  }
0xbe: {  	s2 =	sadd.s32 $0xFFFFFFFC, s6;
	v44 =	vor.u32 v44, v60  }
0xbf: {  	v45 =	vor.u32 v45, v60;
	v61 =	vmov s2  }
0xc0: {  	v62 =	vshll.u32 v61, $0x3  }
0xc1: {  	v63 =	vand.u32 $0x7B, v61;
	v53 =	vand.u32 $0xC00, v62;
	[tilespmem:v49+s26+$0x0] =	vst.idx.msk $0xffff, v47  }
0xc2: {  	v54 =	vor.u32 v63, v53;
	[tilespmem:v46+s26+$0x0] =	vst.idx.msk $0xffff, v48  }
0xc3: {  	v55 =	vbroadcast v52, $0x4;
	v47 =	vor.u32 v18, v54;
	v44 =	vld.idx.msk [tilespmem:v44+s10+$0x0], $0xffff  }
0xc4: {  	v46 =	vor.u32 v19, v54;
	v45 =	vld.idx.msk [tilespmem:v45+s10+$0x0], $0xffff  }
0xc5: {  	s3 =	sadd.s32 $0xFFFFFFFD, s6;
	v42 =	vor.u32 v42, v55  }
0xc6: {  	v56 =	vmov s3;
	v43 =	vor.u32 v43, v55  }
0xc7: {  	v57 =	vshll.u32 v56, $0x3  }
0xc8: {  	v58 =	vand.u32 $0x7C, v56;
	v59 =	vand.u32 $0xC00, v57;
	[tilespmem:v47+s26+$0x0] =	vst.idx.msk $0xffff, v44  }
0xc9: {  	v44 =	vor.u32 v58, v59;
	[tilespmem:v46+s26+$0x0] =	vst.idx.msk $0xffff, v45  }
0xca: {  	v61 =	vbroadcast v52, $0x5;
	v60 =	vor.u32 v18, v44;
	v42 =	vld.idx.msk [tilespmem:v42+s10+$0x0], $0xffff  }
0xcb: {  	v44 =	vor.u32 v19, v44;
	v43 =	vld.idx.msk [tilespmem:v43+s10+$0x0], $0xffff  }
0xcc: {  	s2 =	sadd.s32 $0xFFFFFFFE, s6;
	v40 =	vor.u32 v40, v61  }
0xcd: {  	v62 =	vmov s2;
	v41 =	vor.u32 v41, v61  }
0xce: {  	v63 =	vshll.u32 v62, $0x3  }
0xcf: {  	v49 =	vand.u32 $0xC00, v63;
	v48 =	vand.u32 $0x7D, v62;
	[tilespmem:v60+s26+$0x0] =	vst.idx.msk $0xffff, v42  }
0xd0: {  	v42 =	vor.u32 v48, v49;
	[tilespmem:v44+s26+$0x0] =	vst.idx.msk $0xffff, v43  }
0xd1: {  	v51 =	vbroadcast v52, $0x6;
	v50 =	vor.u32 v18, v42;
	v40 =	vld.idx.msk [tilespmem:v40+s10+$0x0], $0xffff  }
0xd2: {  	v42 =	vor.u32 v19, v42;
	v41 =	vld.idx.msk [tilespmem:v41+s10+$0x0], $0xffff  }
0xd3: {  	s3 =	sadd.s32 $0xFFFFFFFF, s6;
	v39 =	vor.u32 v39, v51  }
0xd4: {  	v38 =	vor.u32 v38, v51;
	v53 =	vmov s3  }
0xd5: {  	v54 =	vshll.u32 v53, $0x3  }
0xd6: {  	v55 =	vand.u32 $0x7E, v53;
	v56 =	vand.u32 $0xC00, v54;
	[tilespmem:v50+s26+$0x0] =	vst.idx.msk $0xffff, v40  }
0xd7: {  	v40 =	vor.u32 v55, v56;
	[tilespmem:v42+s26+$0x0] =	vst.idx.msk $0xffff, v41  }
0xd8: {  	v58 =	vbroadcast v52, $0x7;
	v57 =	vor.u32 v18, v40;
	v39 =	vld.idx.msk [tilespmem:v39+s10+$0x0], $0xffff  }
0xd9: {  	v40 =	vor.u32 v19, v40;
	v38 =	vld.idx.msk [tilespmem:v38+s10+$0x0], $0xffff  }
0xda: {  	v36 =	vor.u32 v36, v58  }
0xdb: {  	v59 =	vmov s6;
	v37 =	vor.u32 v37, v58  }
0xdc: {  	v60 =	vshll.u32 v59, $0x3  }
0xdd: {  	v61 =	vand.u32 $0x7F, v59;
	v62 =	vand.u32 $0xC00, v60;
	[tilespmem:v57+s26+$0x0] =	vst.idx.msk $0xffff, v39  }
0xde: {  	v63 =	vor.u32 v61, v62;
	[tilespmem:v40+s26+$0x0] =	vst.idx.msk $0xffff, v38  }
0xdf: {  	s6 =	sadd.s32 $0x8, s6;
	v39 =	vor.u32 v18, v63;
	v36 =	vld.idx.msk [tilespmem:v36+s10+$0x0], $0xffff  }
0xe0: {  	p0 =	sne.s32 s6, $0x207;
	v38 =	vor.u32 v19, v63;
	v37 =	vld.idx.msk [tilespmem:v37+s10+$0x0], $0xffff  }
.Ltmp3:
0xe1: {  	_ = 	snop;
	(pc) =	sbr.rel @!p0 .LBB2_10-.Ltmp3, $3  }
0xe2: {  	_ =	sdelay $0x1  }
0xe3: {  	[tilespmem:v39+s26+$0x0] =	vst.idx.msk $0xffff, v36  }
0xe4: {  	s31 =	sadd.s32 $0x1, s31;
	s30 =	sadd.s32 $0x8, s30;
	[tilespmem:v38+s26+$0x0] =	vst.idx.msk $0xffff, v37  }
.LBB2_2:
0xe5: {  	s2 =	smul.u32 $0xAB, s31;
	_ =	sdelay $0x1  }
0xe6: {  	s2 =	sshrl.u32 s2, $0x9  }
0xe7: {  	s2 =	sand.u32 $0x7F, s2  }
0xe8: {  	s2 =	smul.u32 $0x3, s2;
	_ =	sdelay $0x1  }
0xe9: {  	s2 =	ssub.s32 s31, s2  }
0xea: {  	s2 =	sand.u32 $0xFF, s2  }
0xeb: {  	p0 =	seq.s32 s2, $0x2  }
.Ltmp4:
0xec: {  	_ = 	snop;
	(pc) =	sbr.rel @p0 .LBB2_8-.Ltmp4, $1  }
0xed: {  	_ =	sdelay $0x3  }
0xee: {  	p0 =	seq.s32 s2, $0x1  }
.Ltmp5:
0xef: {  	_ = 	snop;
	(pc) =	sbr.rel @!p0 .LBB2_4-.Ltmp5, $1  }
0xf0: {  	_ =	sdelay $0x3  }
0xf1: {  	p0 =	sgt.u32 s31, $0x3D  }
0xf2: {  	v36 =	vld @!p0 [tilespmem:s30+$0x0];
	_ =	sdelay $0x4  }
0xf3: {  	(v2sf) =	vpush @!p0 v36, $0x0;
	_ =	sdelay $0x3  }
0xf4: {  	(v2sf) =	vpush @!p0 v36, $0x1;
	_ =	sdelay $0x3  }
0xf5: {  	(v2sf) =	vpush @!p0 v36, $0x2;
	_ =	sdelay $0x3  }
0xf6: {  	(v2sf) =	vpush @!p0 v36, $0x3;
	_ =	sdelay $0x2  }
0xf7: {  	s1 =	spop @!p0 (v2sf)  }
0xf8: {  	(v2sf) =	vpush @!p0 v36, $0x4;
	s1 =	sand.u32 @!p0 $0xFFFFF80, s1  }
0xf9: {  	s1 =	sadd.s32 @!p0 s0, s1  }
0xfa: {  	[tilespmem:s10], [sflag:$0x1] =	stream.strided.gather @!p0 [hbm4b:s1+s7], $0x1000, s9, s7, $0x38;
	[tilespmem:$0x1C280] =	vst v63  }
0xfb: {  	s1 =	spop @!p0 (v2sf)  }
0xfc: {  	(v2sf) =	vpush @!p0 v36, $0x5;
	s1 =	sand.u32 @!p0 $0xFFFFF80, s1  }
0xfd: {  	s1 =	sadd.s32 @!p0 s0, s1  }
0xfe: {  	[tilespmem:s11], [sflag:$0x1] =	stream.strided.gather @!p0 [hbm4b:s1+s7], $0x1000, s9, s7, $0x38;
	[tilespmem:$0x1C280] =	vst v63  }
0xff: {  	s1 =	spop @!p0 (v2sf)  }
0x100: {  	(v2sf) =	vpush @!p0 v36, $0x6;
	s1 =	sand.u32 @!p0 $0xFFFFF80, s1  }
0x101: {  	s1 =	sadd.s32 @!p0 s0, s1  }
0x102: {  	[tilespmem:s12], [sflag:$0x1] =	stream.strided.gather @!p0 [hbm4b:s1+s7], $0x1000, s9, s7, $0x38;
	[tilespmem:$0x1C280] =	vst v63  }
0x103: {  	s1 =	spop @!p0 (v2sf)  }
0x104: {  	s1 =	sand.u32 @!p0 $0xFFFFF80, s1  }
0x105: {  	(v2sf) =	vpush @!p0 v36, $0x7;
	s1 =	sadd.s32 @!p0 s0, s1  }
0x106: {  	[tilespmem:s13], [sflag:$0x1] =	stream.strided.gather @!p0 [hbm4b:s1+s7], $0x1000, s9, s7, $0x38;
	[tilespmem:$0x1C280] =	vst v63  }
0x107: {  	s1 =	spop @!p0 (v2sf)  }
0x108: {  	s1 =	sand.u32 @!p0 $0xFFFFF80, s1  }
0x109: {  	s1 =	sadd.s32 @!p0 s0, s1  }
0x10a: {  	[tilespmem:s14], [sflag:$0x1] =	stream.strided.gather @!p0 [hbm4b:s1+s7], $0x1000, s9, s7, $0x38;
	[tilespmem:$0x1C280] =	vst v63  }
0x10b: {  	s1 =	spop @!p0 (v2sf)  }
0x10c: {  	s1 =	sand.u32 @!p0 $0xFFFFF80, s1  }
0x10d: {  	s1 =	sadd.s32 @!p0 s0, s1  }
0x10e: {  	[tilespmem:s15], [sflag:$0x1] =	stream.strided.gather @!p0 [hbm4b:s1+s7], $0x1000, s9, s7, $0x38;
	[tilespmem:$0x1C280] =	vst v63  }
0x10f: {  	s1 =	spop @!p0 (v2sf)  }
0x110: {  	s1 =	sand.u32 @!p0 $0xFFFFF80, s1  }
0x111: {  	s1 =	sadd.s32 @!p0 s0, s1  }
0x112: {  	[tilespmem:s16], [sflag:$0x1] =	stream.strided.gather @!p0 [hbm4b:s1+s7], $0x1000, s9, s7, $0x38;
	[tilespmem:$0x1C280] =	vst v63  }
.Ltmp6:
0x113: {  	_ = 	snop;
	(pc) =	sbr.rel .LBB2_9-.Ltmp6, $4  }
0x114: {  	v46 =	vmov v35;
	s1 =	spop @!p0 (v2sf)  }
0x115: {  	v51 =	vmovc v34;
	v49 =	vmovc v33;
	v50 =	vmov v32;
	v47 =	vmov v31;
	v48 =	vmov v30;
	s1 =	sand.u32 @!p0 $0xFFFFF80, s1  }
0x116: {  	s2 =	simm.s32 $0x2;
	v44 =	vmovc v29;
	v45 =	vmovc v28;
	v42 =	vmov v27;
	v43 =	vmov v26;
	v40 =	vmov v25;
	s1 =	sadd.s32 @!p0 s0, s1  }
0x117: {  	v41 =	vmovc v24;
	v39 =	vmovc v23;
	v38 =	vmov v22;
	v37 =	vmov v20;
	v36 =	vmov v21;
	[tilespmem:s17], [sflag:$0x1] =	stream.strided.gather @!p0 [hbm4b:s1+s7], $0x1000, s9, s7, $0x38;
	[tilespmem:$0x1C280] =	vst v63  }
.LBB2_4:
0x118: {  	p0 =	sgt.u32 s31, $0x3D  }
.Ltmp7:
0x119: {  	_ = 	snop;
	(pc) =	sbr.rel @p0 .LBB2_5-.Ltmp7, $2  }
0x11a: {  	_ =	sdelay $0x2  }
0x11b: {  	s2 =	simm.s32 $0x1  }
0x11c: {  	v36 =	vld [tilespmem:s30+$0x0];
	_ =	sdelay $0x4  }
0x11d: {  	(v2sf) =	vpush v36, $0x0;
	_ =	sdelay $0x3  }
0x11e: {  	(v2sf) =	vpush v36, $0x1;
	_ =	sdelay $0x3  }
0x11f: {  	(v2sf) =	vpush v36, $0x2;
	_ =	sdelay $0x3  }
0x120: {  	(v2sf) =	vpush v36, $0x3;
	_ =	sdelay $0x2  }
0x121: {  	s1 =	spop (v2sf)  }
0x122: {  	(v2sf) =	vpush v36, $0x4;
	s1 =	sand.u32 $0xFFFFF80, s1  }
0x123: {  	s3 =	simm.s32 $0x10280;
	s1 =	sadd.s32 s0, s1  }
0x124: {  	[tilespmem:s3], [sflag:$0x3] =	stream.strided.gather [hbm4b:s1+s7], $0x1000, s9, s7, $0x38;
	[tilespmem:$0x1C280] =	vst v63  }
0x125: {  	s3 =	spop (v2sf)  }
0x126: {  	(v2sf) =	vpush v36, $0x5;
	s1 =	sand.u32 $0xFFFFF80, s3  }
0x127: {  	s3 =	simm.s32 $0x11280;
	s1 =	sadd.s32 s0, s1  }
0x128: {  	[tilespmem:s3], [sflag:$0x3] =	stream.strided.gather [hbm4b:s1+s7], $0x1000, s9, s7, $0x38;
	[tilespmem:$0x1C280] =	vst v63  }
0x129: {  	s3 =	spop (v2sf)  }
0x12a: {  	(v2sf) =	vpush v36, $0x6;
	s1 =	sand.u32 $0xFFFFF80, s3  }
0x12b: {  	s3 =	simm.s32 $0x12280;
	s1 =	sadd.s32 s0, s1  }
0x12c: {  	[tilespmem:s3], [sflag:$0x3] =	stream.strided.gather [hbm4b:s1+s7], $0x1000, s9, s7, $0x38;
	[tilespmem:$0x1C280] =	vst v63  }
0x12d: {  	s3 =	spop (v2sf)  }
0x12e: {  	s1 =	sand.u32 $0xFFFFF80, s3  }
0x12f: {  	(v2sf) =	vpush v36, $0x7;
	s3 =	simm.s32 $0x13280;
	s1 =	sadd.s32 s0, s1  }
0x130: {  	[tilespmem:s3], [sflag:$0x3] =	stream.strided.gather [hbm4b:s1+s7], $0x1000, s9, s7, $0x38;
	[tilespmem:$0x1C280] =	vst v63  }
0x131: {  	s3 =	spop (v2sf)  }
0x132: {  	s1 =	sand.u32 $0xFFFFF80, s3  }
0x133: {  	s3 =	simm.s32 $0x14280;
	s1 =	sadd.s32 s0, s1  }
0x134: {  	[tilespmem:s3], [sflag:$0x3] =	stream.strided.gather [hbm4b:s1+s7], $0x1000, s9, s7, $0x38;
	[tilespmem:$0x1C280] =	vst v63  }
0x135: {  	s3 =	spop (v2sf)  }
0x136: {  	s1 =	sand.u32 $0xFFFFF80, s3  }
0x137: {  	s1 =	sadd.s32 s0, s1  }
0x138: {  	[tilespmem:s28], [sflag:$0x3] =	stream.strided.gather [hbm4b:s1+s7], $0x1000, s9, s7, $0x38;
	[tilespmem:$0x1C280] =	vst v63  }
0x139: {  	s3 =	spop (v2sf)  }
0x13a: {  	s1 =	sand.u32 $0xFFFFF80, s3  }
0x13b: {  	v46 =	vmul.u32 $0x80, v0;
	s1 =	sadd.s32 s0, s1  }
0x13c: {  	[tilespmem:s29], [sflag:$0x3] =	stream.strided.gather [hbm4b:s1+s7], $0x1000, s9, s7, $0x38;
	[tilespmem:$0x1C280] =	vst v63  }
.Ltmp8:
0x13d: {  	v37 =	vor.u32 $0x7800, v46;
	v38 =	vor.u32 $0x6800, v46;
	v39 =	vor.u32 $0x6000, v46;
	(pc) =	sbr.rel .LBB2_9-.Ltmp8, $4  }
0x13e: {  	v41 =	vor.u32 $0x5800, v46;
	v40 =	vor.u32 $0x5000, v46;
	v43 =	vor.u32 $0x4800, v46;
	s3 =	spop (v2sf)  }
0x13f: {  	v42 =	vor.u32 $0x4000, v46;
	v45 =	vor.u32 $0x3800, v46;
	v44 =	vor.u32 $0x3000, v46;
	s1 =	sand.u32 $0xFFFFF80, s3  }
0x140: {  	v48 =	vor.u32 $0x2800, v46;
	v47 =	vor.u32 $0x2000, v46;
	v50 =	vor.u32 $0x1800, v46;
	s1 =	sadd.s32 s0, s1  }
0x141: {  	v49 =	vor.u32 $0x1000, v46;
	v51 =	vor.u32 $0x800, v46;
	v36 =	vor.u32 $0x7000, v46;
	[tilespmem:s4], [sflag:$0x3] =	stream.strided.gather [hbm4b:s1+s7], $0x1000, s9, s7, $0x38;
	[tilespmem:$0x1C280] =	vst v63  }
.LBB2_5:
.Ltmp9:
0x142: {  	v37 =	vor.u32 $0x7800, v1;
	v36 =	vor.u32 $0x7000, v1;
	v38 =	vor.u32 $0x6800, v1;
	(pc) =	sbr.rel .LBB2_9-.Ltmp9, $4  }
0x143: {  	v39 =	vor.u32 $0x6000, v1;
	v41 =	vor.u32 $0x5800, v1;
	v40 =	vor.u32 $0x5000, v1  }
0x144: {  	v43 =	vor.u32 $0x4800, v1;
	v42 =	vor.u32 $0x4000, v1;
	v45 =	vor.u32 $0x3800, v1  }
0x145: {  	v44 =	vor.u32 $0x3000, v1;
	v48 =	vor.u32 $0x2800, v1;
	v47 =	vor.u32 $0x2000, v1  }
0x146: {  	v50 =	vor.u32 $0x1800, v1;
	v49 =	vor.u32 $0x1000, v1;
	v51 =	vor.u32 $0x800, v1;
	v46 =	vmovc v1  }
.LBB2_11:
0x147: {  	_ =	sfence.sel $0x180000  }
0x148: {  	[bflag:$0x0] =	sbarrier.arrive $0xFFFF  }
0x149: {  	_ =	strace $0x90000047  }
0x14a: {  	s0 =	stileid.u32;
	[bflag:$0x2] =	sbarrier.arrive $0xFFFF  }
0x14b: {  	p0 =	sne.s32 s0, $0x0;
	s0 =	rddreg [dreg:$0x3]  }
0x14c: {  	s0 =	sadd.s32 @!p0 $0x100000, s0  }
0x14d: {  	[sflag:s0] =	ssyncadd.tile.s32 @!p0 $0x1;
	_ =	shalt  }
.Lfunc_end2:
_tile_overlayer_lowered:
.L_overlay_start_2:
0x14e: {  	(tag) =	ssettag $0x2  }
0x14f: {  	s0 =	rddreg [dreg:$0x0];
	s2 =	stileid.u32  }
0x150: {  	s1 =	rddreg [dreg:$0x1];
	p0 =	sne.s32 s2, $0x0  }
0x151: {  	s3 =	rddreg [dreg:$0x2];
	[bflag:$0x3] =	sbarrier.arrive $0xFFFF;
	s2 =	simm.s32 @!p0 $0x1C04  }
0x152: {  	[timem:s3], [sflag:s2] =	dma.local @!p0 [hbm:s0], s1  }
0x153: {  	s0 =	simm.s32 @!p0 $0x4  }
0x154: {  	_ =	swait.ge @!p0 [sflag:s0], s1  }
0x155: {  	s1 =	ssub.s32 @!p0 $0x0, s1;
	[sflag:s0] =	ssyncset.done @!p0 $0x0  }
0x156: {  	[sflag:s0] =	ssyncadd.s32 @!p0 s1  }
0x157: {  	[bflag:$0x3] =	sbarrier.arrive $0xFFFF  }
0x158: {  	_ =	shalt  }

</sc_bundles>
